<compile_context>
chip_gen: v7x
topology: tpu7x:2x2x1
jax: 0.10.2.dev20260603
libtpu: 0.0.44.dev20260713+nightly
codegen_flags: <defaults>
</compile_context>

<pallas_src>
import functools

import jax
import jax.numpy as jnp
from jax import lax
from jax.experimental import pallas as pl
from jax.experimental.pallas import tpu as pltpu
from jax.experimental.pallas import tpu_sc as plsc

N_NODES = 10000
N_PAD = 10240
N_EDGES = 320000
IN_CH = 128
NC = 2
NS = 16
NW = NC * NS
WIN = 128
NWIN = 80
EPW = NWIN * WIN
RPT = N_PAD // NS

_MESH = plsc.VectorSubcoreMesh(core_axis_name="c", subcore_axis_name="s")


def _dot_b3(a, b):
    ah = a.astype(jnp.bfloat16)
    al = (a - ah.astype(jnp.float32)).astype(jnp.bfloat16)
    bh = b.astype(jnp.bfloat16)
    bl = (b - bh.astype(jnp.float32)).astype(jnp.bfloat16)
    d = lambda u, v: jnp.dot(u, v, preferred_element_type=jnp.float32)
    return d(ah, bh) + d(ah, bl) + d(al, bh)


def _sc_degree(e4):

    @functools.partial(
        pl.kernel,
        out_type=jax.ShapeDtypeStruct((NC, N_PAD), jnp.float32),
        mesh=_MESH,
        scratch_types=[
            pltpu.VMEM_SHARED((N_PAD,), jnp.float32),
            pltpu.VMEM((NWIN, WIN), jnp.int32),
            pltpu.VMEM((1, WIN), jnp.float32),
            pltpu.VMEM((RPT,), jnp.float32),
            pltpu.SemaphoreType.DMA,
        ],
    )
    def k(e_hbm, out_hbm, acc, idx_v, ones_v, z_v, sem):
        c = lax.axis_index("c")
        s = lax.axis_index("s")
        wid = c * NS + s
        pltpu.async_copy(e_hbm.at[1, wid], idx_v, sem)

        @pl.loop(0, WIN, step=16)
        def _(i):
            ones_v[0, pl.ds(i, 16)] = jnp.ones((16,), jnp.float32)

        @pl.loop(0, RPT, step=16)
        def _(i):
            z_v[pl.ds(i, 16)] = jnp.zeros((16,), jnp.float32)

        pltpu.sync_copy(z_v, acc.at[pl.ds(s * RPT, RPT)])
        plsc.subcore_barrier()
        pltpu.make_async_copy(e_hbm.at[1, wid], idx_v, sem).wait()

        @pl.loop(0, NWIN, step=8)
        def _(w):
            for j in range(8):
                pltpu.async_copy(ones_v.at[0], acc.at[idx_v.at[w + j]],
                                 sem, add=True)
            for j in range(8):
                pltpu.make_async_copy(ones_v.at[0], acc.at[idx_v.at[w + j]],
                                      sem).wait()

        plsc.subcore_barrier()
        pltpu.sync_copy(acc.at[pl.ds(s * RPT, RPT)],
                        out_hbm.at[c, pl.ds(s * RPT, RPT)])

    return k(e4)


def _sc_propagate(g_pad, e4, d_ch, d_wb=None):
    d_wb = d_ch if d_wb is None else d_wb

    @functools.partial(
        pl.kernel,
        out_type=jax.ShapeDtypeStruct((NC, N_PAD, d_wb), jnp.float32),
        mesh=_MESH,
        scratch_types=[
            pltpu.VMEM_SHARED((N_PAD, d_ch), jnp.float32),
            pltpu.VMEM((NWIN, WIN), jnp.int32),
            pltpu.VMEM((1, WIN), jnp.int32),
            pltpu.VMEM((1, WIN), jnp.int32),
            pltpu.VMEM((WIN, d_ch), jnp.float32),
            pltpu.VMEM((WIN, d_ch), jnp.float32),
            pltpu.VMEM((32, d_ch), jnp.float32),
            pltpu.SemaphoreType.DMA,
            pltpu.SemaphoreType.DMA,
            pltpu.SemaphoreType.DMA,
            pltpu.SemaphoreType.DMA,
            pltpu.SemaphoreType.DMA,
        ],
    )
    def k(g_hbm, e_hbm, out_hbm, acc, sidx, didx_a, didx_b,
          rows_a, rows_b, z_v, sem_i, sem_a, sem_b, sem_da, sem_db):
        c = lax.axis_index("c")
        s = lax.axis_index("s")
        wid = c * NS + s
        pltpu.async_copy(e_hbm.at[0, wid], sidx, sem_i)

        @pl.loop(0, 32)
        def _(r):
            @pl.loop(0, d_ch, step=16)
            def _(k16):
                z_v[r, pl.ds(k16, 16)] = jnp.zeros((16,), jnp.float32)

        pltpu.make_async_copy(e_hbm.at[0, wid], sidx, sem_i).wait()
        pltpu.async_copy(e_hbm.at[1, wid, pl.ds(0, 1)], didx_a, sem_da)
        pltpu.async_copy(e_hbm.at[1, wid, pl.ds(1, 1)], didx_b, sem_db)
        pltpu.async_copy(g_hbm.at[sidx.at[0]], rows_a, sem_a)
        pltpu.async_copy(g_hbm.at[sidx.at[1]], rows_b, sem_b)

        @pl.loop(0, RPT, step=32)
        def _(r0):
            pltpu.sync_copy(z_v, acc.at[pl.ds(s * RPT + r0, 32)])

        plsc.subcore_barrier()

        @pl.loop(0, NWIN, step=2)
        def _(w):
            pltpu.make_async_copy(g_hbm.at[sidx.at[w]], rows_a, sem_a).wait()
            pltpu.make_async_copy(e_hbm.at[1, wid, pl.ds(w, 1)], didx_a,
                                  sem_da).wait()
            pltpu.sync_copy(rows_a, acc.at[didx_a.at[0]], add=True)

            @pl.when(w + 2 < NWIN)
            def _():
                pltpu.async_copy(e_hbm.at[1, wid, pl.ds(w + 2, 1)], didx_a,
                                 sem_da)
                pltpu.async_copy(g_hbm.at[sidx.at[w + 2]], rows_a, sem_a)

            pltpu.make_async_copy(g_hbm.at[sidx.at[w + 1]], rows_b,
                                  sem_b).wait()
            pltpu.make_async_copy(e_hbm.at[1, wid, pl.ds(w + 1, 1)], didx_b,
                                  sem_db).wait()
            pltpu.sync_copy(rows_b, acc.at[didx_b.at[0]], add=True)

            @pl.when(w + 3 < NWIN)
            def _():
                pltpu.async_copy(e_hbm.at[1, wid, pl.ds(w + 3, 1)], didx_b,
                                 sem_db)
                pltpu.async_copy(g_hbm.at[sidx.at[w + 3]], rows_b, sem_b)

        plsc.subcore_barrier()
        if d_wb == d_ch:
            pltpu.sync_copy(acc.at[pl.ds(s * RPT, RPT)],
                            out_hbm.at[c, pl.ds(s * RPT, RPT)])
        else:
            pltpu.sync_copy(acc.at[pl.ds(s * RPT, RPT), pl.ds(0, d_wb)],
                            out_hbm.at[c, pl.ds(s * RPT, RPT)])

    return k(g_pad, e4)


def _tc_mm1(x, W1):
    blk = 2000

    def body(x_ref, w_ref, h_ref):
        h_ref[...] = _dot_b3(x_ref[...], w_ref[...])

    return pl.pallas_call(
        body,
        grid=(N_NODES // blk,),
        in_specs=[pl.BlockSpec((blk, IN_CH), lambda r: (r, 0)),
                  pl.BlockSpec((IN_CH, IN_CH), lambda r: (0, 0))],
        out_specs=pl.BlockSpec((blk, IN_CH), lambda r: (r, 0)),
        out_shape=jax.ShapeDtypeStruct((N_PAD, IN_CH), jnp.float32),
    )(x, W1)


def _tc_scale(h1, cnt):

    blk = 2560

    def body(h_ref, cnt_ref, g_ref, dinv_ref):
        c = cnt_ref[...]
        deg_row = c[0:1, :] + c[1:2, :] + 1.0
        dinv_col = jnp.reshape(lax.rsqrt(deg_row), (blk, 1))
        dinv_ref[...] = dinv_col
        g_ref[...] = h_ref[...] * dinv_col

    return pl.pallas_call(
        body,
        grid=(N_PAD // blk,),
        in_specs=[pl.BlockSpec((blk, IN_CH), lambda r: (r, 0)),
                  pl.BlockSpec((NC, blk), lambda r: (0, r))],
        out_specs=(pl.BlockSpec((blk, IN_CH), lambda r: (r, 0)),
                   pl.BlockSpec((blk, 1), lambda r: (r, 0))),
        out_shape=(jax.ShapeDtypeStruct((N_PAD, IN_CH), jnp.float32),
                   jax.ShapeDtypeStruct((N_PAD, 1), jnp.float32)),
    )(h1, cnt)


def _tc_layer(p, g, dinv, b, W):
    d_out = W.shape[1]
    d_in = g.shape[1]
    blk = 2560

    def body(p_ref, g_ref, dinv_ref, b_ref, w_ref, o_ref):
        dinv = dinv_ref[...]
        xin = jax.nn.relu(dinv * (p_ref[0] + p_ref[1] + g_ref[...])
                          + b_ref[...])
        h = _dot_b3(xin, w_ref[...])
        if d_out == d_in:
            o_ref[...] = h * dinv
        else:
            o_ref[:, 0:d_out] = h * dinv

    return pl.pallas_call(
        body,
        grid=(N_PAD // blk,),
        in_specs=[pl.BlockSpec((NC, blk, d_in), lambda r: (0, r, 0)),
                  pl.BlockSpec((blk, d_in), lambda r: (r, 0)),
                  pl.BlockSpec((blk, 1), lambda r: (r, 0)),
                  pl.BlockSpec((1, d_in), lambda r: (0, 0)),
                  pl.BlockSpec((d_in, d_out), lambda r: (0, 0))],
        out_specs=pl.BlockSpec((blk, d_in), lambda r: (r, 0)),
        out_shape=jax.ShapeDtypeStruct((N_PAD, d_in), jnp.float32),
    )(p, g, dinv, b, W)


def _tc_final(p, g, dinv, b, d_out):
    d_rd = p.shape[2]
    blk = 2000

    def body(p_ref, g_ref, dinv_ref, b_ref, o_ref):
        v = dinv_ref[...] * (p_ref[0] + p_ref[1] + g_ref[:, 0:d_rd])
        o_ref[...] = v[:, 0:d_out] + b_ref[...]

    return pl.pallas_call(
        body,
        grid=(N_NODES // blk,),
        in_specs=[pl.BlockSpec((NC, blk, d_rd), lambda r: (0, r, 0)),
                  pl.BlockSpec((blk, g.shape[1]), lambda r: (r, 0)),
                  pl.BlockSpec((blk, 1), lambda r: (r, 0)),
                  pl.BlockSpec((1, d_out), lambda r: (0, 0))],
        out_specs=pl.BlockSpec((blk, d_out), lambda r: (r, 0)),
        out_shape=jax.ShapeDtypeStruct((N_NODES, d_out), jnp.float32),
    )(p, g, dinv, b)


def kernel(x, edge_index, W1, b1, W2, b2, W3, b3):
    e2 = edge_index.astype(jnp.int32).reshape(2, NW, N_EDGES // NW)
    n_fill = EPW - N_EDGES // NW
    fill = jnp.broadcast_to(
        (N_NODES + jnp.arange(n_fill, dtype=jnp.int32) % (N_PAD - N_NODES)
         )[None, None, :], (2, NW, n_fill))
    e4 = jnp.concatenate([e2, fill], axis=2).reshape(2, NW, NWIN, WIN)

    cnt = _sc_degree(e4)
    h1 = _tc_mm1(x, W1)
    g1, dinv = _tc_scale(h1, cnt)
    p1 = _sc_propagate(g1, e4, 128)
    g2 = _tc_layer(p1, g1, dinv, b1[None, :], W2)
    p2 = _sc_propagate(g2, e4, 128)
    g3 = _tc_layer(p2, g2, dinv, b2[None, :], W3)
    p3 = _sc_propagate(g3, e4, 128)
    return _tc_final(p3, g3, dinv, b3[None, :], W3.shape[1])

# --- scband reference (transcript-rebuilt; emitter-appended) ---
"""Pipeline reference for scband-gcn-55688545960297 (READ-ONLY COPY).

The authoritative reference and input builder live on the scoring server;
editing this copy changes nothing except your own understanding.
"""

import jax, jax.numpy as jnp
import numpy as np

N_NODES = 10000
N_EDGES = 320000
IN_CH = 128
HID = 128
NUM_CLASSES = 40


def setup_inputs(seed: int = 0) -> dict:
    key = jax.random.key(seed)
    ks = jax.random.split(key, 8)
    x = jax.random.normal(ks[0], (N_NODES, IN_CH), dtype=jnp.float32)
    edge_index = jax.random.randint(ks[1], (2, N_EDGES), 0, N_NODES, dtype=jnp.int64)
    # GCNConv params (glorot-ish init)
    def glorot(k, fan_in, fan_out):
        s = jnp.sqrt(6.0 / (fan_in + fan_out))
        return jax.random.uniform(k, (fan_in, fan_out), minval=-s, maxval=s, dtype=jnp.float32)
    W1 = glorot(ks[2], IN_CH, HID)
    b1 = jnp.zeros((HID,), dtype=jnp.float32)
    W2 = glorot(ks[3], HID, HID)
    b2 = jnp.zeros((HID,), dtype=jnp.float32)
    W3 = glorot(ks[4], HID, NUM_CLASSES)
    b3 = jnp.zeros((NUM_CLASSES,), dtype=jnp.float32)
    return {"x": x, "edge_index": edge_index, "W1": W1, "b1": b1, "W2": W2, "b2": b2, "W3": W3, "b3": b3}


def _gcn_conv(x, src, dst, norm, W, b):
    # linear transform then symmetric-normalized propagation (matches PyG GCNConv)
    h = x @ W
    msg = h[src] * norm[:, None]
    out = jnp.zeros((x.shape[0], h.shape[1]), dtype=h.dtype).at[dst].add(msg)
    return out + b


def reference(x, edge_index, W1, b1, W2, b2, W3, b3):
    N = x.shape[0]
    loop = jnp.arange(N, dtype=edge_index.dtype)
    src = jnp.concatenate([edge_index[0], loop])
    dst = jnp.concatenate([edge_index[1], loop])
    deg = jnp.zeros((N,), dtype=jnp.float32).at[dst].add(1.0)
    dinv = jnp.where(deg > 0, jax.lax.rsqrt(deg), 0.0)
    norm = dinv[src] * dinv[dst]
    h = _gcn_conv(x, src, dst, norm, W1, b1)
    h = jax.nn.relu(h)  # dropout is identity in eval mode
    h = _gcn_conv(h, src, dst, norm, W2, b2)
    h = jax.nn.relu(h)
    h = _gcn_conv(h, src, dst, norm, W3, b3)
    return h

if __name__ == "__main__":
    import jax
    _d = setup_inputs()
    print(jax.jit(kernel)(*tuple(_d.values())))

</pallas_src>

<mosaic_0001>
#map = affine_map<(d0, d1) -> (0, 0)>
#map1 = affine_map<(d0, d1) -> (0, 0, 0, 0)>
#map2 = affine_map<(d0, d1) -> (0, 0, 0)>
module attributes {stable_mosaic.version = 14 : i64} {
  func.func @k(%arg0: i32, %arg1: i32, %arg2: memref<10240x128xf32, #tpu.memory_space<hbm>>, %arg3: memref<2x32x80x128xi32, #tpu.memory_space<hbm>>, %arg4: memref<2x10240x128xf32, #tpu.memory_space<hbm>>, %arg5: memref<10240x128xf32, #tpu.memory_space<vmem_shared>>, %arg6: memref<80x128xi32, #tpu.memory_space<vmem>>, %arg7: memref<1x128xi32, #tpu.memory_space<vmem>>, %arg8: memref<1x128xi32, #tpu.memory_space<vmem>>, %arg9: memref<128x128xf32, #tpu.memory_space<vmem>>, %arg10: memref<128x128xf32, #tpu.memory_space<vmem>>, %arg11: memref<32x128xf32, #tpu.memory_space<vmem>>, %arg12: memref<!tpu.dma_semaphore, #tpu.memory_space<semaphore_mem>>, %arg13: memref<!tpu.dma_semaphore, #tpu.memory_space<semaphore_mem>>, %arg14: memref<!tpu.dma_semaphore, #tpu.memory_space<semaphore_mem>>, %arg15: memref<!tpu.dma_semaphore, #tpu.memory_space<semaphore_mem>>, %arg16: memref<!tpu.dma_semaphore, #tpu.memory_space<semaphore_mem>>) attributes {dimension_semantics = [#tpu.dimension_semantics<core_parallel>, #tpu.dimension_semantics<subcore_parallel>], iteration_bounds = array<i64: 2, 16>, scalar_prefetch = 0 : i64, scratch_operands = 12 : i64, tpu.core_type = #tpu.core_type<sc_vector_subcore>, window_params = [{transform_indices = #map}, {transform_indices = #map1}, {transform_indices = #map2}]} {
    %mul3A = arith.constant 16 : i32
    %mul3A_0 = arith.muli %arg0, %mul3A : i32
    %add3A = arith.addi %mul3A_0, %arg1 : i32
    %dma_start3A = arith.constant 0 : i32
    %dma_start3A_1 = arith.constant 0 : i32
    %dma_start3A_2 = arith.constant 0 : i32
    %dma_start3A_3 = tpu.memref_slice %arg3[%dma_start3A, %add3A, %dma_start3A_1, %dma_start3A_2] : memref<2x32x80x128xi32, #tpu.memory_space<hbm>> -> memref<1x1x80x128xi32, #tpu.memory_space<hbm>>
    %dma_start3A_4 = tpu.memref_squeeze %dma_start3A_3 : memref<1x1x80x128xi32, #tpu.memory_space<hbm>> -> memref<80x128xi32, #tpu.memory_space<hbm>>
    %dma_start3A_5 = arith.constant 0 : i32
    %dma_start3A_6 = arith.constant 0 : i32
    %dma_start3A_7 = tpu.memref_slice %arg3[%dma_start3A, %add3A, %dma_start3A_5, %dma_start3A_6] : memref<2x32x80x128xi32, #tpu.memory_space<hbm>> -> memref<1x1x80x128xi32, #tpu.memory_space<hbm>>
    %dma_start3A_8 = tpu.memref_squeeze %dma_start3A_7 : memref<1x1x80x128xi32, #tpu.memory_space<hbm>> -> memref<80x128xi32, #tpu.memory_space<hbm>>
    tpu.enqueue_dma source(%dma_start3A_8 : memref<80x128xi32, #tpu.memory_space<hbm>>) target(%arg6 : memref<80x128xi32, #tpu.memory_space<vmem>>) target_semaphore(%arg12 : memref<!tpu.dma_semaphore, #tpu.memory_space<semaphore_mem>>)
    %scan3A = arith.constant 0 : i32
    %scan3A_9 = arith.constant 32 : i32
    %scan3A_10 = arith.addi %scan3A, %scan3A_9 : i32
    %scan3A_11 = arith.constant 1 : i32
    scf.for %scan3A_68 = %scan3A to %scan3A_10 step %scan3A_11  : i32 {
      %mul3A_69 = arith.constant 1 : i32
      %mul3A_70 = arith.muli %scan3A_68, %mul3A_69 : i32
      %add3A_71 = arith.constant 0 : i32
      %add3A_72 = arith.addi %add3A_71, %mul3A_70 : i32
      %scan3A_73 = arith.constant 0 : i32
      %scan3A_74 = arith.constant 8 : i32
      %scan3A_75 = arith.addi %scan3A_73, %scan3A_74 : i32
      %scan3A_76 = arith.constant 1 : i32
      scf.for %scan3A_78 = %scan3A_73 to %scan3A_75 step %scan3A_76  : i32 {
        %mul3A_79 = arith.constant 16 : i32
        %mul3A_80 = arith.muli %scan3A_78, %mul3A_79 : i32
        %add3A_81 = arith.constant 0 : i32
        %add3A_82 = arith.addi %add3A_81, %mul3A_80 : i32
        %broadcast_in_dim3A = arith.constant 0.000000e+00 : f32
        %broadcast_in_dim3A_83 = vector.broadcast %broadcast_in_dim3A : f32 to vector<16xf32>
        %swap3A = arith.index_cast %add3A_72 : i32 to index
        %swap3A_84 = arith.index_cast %add3A_82 : i32 to index
        %swap3A_85 = tpu.vector_load %arg11[%swap3A, %swap3A_84] {strides = array<i32>} : memref<32x128xf32, #tpu.memory_space<vmem>>, vector<1x16xf32>,
        %swap3A_86 = vector.shape_cast %swap3A_85 : vector<1x16xf32> to vector<16xf32>
        %swap3A_87 = vector.shape_cast %broadcast_in_dim3A_83 : vector<16xf32> to vector<1x16xf32>
        tpu.vector_store %arg11[%swap3A, %swap3A_84], %swap3A_87 {strides = array<i32>} : memref<32x128xf32, #tpu.memory_space<vmem>>, vector<1x16xf32>,
      }
      %scan3A_77 = arith.constant 8 : i32
    }
    %scan3A_12 = arith.constant 32 : i32
    %dma_wait3A = arith.constant 0 : i32
    %dma_wait3A_13 = arith.constant 0 : i32
    %dma_wait3A_14 = arith.constant 0 : i32
    %dma_wait3A_15 = tpu.memref_slice %arg3[%dma_wait3A, %add3A, %dma_wait3A_13, %dma_wait3A_14] : memref<2x32x80x128xi32, #tpu.memory_space<hbm>> -> memref<1x1x80x128xi32, #tpu.memory_space<hbm>>
    %dma_wait3A_16 = tpu.memref_squeeze %dma_wait3A_15 : memref<1x1x80x128xi32, #tpu.memory_space<hbm>> -> memref<80x128xi32, #tpu.memory_space<hbm>>
    %dma_wait3A_17 = arith.constant 0 : i32
    %dma_wait3A_18 = arith.constant 0 : i32
    %dma_wait3A_19 = tpu.memref_slice %arg3[%dma_wait3A, %add3A, %dma_wait3A_17, %dma_wait3A_18] : memref<2x32x80x128xi32, #tpu.memory_space<hbm>> -> memref<1x1x80x128xi32, #tpu.memory_space<hbm>>
    %dma_wait3A_20 = tpu.memref_squeeze %dma_wait3A_19 : memref<1x1x80x128xi32, #tpu.memory_space<hbm>> -> memref<80x128xi32, #tpu.memory_space<hbm>>
    tpu.wait_dma2 semaphore(%arg12 : memref<!tpu.dma_semaphore, #tpu.memory_space<semaphore_mem>>) src(%dma_wait3A_20 : memref<80x128xi32, #tpu.memory_space<hbm>>) dst(%arg6 : memref<80x128xi32, #tpu.memory_space<vmem>>)
    %dma_start3A_21 = arith.constant 1 : i32
    %dma_start3A_22 = arith.constant 0 : i32
    %dma_start3A_23 = arith.constant 0 : i32
    %dma_start3A_24 = tpu.memref_slice %arg3[%dma_start3A_21, %add3A, %dma_start3A_22, %dma_start3A_23] : memref<2x32x80x128xi32, #tpu.memory_space<hbm>> -> memref<1x1x1x128xi32, #tpu.memory_space<hbm>>
    %dma_start3A_25 = tpu.memref_squeeze %dma_start3A_24 : memref<1x1x1x128xi32, #tpu.memory_space<hbm>> -> memref<1x128xi32, #tpu.memory_space<hbm>>
    %dma_start3A_26 = arith.constant 0 : i32
    %dma_start3A_27 = arith.constant 0 : i32
    %dma_start3A_28 = tpu.memref_slice %arg3[%dma_start3A_21, %add3A, %dma_start3A_26, %dma_start3A_27] : memref<2x32x80x128xi32, #tpu.memory_space<hbm>> -> memref<1x1x1x128xi32, #tpu.memory_space<hbm>>
    %dma_start3A_29 = tpu.memref_squeeze %dma_start3A_28 : memref<1x1x1x128xi32, #tpu.memory_space<hbm>> -> memref<1x128xi32, #tpu.memory_space<hbm>>
    tpu.enqueue_dma source(%dma_start3A_29 : memref<1x128xi32, #tpu.memory_space<hbm>>) target(%arg7 : memref<1x128xi32, #tpu.memory_space<vmem>>) target_semaphore(%arg15 : memref<!tpu.dma_semaphore, #tpu.memory_space<semaphore_mem>>)
    %dma_start3A_30 = arith.constant 1 : i32
    %dma_start3A_31 = arith.constant 1 : i32
    %dma_start3A_32 = arith.constant 0 : i32
    %dma_start3A_33 = tpu.memref_slice %arg3[%dma_start3A_30, %add3A, %dma_start3A_31, %dma_start3A_32] : memref<2x32x80x128xi32, #tpu.memory_space<hbm>> -> memref<1x1x1x128xi32, #tpu.memory_space<hbm>>
    %dma_start3A_34 = tpu.memref_squeeze %dma_start3A_33 : memref<1x1x1x128xi32, #tpu.memory_space<hbm>> -> memref<1x128xi32, #tpu.memory_space<hbm>>
    %dma_start3A_35 = arith.constant 1 : i32
    %dma_start3A_36 = arith.constant 0 : i32
    %dma_start3A_37 = tpu.memref_slice %arg3[%dma_start3A_30, %add3A, %dma_start3A_35, %dma_start3A_36] : memref<2x32x80x128xi32, #tpu.memory_space<hbm>> -> memref<1x1x1x128xi32, #tpu.memory_space<hbm>>
    %dma_start3A_38 = tpu.memref_squeeze %dma_start3A_37 : memref<1x1x1x128xi32, #tpu.memory_space<hbm>> -> memref<1x128xi32, #tpu.memory_space<hbm>>
    tpu.enqueue_dma source(%dma_start3A_38 : memref<1x128xi32, #tpu.memory_space<hbm>>) target(%arg8 : memref<1x128xi32, #tpu.memory_space<vmem>>) target_semaphore(%arg16 : memref<!tpu.dma_semaphore, #tpu.memory_space<semaphore_mem>>)
    %dma_start3A_39 = arith.constant 0 : i32
    %dma_start3A_40 = arith.constant 0 : i32
    %dma_start3A_41 = tpu.memref_slice %arg6[%dma_start3A_39, %dma_start3A_40] : memref<80x128xi32, #tpu.memory_space<vmem>> -> memref<1x128xi32, #tpu.memory_space<vmem>>
    %dma_start3A_42 = tpu.memref_squeeze %dma_start3A_41 : memref<1x128xi32, #tpu.memory_space<vmem>> -> memref<128xi32, #tpu.memory_space<vmem>>
    %dma_start3A_43 = arith.constant 0 : i32
    %dma_start3A_44 = arith.constant 0 : i32
    %dma_start3A_45 = tpu.memref_slice %arg2[%dma_start3A_43, %dma_start3A_44] : memref<10240x128xf32, #tpu.memory_space<hbm>> -> memref<10240x128xf32, #tpu.memory_space<hbm>>
    tpu.enqueue_indirect_dma source(%dma_start3A_45 : memref<10240x128xf32, #tpu.memory_space<hbm>>) target(%arg9 : memref<128x128xf32, #tpu.memory_space<vmem>>) offsets(%dma_start3A_42 : memref<128xi32, #tpu.memory_space<vmem>>) semaphore(%arg13 : memref<!tpu.dma_semaphore, #tpu.memory_space<semaphore_mem>>)
    %dma_start3A_46 = arith.constant 1 : i32
    %dma_start3A_47 = arith.constant 0 : i32
    %dma_start3A_48 = tpu.memref_slice %arg6[%dma_start3A_46, %dma_start3A_47] : memref<80x128xi32, #tpu.memory_space<vmem>> -> memref<1x128xi32, #tpu.memory_space<vmem>>
    %dma_start3A_49 = tpu.memref_squeeze %dma_start3A_48 : memref<1x128xi32, #tpu.memory_space<vmem>> -> memref<128xi32, #tpu.memory_space<vmem>>
    %dma_start3A_50 = arith.constant 0 : i32
    %dma_start3A_51 = arith.constant 0 : i32
    %dma_start3A_52 = tpu.memref_slice %arg2[%dma_start3A_50, %dma_start3A_51] : memref<10240x128xf32, #tpu.memory_space<hbm>> -> memref<10240x128xf32, #tpu.memory_space<hbm>>
    tpu.enqueue_indirect_dma source(%dma_start3A_52 : memref<10240x128xf32, #tpu.memory_space<hbm>>) target(%arg10 : memref<128x128xf32, #tpu.memory_space<vmem>>) offsets(%dma_start3A_49 : memref<128xi32, #tpu.memory_space<vmem>>) semaphore(%arg14 : memref<!tpu.dma_semaphore, #tpu.memory_space<semaphore_mem>>)
    %scan3A_53 = arith.constant 0 : i32
    %scan3A_54 = arith.constant 20 : i32
    %scan3A_55 = arith.addi %scan3A_53, %scan3A_54 : i32
    %scan3A_56 = arith.constant 1 : i32
    scf.for %scan3A_68 = %scan3A_53 to %scan3A_55 step %scan3A_56  : i32 {
      %mul3A_69 = arith.constant 32 : i32
      %mul3A_70 = arith.muli %scan3A_68, %mul3A_69 : i32
      %add3A_71 = arith.constant 0 : i32
      %add3A_72 = arith.addi %add3A_71, %mul3A_70 : i32
      %mul3A_73 = arith.constant 640 : i32
      %mul3A_74 = arith.muli %arg1, %mul3A_73 : i32
      %add3A_75 = arith.addi %mul3A_74, %add3A_72 : i32
      "tpu.region"() ({
        %run_scoped3A = tpu.sem_alloc : memref<!tpu.dma_semaphore, #tpu.memory_space<semaphore_mem>>
        %dma_start3A_76 = arith.constant 0 : i32
        %dma_start3A_77 = tpu.memref_slice %arg5[%add3A_75, %dma_start3A_76] : memref<10240x128xf32, #tpu.memory_space<vmem_shared>> -> memref<32x128xf32, #tpu.memory_space<vmem_shared>>
        %dma_start3A_78 = arith.constant 0 : i32
        %dma_start3A_79 = tpu.memref_slice %arg5[%add3A_75, %dma_start3A_78] : memref<10240x128xf32, #tpu.memory_space<vmem_shared>> -> memref<32x128xf32, #tpu.memory_space<vmem_shared>>
        tpu.enqueue_dma source(%arg11 : memref<32x128xf32, #tpu.memory_space<vmem>>) target(%dma_start3A_79 : memref<32x128xf32, #tpu.memory_space<vmem_shared>>) target_semaphore(%run_scoped3A : memref<!tpu.dma_semaphore, #tpu.memory_space<semaphore_mem>>)
        %dma_wait3A_80 = arith.constant 0 : i32
        %dma_wait3A_81 = tpu.memref_slice %arg5[%add3A_75, %dma_wait3A_80] : memref<10240x128xf32, #tpu.memory_space<vmem_shared>> -> memref<32x128xf32, #tpu.memory_space<vmem_shared>>
        %dma_wait3A_82 = arith.constant 0 : i32
        %dma_wait3A_83 = tpu.memref_slice %arg5[%add3A_75, %dma_wait3A_82] : memref<10240x128xf32, #tpu.memory_space<vmem_shared>> -> memref<32x128xf32, #tpu.memory_space<vmem_shared>>
        tpu.wait_dma2 semaphore(%run_scoped3A : memref<!tpu.dma_semaphore, #tpu.memory_space<semaphore_mem>>) src(%arg11 : memref<32x128xf32, #tpu.memory_space<vmem>>) dst(%dma_wait3A_83 : memref<32x128xf32, #tpu.memory_space<vmem_shared>>)
        tpu.yield
      }) : () -> ()
    }
    %scan3A_57 = arith.constant 20 : i32
    %barrier3A = arith.constant 0 : index
    tpu.barrier barrier_id(%barrier3A)
    %scan3A_58 = arith.constant 0 : i32
    %scan3A_59 = arith.constant 40 : i32
    %scan3A_60 = arith.addi %scan3A_58, %scan3A_59 : i32
    %scan3A_61 = arith.constant 1 : i32
    scf.for %scan3A_68 = %scan3A_58 to %scan3A_60 step %scan3A_61  : i32 {
      %mul3A_69 = arith.constant 2 : i32
      %mul3A_70 = arith.muli %scan3A_68, %mul3A_69 : i32
      %add3A_71 = arith.constant 0 : i32
      %add3A_72 = arith.addi %add3A_71, %mul3A_70 : i32
      %dma_wait3A_73 = arith.constant 0 : i32
      %dma_wait3A_74 = tpu.memref_slice %arg6[%add3A_72, %dma_wait3A_73] : memref<80x128xi32, #tpu.memory_space<vmem>> -> memref<1x128xi32, #tpu.memory_space<vmem>>
      %dma_wait3A_75 = tpu.memref_squeeze %dma_wait3A_74 : memref<1x128xi32, #tpu.memory_space<vmem>> -> memref<128xi32, #tpu.memory_space<vmem>>
      %dma_wait3A_76 = arith.constant 0 : i32
      %dma_wait3A_77 = arith.constant 0 : i32
      %dma_wait3A_78 = tpu.memref_slice %arg2[%dma_wait3A_76, %dma_wait3A_77] : memref<10240x128xf32, #tpu.memory_space<hbm>> -> memref<10240x128xf32, #tpu.memory_space<hbm>>
      tpu.wait_indirect_dma semaphore(%arg13 : memref<!tpu.dma_semaphore, #tpu.memory_space<semaphore_mem>>) src(%dma_wait3A_78 : memref<10240x128xf32, #tpu.memory_space<hbm>>) dst(%arg9 : memref<128x128xf32, #tpu.memory_space<vmem>>)
      %dma_wait3A_79 = arith.constant 1 : i32
      %dma_wait3A_80 = arith.constant 0 : i32
      %dma_wait3A_81 = tpu.memref_slice %arg3[%dma_wait3A_79, %add3A, %add3A_72, %dma_wait3A_80] : memref<2x32x80x128xi32, #tpu.memory_space<hbm>> -> memref<1x1x1x128xi32, #tpu.memory_space<hbm>>
      %dma_wait3A_82 = tpu.memref_squeeze %dma_wait3A_81 : memref<1x1x1x128xi32, #tpu.memory_space<hbm>> -> memref<1x128xi32, #tpu.memory_space<hbm>>
      %dma_wait3A_83 = arith.constant 0 : i32
      %dma_wait3A_84 = tpu.memref_slice %arg3[%dma_wait3A_79, %add3A, %add3A_72, %dma_wait3A_83] : memref<2x32x80x128xi32, #tpu.memory_space<hbm>> -> memref<1x1x1x128xi32, #tpu.memory_space<hbm>>
      %dma_wait3A_85 = tpu.memref_squeeze %dma_wait3A_84 : memref<1x1x1x128xi32, #tpu.memory_space<hbm>> -> memref<1x128xi32, #tpu.memory_space<hbm>>
      tpu.wait_dma2 semaphore(%arg15 : memref<!tpu.dma_semaphore, #tpu.memory_space<semaphore_mem>>) src(%dma_wait3A_85 : memref<1x128xi32, #tpu.memory_space<hbm>>) dst(%arg7 : memref<1x128xi32, #tpu.memory_space<vmem>>)
      %run_scoped3A = arith.constant 0 : i32
      "tpu.region"() ({
        %run_scoped3A_115 = tpu.sem_alloc : memref<!tpu.dma_semaphore, #tpu.memory_space<semaphore_mem>>
        %dma_start3A_116 = arith.constant 0 : i32
        %dma_start3A_117 = tpu.memref_slice %arg7[%run_scoped3A, %dma_start3A_116] : memref<1x128xi32, #tpu.memory_space<vmem>> -> memref<1x128xi32, #tpu.memory_space<vmem>>
        %dma_start3A_118 = tpu.memref_squeeze %dma_start3A_117 : memref<1x128xi32, #tpu.memory_space<vmem>> -> memref<128xi32, #tpu.memory_space<vmem>>
        %dma_start3A_119 = arith.constant 0 : i32
        %dma_start3A_120 = arith.constant 0 : i32
        %dma_start3A_121 = tpu.memref_slice %arg5[%dma_start3A_119, %dma_start3A_120] : memref<10240x128xf32, #tpu.memory_space<vmem_shared>> -> memref<10240x128xf32, #tpu.memory_space<vmem_shared>>
        tpu.enqueue_indirect_dma source(%arg9 : memref<128x128xf32, #tpu.memory_space<vmem>>) target(%dma_start3A_121 : memref<10240x128xf32, #tpu.memory_space<vmem_shared>>) offsets(%dma_start3A_118 : memref<128xi32, #tpu.memory_space<vmem>>) semaphore(%run_scoped3A_115 : memref<!tpu.dma_semaphore, #tpu.memory_space<semaphore_mem>>) {add = true}
        %dma_wait3A_122 = arith.constant 0 : i32
        %dma_wait3A_123 = tpu.memref_slice %arg7[%run_scoped3A, %dma_wait3A_122] : memref<1x128xi32, #tpu.memory_space<vmem>> -> memref<1x128xi32, #tpu.memory_space<vmem>>
        %dma_wait3A_124 = tpu.memref_squeeze %dma_wait3A_123 : memref<1x128xi32, #tpu.memory_space<vmem>> -> memref<128xi32, #tpu.memory_space<vmem>>
        %dma_wait3A_125 = arith.constant 0 : i32
        %dma_wait3A_126 = arith.constant 0 : i32
        %dma_wait3A_127 = tpu.memref_slice %arg5[%dma_wait3A_125, %dma_wait3A_126] : memref<10240x128xf32, #tpu.memory_space<vmem_shared>> -> memref<10240x128xf32, #tpu.memory_space<vmem_shared>>
        tpu.wait_indirect_dma semaphore(%run_scoped3A_115 : memref<!tpu.dma_semaphore, #tpu.memory_space<semaphore_mem>>) src(%arg9 : memref<128x128xf32, #tpu.memory_space<vmem>>) dst(%dma_wait3A_127 : memref<10240x128xf32, #tpu.memory_space<vmem_shared>>)
        tpu.yield
      }) : () -> ()
      %add3A_86 = arith.constant 2 : i32
      %add3A_87 = arith.addi %add3A_72, %add3A_86 : i32
      %lt3A = arith.constant 80 : i32
      %lt3A_88 = arith.cmpi slt, %add3A_87, %lt3A : i32
      %convert_element_type3A = arith.extui %lt3A_88 : i1 to i32
      %cond3A = arith.constant 0 : i32
      %cond3A_89 = arith.cmpi ne, %convert_element_type3A, %cond3A : i32
      scf.if %cond3A_89 {
        %add3A_115 = arith.constant 2 : i32
        %add3A_116 = arith.addi %add3A_72, %add3A_115 : i32
        %dma_start3A_117 = arith.constant 1 : i32
        %dma_start3A_118 = arith.constant 0 : i32
        %dma_start3A_119 = tpu.memref_slice %arg3[%dma_start3A_117, %add3A, %add3A_116, %dma_start3A_118] : memref<2x32x80x128xi32, #tpu.memory_space<hbm>> -> memref<1x1x1x128xi32, #tpu.memory_space<hbm>>
        %dma_start3A_120 = tpu.memref_squeeze %dma_start3A_119 : memref<1x1x1x128xi32, #tpu.memory_space<hbm>> -> memref<1x128xi32, #tpu.memory_space<hbm>>
        %dma_start3A_121 = arith.constant 0 : i32
        %dma_start3A_122 = tpu.memref_slice %arg3[%dma_start3A_117, %add3A, %add3A_116, %dma_start3A_121] : memref<2x32x80x128xi32, #tpu.memory_space<hbm>> -> memref<1x1x1x128xi32, #tpu.memory_space<hbm>>
        %dma_start3A_123 = tpu.memref_squeeze %dma_start3A_122 : memref<1x1x1x128xi32, #tpu.memory_space<hbm>> -> memref<1x128xi32, #tpu.memory_space<hbm>>
        tpu.enqueue_dma source(%dma_start3A_123 : memref<1x128xi32, #tpu.memory_space<hbm>>) target(%arg7 : memref<1x128xi32, #tpu.memory_space<vmem>>) target_semaphore(%arg15 : memref<!tpu.dma_semaphore, #tpu.memory_space<semaphore_mem>>)
        %add3A_124 = arith.constant 2 : i32
        %add3A_125 = arith.addi %add3A_72, %add3A_124 : i32
        %dma_start3A_126 = arith.constant 0 : i32
        %dma_start3A_127 = tpu.memref_slice %arg6[%add3A_125, %dma_start3A_126] : memref<80x128xi32, #tpu.memory_space<vmem>> -> memref<1x128xi32, #tpu.memory_space<vmem>>
        %dma_start3A_128 = tpu.memref_squeeze %dma_start3A_127 : memref<1x128xi32, #tpu.memory_space<vmem>> -> memref<128xi32, #tpu.memory_space<vmem>>
        %dma_start3A_129 = arith.constant 0 : i32
        %dma_start3A_130 = arith.constant 0 : i32
        %dma_start3A_131 = tpu.memref_slice %arg2[%dma_start3A_129, %dma_start3A_130] : memref<10240x128xf32, #tpu.memory_space<hbm>> -> memref<10240x128xf32, #tpu.memory_space<hbm>>
        tpu.enqueue_indirect_dma source(%dma_start3A_131 : memref<10240x128xf32, #tpu.memory_space<hbm>>) target(%arg9 : memref<128x128xf32, #tpu.memory_space<vmem>>) offsets(%dma_start3A_128 : memref<128xi32, #tpu.memory_space<vmem>>) semaphore(%arg13 : memref<!tpu.dma_semaphore, #tpu.memory_space<semaphore_mem>>)
      } else {
      }
      %add3A_90 = arith.constant 1 : i32
      %add3A_91 = arith.addi %add3A_72, %add3A_90 : i32
      %dma_wait3A_92 = arith.constant 0 : i32
      %dma_wait3A_93 = tpu.memref_slice %arg6[%add3A_91, %dma_wait3A_92] : memref<80x128xi32, #tpu.memory_space<vmem>> -> memref<1x128xi32, #tpu.memory_space<vmem>>
      %dma_wait3A_94 = tpu.memref_squeeze %dma_wait3A_93 : memref<1x128xi32, #tpu.memory_space<vmem>> -> memref<128xi32, #tpu.memory_space<vmem>>
      %dma_wait3A_95 = arith.constant 0 : i32
      %dma_wait3A_96 = arith.constant 0 : i32
      %dma_wait3A_97 = tpu.memref_slice %arg2[%dma_wait3A_95, %dma_wait3A_96] : memref<10240x128xf32, #tpu.memory_space<hbm>> -> memref<10240x128xf32, #tpu.memory_space<hbm>>
      tpu.wait_indirect_dma semaphore(%arg14 : memref<!tpu.dma_semaphore, #tpu.memory_space<semaphore_mem>>) src(%dma_wait3A_97 : memref<10240x128xf32, #tpu.memory_space<hbm>>) dst(%arg10 : memref<128x128xf32, #tpu.memory_space<vmem>>)
      %add3A_98 = arith.constant 1 : i32
      %add3A_99 = arith.addi %add3A_72, %add3A_98 : i32
      %dma_wait3A_100 = arith.constant 1 : i32
      %dma_wait3A_101 = arith.constant 0 : i32
      %dma_wait3A_102 = tpu.memref_slice %arg3[%dma_wait3A_100, %add3A, %add3A_99, %dma_wait3A_101] : memref<2x32x80x128xi32, #tpu.memory_space<hbm>> -> memref<1x1x1x128xi32, #tpu.memory_space<hbm>>
      %dma_wait3A_103 = tpu.memref_squeeze %dma_wait3A_102 : memref<1x1x1x128xi32, #tpu.memory_space<hbm>> -> memref<1x128xi32, #tpu.memory_space<hbm>>
      %dma_wait3A_104 = arith.constant 0 : i32
      %dma_wait3A_105 = tpu.memref_slice %arg3[%dma_wait3A_100, %add3A, %add3A_99, %dma_wait3A_104] : memref<2x32x80x128xi32, #tpu.memory_space<hbm>> -> memref<1x1x1x128xi32, #tpu.memory_space<hbm>>
      %dma_wait3A_106 = tpu.memref_squeeze %dma_wait3A_105 : memref<1x1x1x128xi32, #tpu.memory_space<hbm>> -> memref<1x128xi32, #tpu.memory_space<hbm>>
      tpu.wait_dma2 semaphore(%arg16 : memref<!tpu.dma_semaphore, #tpu.memory_space<semaphore_mem>>) src(%dma_wait3A_106 : memref<1x128xi32, #tpu.memory_space<hbm>>) dst(%arg8 : memref<1x128xi32, #tpu.memory_space<vmem>>)
      %run_scoped3A_107 = arith.constant 0 : i32
      "tpu.region"() ({
        %run_scoped3A_115 = tpu.sem_alloc : memref<!tpu.dma_semaphore, #tpu.memory_space<semaphore_mem>>
        %dma_start3A_116 = arith.constant 0 : i32
        %dma_start3A_117 = tpu.memref_slice %arg8[%run_scoped3A_107, %dma_start3A_116] : memref<1x128xi32, #tpu.memory_space<vmem>> -> memref<1x128xi32, #tpu.memory_space<vmem>>
        %dma_start3A_118 = tpu.memref_squeeze %dma_start3A_117 : memref<1x128xi32, #tpu.memory_space<vmem>> -> memref<128xi32, #tpu.memory_space<vmem>>
        %dma_start3A_119 = arith.constant 0 : i32
        %dma_start3A_120 = arith.constant 0 : i32
        %dma_start3A_121 = tpu.memref_slice %arg5[%dma_start3A_119, %dma_start3A_120] : memref<10240x128xf32, #tpu.memory_space<vmem_shared>> -> memref<10240x128xf32, #tpu.memory_space<vmem_shared>>
        tpu.enqueue_indirect_dma source(%arg10 : memref<128x128xf32, #tpu.memory_space<vmem>>) target(%dma_start3A_121 : memref<10240x128xf32, #tpu.memory_space<vmem_shared>>) offsets(%dma_start3A_118 : memref<128xi32, #tpu.memory_space<vmem>>) semaphore(%run_scoped3A_115 : memref<!tpu.dma_semaphore, #tpu.memory_space<semaphore_mem>>) {add = true}
        %dma_wait3A_122 = arith.constant 0 : i32
        %dma_wait3A_123 = tpu.memref_slice %arg8[%run_scoped3A_107, %dma_wait3A_122] : memref<1x128xi32, #tpu.memory_space<vmem>> -> memref<1x128xi32, #tpu.memory_space<vmem>>
        %dma_wait3A_124 = tpu.memref_squeeze %dma_wait3A_123 : memref<1x128xi32, #tpu.memory_space<vmem>> -> memref<128xi32, #tpu.memory_space<vmem>>
        %dma_wait3A_125 = arith.constant 0 : i32
        %dma_wait3A_126 = arith.constant 0 : i32
        %dma_wait3A_127 = tpu.memref_slice %arg5[%dma_wait3A_125, %dma_wait3A_126] : memref<10240x128xf32, #tpu.memory_space<vmem_shared>> -> memref<10240x128xf32, #tpu.memory_space<vmem_shared>>
        tpu.wait_indirect_dma semaphore(%run_scoped3A_115 : memref<!tpu.dma_semaphore, #tpu.memory_space<semaphore_mem>>) src(%arg10 : memref<128x128xf32, #tpu.memory_space<vmem>>) dst(%dma_wait3A_127 : memref<10240x128xf32, #tpu.memory_space<vmem_shared>>)
        tpu.yield
      }) : () -> ()
      %add3A_108 = arith.constant 3 : i32
      %add3A_109 = arith.addi %add3A_72, %add3A_108 : i32
      %lt3A_110 = arith.constant 80 : i32
      %lt3A_111 = arith.cmpi slt, %add3A_109, %lt3A_110 : i32
      %convert_element_type3A_112 = arith.extui %lt3A_111 : i1 to i32
      %cond3A_113 = arith.constant 0 : i32
      %cond3A_114 = arith.cmpi ne, %convert_element_type3A_112, %cond3A_113 : i32
      scf.if %cond3A_114 {
        %add3A_115 = arith.constant 3 : i32
        %add3A_116 = arith.addi %add3A_72, %add3A_115 : i32
        %dma_start3A_117 = arith.constant 1 : i32
        %dma_start3A_118 = arith.constant 0 : i32
        %dma_start3A_119 = tpu.memref_slice %arg3[%dma_start3A_117, %add3A, %add3A_116, %dma_start3A_118] : memref<2x32x80x128xi32, #tpu.memory_space<hbm>> -> memref<1x1x1x128xi32, #tpu.memory_space<hbm>>
        %dma_start3A_120 = tpu.memref_squeeze %dma_start3A_119 : memref<1x1x1x128xi32, #tpu.memory_space<hbm>> -> memref<1x128xi32, #tpu.memory_space<hbm>>
        %dma_start3A_121 = arith.constant 0 : i32
        %dma_start3A_122 = tpu.memref_slice %arg3[%dma_start3A_117, %add3A, %add3A_116, %dma_start3A_121] : memref<2x32x80x128xi32, #tpu.memory_space<hbm>> -> memref<1x1x1x128xi32, #tpu.memory_space<hbm>>
        %dma_start3A_123 = tpu.memref_squeeze %dma_start3A_122 : memref<1x1x1x128xi32, #tpu.memory_space<hbm>> -> memref<1x128xi32, #tpu.memory_space<hbm>>
        tpu.enqueue_dma source(%dma_start3A_123 : memref<1x128xi32, #tpu.memory_space<hbm>>) target(%arg8 : memref<1x128xi32, #tpu.memory_space<vmem>>) target_semaphore(%arg16 : memref<!tpu.dma_semaphore, #tpu.memory_space<semaphore_mem>>)
        %add3A_124 = arith.constant 3 : i32
        %add3A_125 = arith.addi %add3A_72, %add3A_124 : i32
        %dma_start3A_126 = arith.constant 0 : i32
        %dma_start3A_127 = tpu.memref_slice %arg6[%add3A_125, %dma_start3A_126] : memref<80x128xi32, #tpu.memory_space<vmem>> -> memref<1x128xi32, #tpu.memory_space<vmem>>
        %dma_start3A_128 = tpu.memref_squeeze %dma_start3A_127 : memref<1x128xi32, #tpu.memory_space<vmem>> -> memref<128xi32, #tpu.memory_space<vmem>>
        %dma_start3A_129 = arith.constant 0 : i32
        %dma_start3A_130 = arith.constant 0 : i32
        %dma_start3A_131 = tpu.memref_slice %arg2[%dma_start3A_129, %dma_start3A_130] : memref<10240x128xf32, #tpu.memory_space<hbm>> -> memref<10240x128xf32, #tpu.memory_space<hbm>>
        tpu.enqueue_indirect_dma source(%dma_start3A_131 : memref<10240x128xf32, #tpu.memory_space<hbm>>) target(%arg10 : memref<128x128xf32, #tpu.memory_space<vmem>>) offsets(%dma_start3A_128 : memref<128xi32, #tpu.memory_space<vmem>>) semaphore(%arg14 : memref<!tpu.dma_semaphore, #tpu.memory_space<semaphore_mem>>)
      } else {
      }
    }
    %scan3A_62 = arith.constant 40 : i32
    %barrier3A_63 = arith.constant 0 : index
    tpu.barrier barrier_id(%barrier3A_63)
    %mul3A_64 = arith.constant 640 : i32
    %mul3A_65 = arith.muli %arg1, %mul3A_64 : i32
    %mul3A_66 = arith.constant 640 : i32
    %mul3A_67 = arith.muli %arg1, %mul3A_66 : i32
    "tpu.region"() ({
      %run_scoped3A = tpu.sem_alloc : memref<!tpu.dma_semaphore, #tpu.memory_space<semaphore_mem>>
      %dma_start3A_68 = arith.constant 0 : i32
      %dma_start3A_69 = tpu.memref_slice %arg4[%arg0, %mul3A_67, %dma_start3A_68] : memref<2x10240x128xf32, #tpu.memory_space<hbm>> -> memref<1x640x128xf32, #tpu.memory_space<hbm>>
      %dma_start3A_70 = tpu.memref_squeeze %dma_start3A_69 : memref<1x640x128xf32, #tpu.memory_space<hbm>> -> memref<640x128xf32, #tpu.memory_space<hbm>>
      %dma_start3A_71 = arith.constant 0 : i32
      %dma_start3A_72 = tpu.memref_slice %arg5[%mul3A_65, %dma_start3A_71] : memref<10240x128xf32, #tpu.memory_space<vmem_shared>> -> memref<640x128xf32, #tpu.memory_space<vmem_shared>>
      tpu.enqueue_dma source(%dma_start3A_72 : memref<640x128xf32, #tpu.memory_space<vmem_shared>>) target(%dma_start3A_70 : memref<640x128xf32, #tpu.memory_space<hbm>>) target_semaphore(%run_scoped3A : memref<!tpu.dma_semaphore, #tpu.memory_space<semaphore_mem>>)
      %dma_wait3A_73 = arith.constant 0 : i32
      %dma_wait3A_74 = tpu.memref_slice %arg4[%arg0, %mul3A_67, %dma_wait3A_73] : memref<2x10240x128xf32, #tpu.memory_space<hbm>> -> memref<1x640x128xf32, #tpu.memory_space<hbm>>
      %dma_wait3A_75 = tpu.memref_squeeze %dma_wait3A_74 : memref<1x640x128xf32, #tpu.memory_space<hbm>> -> memref<640x128xf32, #tpu.memory_space<hbm>>
      %dma_wait3A_76 = arith.constant 0 : i32
      %dma_wait3A_77 = tpu.memref_slice %arg5[%mul3A_65, %dma_wait3A_76] : memref<10240x128xf32, #tpu.memory_space<vmem_shared>> -> memref<640x128xf32, #tpu.memory_space<vmem_shared>>
      tpu.wait_dma2 semaphore(%run_scoped3A : memref<!tpu.dma_semaphore, #tpu.memory_space<semaphore_mem>>) src(%dma_wait3A_77 : memref<640x128xf32, #tpu.memory_space<vmem_shared>>) dst(%dma_wait3A_75 : memref<640x128xf32, #tpu.memory_space<hbm>>)
      tpu.yield
    }) : () -> ()
    return
  }
}

#map = affine_map<(d0, d1) -> (0, 0, 0, 0)>
#map1 = affine_map<(d0, d1) -> (0, 0)>
module attributes {stable_mosaic.version = 14 : i64} {
  func.func @k(%arg0: i32, %arg1: i32, %arg2: memref<2x32x80x128xi32, #tpu.memory_space<hbm>>, %arg3: memref<2x10240xf32, #tpu.memory_space<hbm>>, %arg4: memref<10240xf32, #tpu.memory_space<vmem_shared>>, %arg5: memref<80x128xi32, #tpu.memory_space<vmem>>, %arg6: memref<1x128xf32, #tpu.memory_space<vmem>>, %arg7: memref<640xf32, #tpu.memory_space<vmem>>, %arg8: memref<!tpu.dma_semaphore, #tpu.memory_space<semaphore_mem>>) attributes {dimension_semantics = [#tpu.dimension_semantics<core_parallel>, #tpu.dimension_semantics<subcore_parallel>], iteration_bounds = array<i64: 2, 16>, scalar_prefetch = 0 : i64, scratch_operands = 5 : i64, tpu.core_type = #tpu.core_type<sc_vector_subcore>, window_params = [{transform_indices = #map}, {transform_indices = #map1}]} {
    %mul3A = arith.constant 16 : i32
    %mul3A_0 = arith.muli %arg0, %mul3A : i32
    %add3A = arith.addi %mul3A_0, %arg1 : i32
    %dma_start3A = arith.constant 1 : i32
    %dma_start3A_1 = arith.constant 0 : i32
    %dma_start3A_2 = arith.constant 0 : i32
    %dma_start3A_3 = tpu.memref_slice %arg2[%dma_start3A, %add3A, %dma_start3A_1, %dma_start3A_2] : memref<2x32x80x128xi32, #tpu.memory_space<hbm>> -> memref<1x1x80x128xi32, #tpu.memory_space<hbm>>
    %dma_start3A_4 = tpu.memref_squeeze %dma_start3A_3 : memref<1x1x80x128xi32, #tpu.memory_space<hbm>> -> memref<80x128xi32, #tpu.memory_space<hbm>>
    %dma_start3A_5 = arith.constant 0 : i32
    %dma_start3A_6 = arith.constant 0 : i32
    %dma_start3A_7 = tpu.memref_slice %arg2[%dma_start3A, %add3A, %dma_start3A_5, %dma_start3A_6] : memref<2x32x80x128xi32, #tpu.memory_space<hbm>> -> memref<1x1x80x128xi32, #tpu.memory_space<hbm>>
    %dma_start3A_8 = tpu.memref_squeeze %dma_start3A_7 : memref<1x1x80x128xi32, #tpu.memory_space<hbm>> -> memref<80x128xi32, #tpu.memory_space<hbm>>
    tpu.enqueue_dma source(%dma_start3A_8 : memref<80x128xi32, #tpu.memory_space<hbm>>) target(%arg5 : memref<80x128xi32, #tpu.memory_space<vmem>>) target_semaphore(%arg8 : memref<!tpu.dma_semaphore, #tpu.memory_space<semaphore_mem>>)
    %scan3A = arith.constant 0 : i32
    %scan3A_9 = arith.constant 8 : i32
    %scan3A_10 = arith.addi %scan3A, %scan3A_9 : i32
    %scan3A_11 = arith.constant 1 : i32
    scf.for %scan3A_38 = %scan3A to %scan3A_10 step %scan3A_11  : i32 {
      %mul3A_39 = arith.constant 16 : i32
      %mul3A_40 = arith.muli %scan3A_38, %mul3A_39 : i32
      %add3A_41 = arith.constant 0 : i32
      %add3A_42 = arith.addi %add3A_41, %mul3A_40 : i32
      %broadcast_in_dim3A = arith.constant 1.000000e+00 : f32
      %broadcast_in_dim3A_43 = vector.broadcast %broadcast_in_dim3A : f32 to vector<16xf32>
      %swap3A = arith.constant 0 : i32
      %swap3A_44 = arith.index_cast %swap3A : i32 to index
      %swap3A_45 = arith.index_cast %add3A_42 : i32 to index
      %swap3A_46 = tpu.vector_load %arg6[%swap3A_44, %swap3A_45] {strides = array<i32>} : memref<1x128xf32, #tpu.memory_space<vmem>>, vector<1x16xf32>,
      %swap3A_47 = vector.shape_cast %swap3A_46 : vector<1x16xf32> to vector<16xf32>
      %swap3A_48 = vector.shape_cast %broadcast_in_dim3A_43 : vector<16xf32> to vector<1x16xf32>
      tpu.vector_store %arg6[%swap3A_44, %swap3A_45], %swap3A_48 {strides = array<i32>} : memref<1x128xf32, #tpu.memory_space<vmem>>, vector<1x16xf32>,
    }
    %scan3A_12 = arith.constant 8 : i32
    %scan3A_13 = arith.constant 0 : i32
    %scan3A_14 = arith.constant 40 : i32
    %scan3A_15 = arith.addi %scan3A_13, %scan3A_14 : i32
    %scan3A_16 = arith.constant 1 : i32
    scf.for %scan3A_38 = %scan3A_13 to %scan3A_15 step %scan3A_16  : i32 {
      %mul3A_39 = arith.constant 16 : i32
      %mul3A_40 = arith.muli %scan3A_38, %mul3A_39 : i32
      %add3A_41 = arith.constant 0 : i32
      %add3A_42 = arith.addi %add3A_41, %mul3A_40 : i32
      %broadcast_in_dim3A = arith.constant 0.000000e+00 : f32
      %broadcast_in_dim3A_43 = vector.broadcast %broadcast_in_dim3A : f32 to vector<16xf32>
      %swap3A = arith.index_cast %add3A_42 : i32 to index
      %swap3A_44 = tpu.vector_load %arg7[%swap3A] {strides = array<i32>} : memref<640xf32, #tpu.memory_space<vmem>>, vector<16xf32>,
      %swap3A_45 = vector.shape_cast %swap3A_44 : vector<16xf32> to vector<16xf32>
      %swap3A_46 = vector.shape_cast %broadcast_in_dim3A_43 : vector<16xf32> to vector<16xf32>
      tpu.vector_store %arg7[%swap3A], %swap3A_46 {strides = array<i32>} : memref<640xf32, #tpu.memory_space<vmem>>, vector<16xf32>,
    }
    %scan3A_17 = arith.constant 40 : i32
    %mul3A_18 = arith.constant 640 : i32
    %mul3A_19 = arith.muli %arg1, %mul3A_18 : i32
    "tpu.region"() ({
      %run_scoped3A = tpu.sem_alloc : memref<!tpu.dma_semaphore, #tpu.memory_space<semaphore_mem>>
      %dma_start3A_38 = tpu.memref_slice %arg4[%mul3A_19] : memref<10240xf32, #tpu.memory_space<vmem_shared>> -> memref<640xf32, #tpu.memory_space<vmem_shared>>
      %dma_start3A_39 = tpu.memref_slice %arg4[%mul3A_19] : memref<10240xf32, #tpu.memory_space<vmem_shared>> -> memref<640xf32, #tpu.memory_space<vmem_shared>>
      tpu.enqueue_dma source(%arg7 : memref<640xf32, #tpu.memory_space<vmem>>) target(%dma_start3A_39 : memref<640xf32, #tpu.memory_space<vmem_shared>>) target_semaphore(%run_scoped3A : memref<!tpu.dma_semaphore, #tpu.memory_space<semaphore_mem>>)
      %dma_wait3A_40 = tpu.memref_slice %arg4[%mul3A_19] : memref<10240xf32, #tpu.memory_space<vmem_shared>> -> memref<640xf32, #tpu.memory_space<vmem_shared>>
      %dma_wait3A_41 = tpu.memref_slice %arg4[%mul3A_19] : memref<10240xf32, #tpu.memory_space<vmem_shared>> -> memref<640xf32, #tpu.memory_space<vmem_shared>>
      tpu.wait_dma2 semaphore(%run_scoped3A : memref<!tpu.dma_semaphore, #tpu.memory_space<semaphore_mem>>) src(%arg7 : memref<640xf32, #tpu.memory_space<vmem>>) dst(%dma_wait3A_41 : memref<640xf32, #tpu.memory_space<vmem_shared>>)
      tpu.yield
    }) : () -> ()
    %barrier3A = arith.constant 0 : index
    tpu.barrier barrier_id(%barrier3A)
    %dma_wait3A = arith.constant 1 : i32
    %dma_wait3A_20 = arith.constant 0 : i32
    %dma_wait3A_21 = arith.constant 0 : i32
    %dma_wait3A_22 = tpu.memref_slice %arg2[%dma_wait3A, %add3A, %dma_wait3A_20, %dma_wait3A_21] : memref<2x32x80x128xi32, #tpu.memory_space<hbm>> -> memref<1x1x80x128xi32, #tpu.memory_space<hbm>>
    %dma_wait3A_23 = tpu.memref_squeeze %dma_wait3A_22 : memref<1x1x80x128xi32, #tpu.memory_space<hbm>> -> memref<80x128xi32, #tpu.memory_space<hbm>>
    %dma_wait3A_24 = arith.constant 0 : i32
    %dma_wait3A_25 = arith.constant 0 : i32
    %dma_wait3A_26 = tpu.memref_slice %arg2[%dma_wait3A, %add3A, %dma_wait3A_24, %dma_wait3A_25] : memref<2x32x80x128xi32, #tpu.memory_space<hbm>> -> memref<1x1x80x128xi32, #tpu.memory_space<hbm>>
    %dma_wait3A_27 = tpu.memref_squeeze %dma_wait3A_26 : memref<1x1x80x128xi32, #tpu.memory_space<hbm>> -> memref<80x128xi32, #tpu.memory_space<hbm>>
    tpu.wait_dma2 semaphore(%arg8 : memref<!tpu.dma_semaphore, #tpu.memory_space<semaphore_mem>>) src(%dma_wait3A_27 : memref<80x128xi32, #tpu.memory_space<hbm>>) dst(%arg5 : memref<80x128xi32, #tpu.memory_space<vmem>>)
    %scan3A_28 = arith.constant 0 : i32
    %scan3A_29 = arith.constant 10 : i32
    %scan3A_30 = arith.addi %scan3A_28, %scan3A_29 : i32
    %scan3A_31 = arith.constant 1 : i32
    scf.for %scan3A_38 = %scan3A_28 to %scan3A_30 step %scan3A_31  : i32 {
      %mul3A_39 = arith.constant 8 : i32
      %mul3A_40 = arith.muli %scan3A_38, %mul3A_39 : i32
      %add3A_41 = arith.constant 0 : i32
      %add3A_42 = arith.addi %add3A_41, %mul3A_40 : i32
      %add3A_43 = arith.constant 0 : i32
      %add3A_44 = arith.addi %add3A_42, %add3A_43 : i32
      %dma_start3A_45 = arith.constant 0 : i32
      %dma_start3A_46 = arith.constant 0 : i32
      %dma_start3A_47 = tpu.memref_slice %arg6[%dma_start3A_45, %dma_start3A_46] : memref<1x128xf32, #tpu.memory_space<vmem>> -> memref<1x128xf32, #tpu.memory_space<vmem>>
      %dma_start3A_48 = tpu.memref_squeeze %dma_start3A_47 : memref<1x128xf32, #tpu.memory_space<vmem>> -> memref<128xf32, #tpu.memory_space<vmem>>
      %dma_start3A_49 = arith.constant 0 : i32
      %dma_start3A_50 = tpu.memref_slice %arg5[%add3A_44, %dma_start3A_49] : memref<80x128xi32, #tpu.memory_space<vmem>> -> memref<1x128xi32, #tpu.memory_space<vmem>>
      %dma_start3A_51 = tpu.memref_squeeze %dma_start3A_50 : memref<1x128xi32, #tpu.memory_space<vmem>> -> memref<128xi32, #tpu.memory_space<vmem>>
      %dma_start3A_52 = arith.constant 0 : i32
      %dma_start3A_53 = tpu.memref_slice %arg4[%dma_start3A_52] : memref<10240xf32, #tpu.memory_space<vmem_shared>> -> memref<10240xf32, #tpu.memory_space<vmem_shared>>
      tpu.enqueue_indirect_dma source(%dma_start3A_48 : memref<128xf32, #tpu.memory_space<vmem>>) target(%dma_start3A_53 : memref<10240xf32, #tpu.memory_space<vmem_shared>>) offsets(%dma_start3A_51 : memref<128xi32, #tpu.memory_space<vmem>>) semaphore(%arg8 : memref<!tpu.dma_semaphore, #tpu.memory_space<semaphore_mem>>) {add = true}
      %add3A_54 = arith.constant 1 : i32
      %add3A_55 = arith.addi %add3A_42, %add3A_54 : i32
      %dma_start3A_56 = arith.constant 0 : i32
      %dma_start3A_57 = arith.constant 0 : i32
      %dma_start3A_58 = tpu.memref_slice %arg6[%dma_start3A_56, %dma_start3A_57] : memref<1x128xf32, #tpu.memory_space<vmem>> -> memref<1x128xf32, #tpu.memory_space<vmem>>
      %dma_start3A_59 = tpu.memref_squeeze %dma_start3A_58 : memref<1x128xf32, #tpu.memory_space<vmem>> -> memref<128xf32, #tpu.memory_space<vmem>>
      %dma_start3A_60 = arith.constant 0 : i32
      %dma_start3A_61 = tpu.memref_slice %arg5[%add3A_55, %dma_start3A_60] : memref<80x128xi32, #tpu.memory_space<vmem>> -> memref<1x128xi32, #tpu.memory_space<vmem>>
      %dma_start3A_62 = tpu.memref_squeeze %dma_start3A_61 : memref<1x128xi32, #tpu.memory_space<vmem>> -> memref<128xi32, #tpu.memory_space<vmem>>
      %dma_start3A_63 = arith.constant 0 : i32
      %dma_start3A_64 = tpu.memref_slice %arg4[%dma_start3A_63] : memref<10240xf32, #tpu.memory_space<vmem_shared>> -> memref<10240xf32, #tpu.memory_space<vmem_shared>>
      tpu.enqueue_indirect_dma source(%dma_start3A_59 : memref<128xf32, #tpu.memory_space<vmem>>) target(%dma_start3A_64 : memref<10240xf32, #tpu.memory_space<vmem_shared>>) offsets(%dma_start3A_62 : memref<128xi32, #tpu.memory_space<vmem>>) semaphore(%arg8 : memref<!tpu.dma_semaphore, #tpu.memory_space<semaphore_mem>>) {add = true}
      %add3A_65 = arith.constant 2 : i32
      %add3A_66 = arith.addi %add3A_42, %add3A_65 : i32
      %dma_start3A_67 = arith.constant 0 : i32
      %dma_start3A_68 = arith.constant 0 : i32
      %dma_start3A_69 = tpu.memref_slice %arg6[%dma_start3A_67, %dma_start3A_68] : memref<1x128xf32, #tpu.memory_space<vmem>> -> memref<1x128xf32, #tpu.memory_space<vmem>>
      %dma_start3A_70 = tpu.memref_squeeze %dma_start3A_69 : memref<1x128xf32, #tpu.memory_space<vmem>> -> memref<128xf32, #tpu.memory_space<vmem>>
      %dma_start3A_71 = arith.constant 0 : i32
      %dma_start3A_72 = tpu.memref_slice %arg5[%add3A_66, %dma_start3A_71] : memref<80x128xi32, #tpu.memory_space<vmem>> -> memref<1x128xi32, #tpu.memory_space<vmem>>
      %dma_start3A_73 = tpu.memref_squeeze %dma_start3A_72 : memref<1x128xi32, #tpu.memory_space<vmem>> -> memref<128xi32, #tpu.memory_space<vmem>>
      %dma_start3A_74 = arith.constant 0 : i32
      %dma_start3A_75 = tpu.memref_slice %arg4[%dma_start3A_74] : memref<10240xf32, #tpu.memory_space<vmem_shared>> -> memref<10240xf32, #tpu.memory_space<vmem_shared>>
      tpu.enqueue_indirect_dma source(%dma_start3A_70 : memref<128xf32, #tpu.memory_space<vmem>>) target(%dma_start3A_75 : memref<10240xf32, #tpu.memory_space<vmem_shared>>) offsets(%dma_start3A_73 : memref<128xi32, #tpu.memory_space<vmem>>) semaphore(%arg8 : memref<!tpu.dma_semaphore, #tpu.memory_space<semaphore_mem>>) {add = true}
      %add3A_76 = arith.constant 3 : i32
      %add3A_77 = arith.addi %add3A_42, %add3A_76 : i32
      %dma_start3A_78 = arith.constant 0 : i32
      %dma_start3A_79 = arith.constant 0 : i32
      %dma_start3A_80 = tpu.memref_slice %arg6[%dma_start3A_78, %dma_start3A_79] : memref<1x128xf32, #tpu.memory_space<vmem>> -> memref<1x128xf32, #tpu.memory_space<vmem>>
      %dma_start3A_81 = tpu.memref_squeeze %dma_start3A_80 : memref<1x128xf32, #tpu.memory_space<vmem>> -> memref<128xf32, #tpu.memory_space<vmem>>
      %dma_start3A_82 = arith.constant 0 : i32
      %dma_start3A_83 = tpu.memref_slice %arg5[%add3A_77, %dma_start3A_82] : memref<80x128xi32, #tpu.memory_space<vmem>> -> memref<1x128xi32, #tpu.memory_space<vmem>>
      %dma_start3A_84 = tpu.memref_squeeze %dma_start3A_83 : memref<1x128xi32, #tpu.memory_space<vmem>> -> memref<128xi32, #tpu.memory_space<vmem>>
      %dma_start3A_85 = arith.constant 0 : i32
      %dma_start3A_86 = tpu.memref_slice %arg4[%dma_start3A_85] : memref<10240xf32, #tpu.memory_space<vmem_shared>> -> memref<10240xf32, #tpu.memory_space<vmem_shared>>
      tpu.enqueue_indirect_dma source(%dma_start3A_81 : memref<128xf32, #tpu.memory_space<vmem>>) target(%dma_start3A_86 : memref<10240xf32, #tpu.memory_space<vmem_shared>>) offsets(%dma_start3A_84 : memref<128xi32, #tpu.memory_space<vmem>>) semaphore(%arg8 : memref<!tpu.dma_semaphore, #tpu.memory_space<semaphore_mem>>) {add = true}
      %add3A_87 = arith.constant 4 : i32
      %add3A_88 = arith.addi %add3A_42, %add3A_87 : i32
      %dma_start3A_89 = arith.constant 0 : i32
      %dma_start3A_90 = arith.constant 0 : i32
      %dma_start3A_91 = tpu.memref_slice %arg6[%dma_start3A_89, %dma_start3A_90] : memref<1x128xf32, #tpu.memory_space<vmem>> -> memref<1x128xf32, #tpu.memory_space<vmem>>
      %dma_start3A_92 = tpu.memref_squeeze %dma_start3A_91 : memref<1x128xf32, #tpu.memory_space<vmem>> -> memref<128xf32, #tpu.memory_space<vmem>>
      %dma_start3A_93 = arith.constant 0 : i32
      %dma_start3A_94 = tpu.memref_slice %arg5[%add3A_88, %dma_start3A_93] : memref<80x128xi32, #tpu.memory_space<vmem>> -> memref<1x128xi32, #tpu.memory_space<vmem>>
      %dma_start3A_95 = tpu.memref_squeeze %dma_start3A_94 : memref<1x128xi32, #tpu.memory_space<vmem>> -> memref<128xi32, #tpu.memory_space<vmem>>
      %dma_start3A_96 = arith.constant 0 : i32
      %dma_start3A_97 = tpu.memref_slice %arg4[%dma_start3A_96] : memref<10240xf32, #tpu.memory_space<vmem_shared>> -> memref<10240xf32, #tpu.memory_space<vmem_shared>>
      tpu.enqueue_indirect_dma source(%dma_start3A_92 : memref<128xf32, #tpu.memory_space<vmem>>) target(%dma_start3A_97 : memref<10240xf32, #tpu.memory_space<vmem_shared>>) offsets(%dma_start3A_95 : memref<128xi32, #tpu.memory_space<vmem>>) semaphore(%arg8 : memref<!tpu.dma_semaphore, #tpu.memory_space<semaphore_mem>>) {add = true}
      %add3A_98 = arith.constant 5 : i32
      %add3A_99 = arith.addi %add3A_42, %add3A_98 : i32
      %dma_start3A_100 = arith.constant 0 : i32
      %dma_start3A_101 = arith.constant 0 : i32
      %dma_start3A_102 = tpu.memref_slice %arg6[%dma_start3A_100, %dma_start3A_101] : memref<1x128xf32, #tpu.memory_space<vmem>> -> memref<1x128xf32, #tpu.memory_space<vmem>>
      %dma_start3A_103 = tpu.memref_squeeze %dma_start3A_102 : memref<1x128xf32, #tpu.memory_space<vmem>> -> memref<128xf32, #tpu.memory_space<vmem>>
      %dma_start3A_104 = arith.constant 0 : i32
      %dma_start3A_105 = tpu.memref_slice %arg5[%add3A_99, %dma_start3A_104] : memref<80x128xi32, #tpu.memory_space<vmem>> -> memref<1x128xi32, #tpu.memory_space<vmem>>
      %dma_start3A_106 = tpu.memref_squeeze %dma_start3A_105 : memref<1x128xi32, #tpu.memory_space<vmem>> -> memref<128xi32, #tpu.memory_space<vmem>>
      %dma_start3A_107 = arith.constant 0 : i32
      %dma_start3A_108 = tpu.memref_slice %arg4[%dma_start3A_107] : memref<10240xf32, #tpu.memory_space<vmem_shared>> -> memref<10240xf32, #tpu.memory_space<vmem_shared>>
      tpu.enqueue_indirect_dma source(%dma_start3A_103 : memref<128xf32, #tpu.memory_space<vmem>>) target(%dma_start3A_108 : memref<10240xf32, #tpu.memory_space<vmem_shared>>) offsets(%dma_start3A_106 : memref<128xi32, #tpu.memory_space<vmem>>) semaphore(%arg8 : memref<!tpu.dma_semaphore, #tpu.memory_space<semaphore_mem>>) {add = true}
      %add3A_109 = arith.constant 6 : i32
      %add3A_110 = arith.addi %add3A_42, %add3A_109 : i32
      %dma_start3A_111 = arith.constant 0 : i32
      %dma_start3A_112 = arith.constant 0 : i32
      %dma_start3A_113 = tpu.memref_slice %arg6[%dma_start3A_111, %dma_start3A_112] : memref<1x128xf32, #tpu.memory_space<vmem>> -> memref<1x128xf32, #tpu.memory_space<vmem>>
      %dma_start3A_114 = tpu.memref_squeeze %dma_start3A_113 : memref<1x128xf32, #tpu.memory_space<vmem>> -> memref<128xf32, #tpu.memory_space<vmem>>
      %dma_start3A_115 = arith.constant 0 : i32
      %dma_start3A_116 = tpu.memref_slice %arg5[%add3A_110, %dma_start3A_115] : memref<80x128xi32, #tpu.memory_space<vmem>> -> memref<1x128xi32, #tpu.memory_space<vmem>>
      %dma_start3A_117 = tpu.memref_squeeze %dma_start3A_116 : memref<1x128xi32, #tpu.memory_space<vmem>> -> memref<128xi32, #tpu.memory_space<vmem>>
      %dma_start3A_118 = arith.constant 0 : i32
      %dma_start3A_119 = tpu.memref_slice %arg4[%dma_start3A_118] : memref<10240xf32, #tpu.memory_space<vmem_shared>> -> memref<10240xf32, #tpu.memory_space<vmem_shared>>
      tpu.enqueue_indirect_dma source(%dma_start3A_114 : memref<128xf32, #tpu.memory_space<vmem>>) target(%dma_start3A_119 : memref<10240xf32, #tpu.memory_space<vmem_shared>>) offsets(%dma_start3A_117 : memref<128xi32, #tpu.memory_space<vmem>>) semaphore(%arg8 : memref<!tpu.dma_semaphore, #tpu.memory_space<semaphore_mem>>) {add = true}
      %add3A_120 = arith.constant 7 : i32
      %add3A_121 = arith.addi %add3A_42, %add3A_120 : i32
      %dma_start3A_122 = arith.constant 0 : i32
      %dma_start3A_123 = arith.constant 0 : i32
      %dma_start3A_124 = tpu.memref_slice %arg6[%dma_start3A_122, %dma_start3A_123] : memref<1x128xf32, #tpu.memory_space<vmem>> -> memref<1x128xf32, #tpu.memory_space<vmem>>
      %dma_start3A_125 = tpu.memref_squeeze %dma_start3A_124 : memref<1x128xf32, #tpu.memory_space<vmem>> -> memref<128xf32, #tpu.memory_space<vmem>>
      %dma_start3A_126 = arith.constant 0 : i32
      %dma_start3A_127 = tpu.memref_slice %arg5[%add3A_121, %dma_start3A_126] : memref<80x128xi32, #tpu.memory_space<vmem>> -> memref<1x128xi32, #tpu.memory_space<vmem>>
      %dma_start3A_128 = tpu.memref_squeeze %dma_start3A_127 : memref<1x128xi32, #tpu.memory_space<vmem>> -> memref<128xi32, #tpu.memory_space<vmem>>
      %dma_start3A_129 = arith.constant 0 : i32
      %dma_start3A_130 = tpu.memref_slice %arg4[%dma_start3A_129] : memref<10240xf32, #tpu.memory_space<vmem_shared>> -> memref<10240xf32, #tpu.memory_space<vmem_shared>>
      tpu.enqueue_indirect_dma source(%dma_start3A_125 : memref<128xf32, #tpu.memory_space<vmem>>) target(%dma_start3A_130 : memref<10240xf32, #tpu.memory_space<vmem_shared>>) offsets(%dma_start3A_128 : memref<128xi32, #tpu.memory_space<vmem>>) semaphore(%arg8 : memref<!tpu.dma_semaphore, #tpu.memory_space<semaphore_mem>>) {add = true}
      %add3A_131 = arith.constant 0 : i32
      %add3A_132 = arith.addi %add3A_42, %add3A_131 : i32
      %dma_wait3A_133 = arith.constant 0 : i32
      %dma_wait3A_134 = arith.constant 0 : i32
      %dma_wait3A_135 = tpu.memref_slice %arg6[%dma_wait3A_133, %dma_wait3A_134] : memref<1x128xf32, #tpu.memory_space<vmem>> -> memref<1x128xf32, #tpu.memory_space<vmem>>
      %dma_wait3A_136 = tpu.memref_squeeze %dma_wait3A_135 : memref<1x128xf32, #tpu.memory_space<vmem>> -> memref<128xf32, #tpu.memory_space<vmem>>
      %dma_wait3A_137 = arith.constant 0 : i32
      %dma_wait3A_138 = tpu.memref_slice %arg5[%add3A_132, %dma_wait3A_137] : memref<80x128xi32, #tpu.memory_space<vmem>> -> memref<1x128xi32, #tpu.memory_space<vmem>>
      %dma_wait3A_139 = tpu.memref_squeeze %dma_wait3A_138 : memref<1x128xi32, #tpu.memory_space<vmem>> -> memref<128xi32, #tpu.memory_space<vmem>>
      %dma_wait3A_140 = arith.constant 0 : i32
      %dma_wait3A_141 = tpu.memref_slice %arg4[%dma_wait3A_140] : memref<10240xf32, #tpu.memory_space<vmem_shared>> -> memref<10240xf32, #tpu.memory_space<vmem_shared>>
      tpu.wait_indirect_dma semaphore(%arg8 : memref<!tpu.dma_semaphore, #tpu.memory_space<semaphore_mem>>) src(%dma_wait3A_136 : memref<128xf32, #tpu.memory_space<vmem>>) dst(%dma_wait3A_141 : memref<10240xf32, #tpu.memory_space<vmem_shared>>)
      %add3A_142 = arith.constant 1 : i32
      %add3A_143 = arith.addi %add3A_42, %add3A_142 : i32
      %dma_wait3A_144 = arith.constant 0 : i32
      %dma_wait3A_145 = arith.constant 0 : i32
      %dma_wait3A_146 = tpu.memref_slice %arg6[%dma_wait3A_144, %dma_wait3A_145] : memref<1x128xf32, #tpu.memory_space<vmem>> -> memref<1x128xf32, #tpu.memory_space<vmem>>
      %dma_wait3A_147 = tpu.memref_squeeze %dma_wait3A_146 : memref<1x128xf32, #tpu.memory_space<vmem>> -> memref<128xf32, #tpu.memory_space<vmem>>
      %dma_wait3A_148 = arith.constant 0 : i32
      %dma_wait3A_149 = tpu.memref_slice %arg5[%add3A_143, %dma_wait3A_148] : memref<80x128xi32, #tpu.memory_space<vmem>> -> memref<1x128xi32, #tpu.memory_space<vmem>>
      %dma_wait3A_150 = tpu.memref_squeeze %dma_wait3A_149 : memref<1x128xi32, #tpu.memory_space<vmem>> -> memref<128xi32, #tpu.memory_space<vmem>>
      %dma_wait3A_151 = arith.constant 0 : i32
      %dma_wait3A_152 = tpu.memref_slice %arg4[%dma_wait3A_151] : memref<10240xf32, #tpu.memory_space<vmem_shared>> -> memref<10240xf32, #tpu.memory_space<vmem_shared>>
      tpu.wait_indirect_dma semaphore(%arg8 : memref<!tpu.dma_semaphore, #tpu.memory_space<semaphore_mem>>) src(%dma_wait3A_147 : memref<128xf32, #tpu.memory_space<vmem>>) dst(%dma_wait3A_152 : memref<10240xf32, #tpu.memory_space<vmem_shared>>)
      %add3A_153 = arith.constant 2 : i32
      %add3A_154 = arith.addi %add3A_42, %add3A_153 : i32
      %dma_wait3A_155 = arith.constant 0 : i32
      %dma_wait3A_156 = arith.constant 0 : i32
      %dma_wait3A_157 = tpu.memref_slice %arg6[%dma_wait3A_155, %dma_wait3A_156] : memref<1x128xf32, #tpu.memory_space<vmem>> -> memref<1x128xf32, #tpu.memory_space<vmem>>
      %dma_wait3A_158 = tpu.memref_squeeze %dma_wait3A_157 : memref<1x128xf32, #tpu.memory_space<vmem>> -> memref<128xf32, #tpu.memory_space<vmem>>
      %dma_wait3A_159 = arith.constant 0 : i32
      %dma_wait3A_160 = tpu.memref_slice %arg5[%add3A_154, %dma_wait3A_159] : memref<80x128xi32, #tpu.memory_space<vmem>> -> memref<1x128xi32, #tpu.memory_space<vmem>>
      %dma_wait3A_161 = tpu.memref_squeeze %dma_wait3A_160 : memref<1x128xi32, #tpu.memory_space<vmem>> -> memref<128xi32, #tpu.memory_space<vmem>>
      %dma_wait3A_162 = arith.constant 0 : i32
      %dma_wait3A_163 = tpu.memref_slice %arg4[%dma_wait3A_162] : memref<10240xf32, #tpu.memory_space<vmem_shared>> -> memref<10240xf32, #tpu.memory_space<vmem_shared>>
      tpu.wait_indirect_dma semaphore(%arg8 : memref<!tpu.dma_semaphore, #tpu.memory_space<semaphore_mem>>) src(%dma_wait3A_158 : memref<128xf32, #tpu.memory_space<vmem>>) dst(%dma_wait3A_163 : memref<10240xf32, #tpu.memory_space<vmem_shared>>)
      %add3A_164 = arith.constant 3 : i32
      %add3A_165 = arith.addi %add3A_42, %add3A_164 : i32
      %dma_wait3A_166 = arith.constant 0 : i32
      %dma_wait3A_167 = arith.constant 0 : i32
      %dma_wait3A_168 = tpu.memref_slice %arg6[%dma_wait3A_166, %dma_wait3A_167] : memref<1x128xf32, #tpu.memory_space<vmem>> -> memref<1x128xf32, #tpu.memory_space<vmem>>
      %dma_wait3A_169 = tpu.memref_squeeze %dma_wait3A_168 : memref<1x128xf32, #tpu.memory_space<vmem>> -> memref<128xf32, #tpu.memory_space<vmem>>
      %dma_wait3A_170 = arith.constant 0 : i32
      %dma_wait3A_171 = tpu.memref_slice %arg5[%add3A_165, %dma_wait3A_170] : memref<80x128xi32, #tpu.memory_space<vmem>> -> memref<1x128xi32, #tpu.memory_space<vmem>>
      %dma_wait3A_172 = tpu.memref_squeeze %dma_wait3A_171 : memref<1x128xi32, #tpu.memory_space<vmem>> -> memref<128xi32, #tpu.memory_space<vmem>>
      %dma_wait3A_173 = arith.constant 0 : i32
      %dma_wait3A_174 = tpu.memref_slice %arg4[%dma_wait3A_173] : memref<10240xf32, #tpu.memory_space<vmem_shared>> -> memref<10240xf32, #tpu.memory_space<vmem_shared>>
      tpu.wait_indirect_dma semaphore(%arg8 : memref<!tpu.dma_semaphore, #tpu.memory_space<semaphore_mem>>) src(%dma_wait3A_169 : memref<128xf32, #tpu.memory_space<vmem>>) dst(%dma_wait3A_174 : memref<10240xf32, #tpu.memory_space<vmem_shared>>)
      %add3A_175 = arith.constant 4 : i32
      %add3A_176 = arith.addi %add3A_42, %add3A_175 : i32
      %dma_wait3A_177 = arith.constant 0 : i32
      %dma_wait3A_178 = arith.constant 0 : i32
      %dma_wait3A_179 = tpu.memref_slice %arg6[%dma_wait3A_177, %dma_wait3A_178] : memref<1x128xf32, #tpu.memory_space<vmem>> -> memref<1x128xf32, #tpu.memory_space<vmem>>
      %dma_wait3A_180 = tpu.memref_squeeze %dma_wait3A_179 : memref<1x128xf32, #tpu.memory_space<vmem>> -> memref<128xf32, #tpu.memory_space<vmem>>
      %dma_wait3A_181 = arith.constant 0 : i32
      %dma_wait3A_182 = tpu.memref_slice %arg5[%add3A_176, %dma_wait3A_181] : memref<80x128xi32, #tpu.memory_space<vmem>> -> memref<1x128xi32, #tpu.memory_space<vmem>>
      %dma_wait3A_183 = tpu.memref_squeeze %dma_wait3A_182 : memref<1x128xi32, #tpu.memory_space<vmem>> -> memref<128xi32, #tpu.memory_space<vmem>>
      %dma_wait3A_184 = arith.constant 0 : i32
      %dma_wait3A_185 = tpu.memref_slice %arg4[%dma_wait3A_184] : memref<10240xf32, #tpu.memory_space<vmem_shared>> -> memref<10240xf32, #tpu.memory_space<vmem_shared>>
      tpu.wait_indirect_dma semaphore(%arg8 : memref<!tpu.dma_semaphore, #tpu.memory_space<semaphore_mem>>) src(%dma_wait3A_180 : memref<128xf32, #tpu.memory_space<vmem>>) dst(%dma_wait3A_185 : memref<10240xf32, #tpu.memory_space<vmem_shared>>)
      %add3A_186 = arith.constant 5 : i32
      %add3A_187 = arith.addi %add3A_42, %add3A_186 : i32
      %dma_wait3A_188 = arith.constant 0 : i32
      %dma_wait3A_189 = arith.constant 0 : i32
      %dma_wait3A_190 = tpu.memref_slice %arg6[%dma_wait3A_188, %dma_wait3A_189] : memref<1x128xf32, #tpu.memory_space<vmem>> -> memref<1x128xf32, #tpu.memory_space<vmem>>
      %dma_wait3A_191 = tpu.memref_squeeze %dma_wait3A_190 : memref<1x128xf32, #tpu.memory_space<vmem>> -> memref<128xf32, #tpu.memory_space<vmem>>
      %dma_wait3A_192 = arith.constant 0 : i32
      %dma_wait3A_193 = tpu.memref_slice %arg5[%add3A_187, %dma_wait3A_192] : memref<80x128xi32, #tpu.memory_space<vmem>> -> memref<1x128xi32, #tpu.memory_space<vmem>>
      %dma_wait3A_194 = tpu.memref_squeeze %dma_wait3A_193 : memref<1x128xi32, #tpu.memory_space<vmem>> -> memref<128xi32, #tpu.memory_space<vmem>>
      %dma_wait3A_195 = arith.constant 0 : i32
      %dma_wait3A_196 = tpu.memref_slice %arg4[%dma_wait3A_195] : memref<10240xf32, #tpu.memory_space<vmem_shared>> -> memref<10240xf32, #tpu.memory_space<vmem_shared>>
      tpu.wait_indirect_dma semaphore(%arg8 : memref<!tpu.dma_semaphore, #tpu.memory_space<semaphore_mem>>) src(%dma_wait3A_191 : memref<128xf32, #tpu.memory_space<vmem>>) dst(%dma_wait3A_196 : memref<10240xf32, #tpu.memory_space<vmem_shared>>)
      %add3A_197 = arith.constant 6 : i32
      %add3A_198 = arith.addi %add3A_42, %add3A_197 : i32
      %dma_wait3A_199 = arith.constant 0 : i32
      %dma_wait3A_200 = arith.constant 0 : i32
      %dma_wait3A_201 = tpu.memref_slice %arg6[%dma_wait3A_199, %dma_wait3A_200] : memref<1x128xf32, #tpu.memory_space<vmem>> -> memref<1x128xf32, #tpu.memory_space<vmem>>
      %dma_wait3A_202 = tpu.memref_squeeze %dma_wait3A_201 : memref<1x128xf32, #tpu.memory_space<vmem>> -> memref<128xf32, #tpu.memory_space<vmem>>
      %dma_wait3A_203 = arith.constant 0 : i32
      %dma_wait3A_204 = tpu.memref_slice %arg5[%add3A_198, %dma_wait3A_203] : memref<80x128xi32, #tpu.memory_space<vmem>> -> memref<1x128xi32, #tpu.memory_space<vmem>>
      %dma_wait3A_205 = tpu.memref_squeeze %dma_wait3A_204 : memref<1x128xi32, #tpu.memory_space<vmem>> -> memref<128xi32, #tpu.memory_space<vmem>>
      %dma_wait3A_206 = arith.constant 0 : i32
      %dma_wait3A_207 = tpu.memref_slice %arg4[%dma_wait3A_206] : memref<10240xf32, #tpu.memory_space<vmem_shared>> -> memref<10240xf32, #tpu.memory_space<vmem_shared>>
      tpu.wait_indirect_dma semaphore(%arg8 : memref<!tpu.dma_semaphore, #tpu.memory_space<semaphore_mem>>) src(%dma_wait3A_202 : memref<128xf32, #tpu.memory_space<vmem>>) dst(%dma_wait3A_207 : memref<10240xf32, #tpu.memory_space<vmem_shared>>)
      %add3A_208 = arith.constant 7 : i32
      %add3A_209 = arith.addi %add3A_42, %add3A_208 : i32
      %dma_wait3A_210 = arith.constant 0 : i32
      %dma_wait3A_211 = arith.constant 0 : i32
      %dma_wait3A_212 = tpu.memref_slice %arg6[%dma_wait3A_210, %dma_wait3A_211] : memref<1x128xf32, #tpu.memory_space<vmem>> -> memref<1x128xf32, #tpu.memory_space<vmem>>
      %dma_wait3A_213 = tpu.memref_squeeze %dma_wait3A_212 : memref<1x128xf32, #tpu.memory_space<vmem>> -> memref<128xf32, #tpu.memory_space<vmem>>
      %dma_wait3A_214 = arith.constant 0 : i32
      %dma_wait3A_215 = tpu.memref_slice %arg5[%add3A_209, %dma_wait3A_214] : memref<80x128xi32, #tpu.memory_space<vmem>> -> memref<1x128xi32, #tpu.memory_space<vmem>>
      %dma_wait3A_216 = tpu.memref_squeeze %dma_wait3A_215 : memref<1x128xi32, #tpu.memory_space<vmem>> -> memref<128xi32, #tpu.memory_space<vmem>>
      %dma_wait3A_217 = arith.constant 0 : i32
      %dma_wait3A_218 = tpu.memref_slice %arg4[%dma_wait3A_217] : memref<10240xf32, #tpu.memory_space<vmem_shared>> -> memref<10240xf32, #tpu.memory_space<vmem_shared>>
      tpu.wait_indirect_dma semaphore(%arg8 : memref<!tpu.dma_semaphore, #tpu.memory_space<semaphore_mem>>) src(%dma_wait3A_213 : memref<128xf32, #tpu.memory_space<vmem>>) dst(%dma_wait3A_218 : memref<10240xf32, #tpu.memory_space<vmem_shared>>)
    }
    %scan3A_32 = arith.constant 10 : i32
    %barrier3A_33 = arith.constant 0 : index
    tpu.barrier barrier_id(%barrier3A_33)
    %mul3A_34 = arith.constant 640 : i32
    %mul3A_35 = arith.muli %arg1, %mul3A_34 : i32
    %mul3A_36 = arith.constant 640 : i32
    %mul3A_37 = arith.muli %arg1, %mul3A_36 : i32
    "tpu.region"() ({
      %run_scoped3A = tpu.sem_alloc : memref<!tpu.dma_semaphore, #tpu.memory_space<semaphore_mem>>
      %dma_start3A_38 = tpu.memref_slice %arg3[%arg0, %mul3A_37] : memref<2x10240xf32, #tpu.memory_space<hbm>> -> memref<1x640xf32, #tpu.memory_space<hbm>>
      %dma_start3A_39 = tpu.memref_squeeze %dma_start3A_38 : memref<1x640xf32, #tpu.memory_space<hbm>> -> memref<640xf32, #tpu.memory_space<hbm>>
      %dma_start3A_40 = tpu.memref_slice %arg4[%mul3A_35] : memref<10240xf32, #tpu.memory_space<vmem_shared>> -> memref<640xf32, #tpu.memory_space<vmem_shared>>
      tpu.enqueue_dma source(%dma_start3A_40 : memref<640xf32, #tpu.memory_space<vmem_shared>>) target(%dma_start3A_39 : memref<640xf32, #tpu.memory_space<hbm>>) target_semaphore(%run_scoped3A : memref<!tpu.dma_semaphore, #tpu.memory_space<semaphore_mem>>)
      %dma_wait3A_41 = tpu.memref_slice %arg3[%arg0, %mul3A_37] : memref<2x10240xf32, #tpu.memory_space<hbm>> -> memref<1x640xf32, #tpu.memory_space<hbm>>
      %dma_wait3A_42 = tpu.memref_squeeze %dma_wait3A_41 : memref<1x640xf32, #tpu.memory_space<hbm>> -> memref<640xf32, #tpu.memory_space<hbm>>
      %dma_wait3A_43 = tpu.memref_slice %arg4[%mul3A_35] : memref<10240xf32, #tpu.memory_space<vmem_shared>> -> memref<640xf32, #tpu.memory_space<vmem_shared>>
      tpu.wait_dma2 semaphore(%run_scoped3A : memref<!tpu.dma_semaphore, #tpu.memory_space<semaphore_mem>>) src(%dma_wait3A_43 : memref<640xf32, #tpu.memory_space<vmem_shared>>) dst(%dma_wait3A_42 : memref<640xf32, #tpu.memory_space<hbm>>)
      tpu.yield
    }) : () -> ()
    return
  }
}

#map = affine_map<(d0, d1) -> (0, 0)>
#map1 = affine_map<(d0, d1) -> (0, 0, 0, 0)>
#map2 = affine_map<(d0, d1) -> (0, 0, 0)>
module attributes {stable_mosaic.version = 14 : i64} {
  func.func @k(%arg0: i32, %arg1: i32, %arg2: memref<10240x128xf32, #tpu.memory_space<hbm>>, %arg3: memref<2x32x80x128xi32, #tpu.memory_space<hbm>>, %arg4: memref<2x10240x128xf32, #tpu.memory_space<hbm>>, %arg5: memref<10240x128xf32, #tpu.memory_space<vmem_shared>>, %arg6: memref<80x128xi32, #tpu.memory_space<vmem>>, %arg7: memref<1x128xi32, #tpu.memory_space<vmem>>, %arg8: memref<1x128xi32, #tpu.memory_space<vmem>>, %arg9: memref<128x128xf32, #tpu.memory_space<vmem>>, %arg10: memref<128x128xf32, #tpu.memory_space<vmem>>, %arg11: memref<32x128xf32, #tpu.memory_space<vmem>>, %arg12: memref<!tpu.dma_semaphore, #tpu.memory_space<semaphore_mem>>, %arg13: memref<!tpu.dma_semaphore, #tpu.memory_space<semaphore_mem>>, %arg14: memref<!tpu.dma_semaphore, #tpu.memory_space<semaphore_mem>>, %arg15: memref<!tpu.dma_semaphore, #tpu.memory_space<semaphore_mem>>, %arg16: memref<!tpu.dma_semaphore, #tpu.memory_space<semaphore_mem>>) attributes {dimension_semantics = [#tpu.dimension_semantics<core_parallel>, #tpu.dimension_semantics<subcore_parallel>], iteration_bounds = array<i64: 2, 16>, scalar_prefetch = 0 : i64, scratch_operands = 12 : i64, tpu.core_type = #tpu.core_type<sc_vector_subcore>, window_params = [{transform_indices = #map}, {transform_indices = #map1}, {transform_indices = #map2}]} {
    %mul3A = arith.constant 16 : i32
    %mul3A_0 = arith.muli %arg0, %mul3A : i32
    %add3A = arith.addi %mul3A_0, %arg1 : i32
    %dma_start3A = arith.constant 0 : i32
    %dma_start3A_1 = arith.constant 0 : i32
    %dma_start3A_2 = arith.constant 0 : i32
    %dma_start3A_3 = tpu.memref_slice %arg3[%dma_start3A, %add3A, %dma_start3A_1, %dma_start3A_2] : memref<2x32x80x128xi32, #tpu.memory_space<hbm>> -> memref<1x1x80x128xi32, #tpu.memory_space<hbm>>
    %dma_start3A_4 = tpu.memref_squeeze %dma_start3A_3 : memref<1x1x80x128xi32, #tpu.memory_space<hbm>> -> memref<80x128xi32, #tpu.memory_space<hbm>>
    %dma_start3A_5 = arith.constant 0 : i32
    %dma_start3A_6 = arith.constant 0 : i32
    %dma_start3A_7 = tpu.memref_slice %arg3[%dma_start3A, %add3A, %dma_start3A_5, %dma_start3A_6] : memref<2x32x80x128xi32, #tpu.memory_space<hbm>> -> memref<1x1x80x128xi32, #tpu.memory_space<hbm>>
    %dma_start3A_8 = tpu.memref_squeeze %dma_start3A_7 : memref<1x1x80x128xi32, #tpu.memory_space<hbm>> -> memref<80x128xi32, #tpu.memory_space<hbm>>
    tpu.enqueue_dma source(%dma_start3A_8 : memref<80x128xi32, #tpu.memory_space<hbm>>) target(%arg6 : memref<80x128xi32, #tpu.memory_space<vmem>>) target_semaphore(%arg12 : memref<!tpu.dma_semaphore, #tpu.memory_space<semaphore_mem>>)
    %scan3A = arith.constant 0 : i32
    %scan3A_9 = arith.constant 32 : i32
    %scan3A_10 = arith.addi %scan3A, %scan3A_9 : i32
    %scan3A_11 = arith.constant 1 : i32
    scf.for %scan3A_68 = %scan3A to %scan3A_10 step %scan3A_11  : i32 {
      %mul3A_69 = arith.constant 1 : i32
      %mul3A_70 = arith.muli %scan3A_68, %mul3A_69 : i32
      %add3A_71 = arith.constant 0 : i32
      %add3A_72 = arith.addi %add3A_71, %mul3A_70 : i32
      %scan3A_73 = arith.constant 0 : i32
      %scan3A_74 = arith.constant 8 : i32
      %scan3A_75 = arith.addi %scan3A_73, %scan3A_74 : i32
      %scan3A_76 = arith.constant 1 : i32
      scf.for %scan3A_78 = %scan3A_73 to %scan3A_75 step %scan3A_76  : i32 {
        %mul3A_79 = arith.constant 16 : i32
        %mul3A_80 = arith.muli %scan3A_78, %mul3A_79 : i32
        %add3A_81 = arith.constant 0 : i32
        %add3A_82 = arith.addi %add3A_81, %mul3A_80 : i32
        %broadcast_in_dim3A = arith.constant 0.000000e+00 : f32
        %broadcast_in_dim3A_83 = vector.broadcast %broadcast_in_dim3A : f32 to vector<16xf32>
        %swap3A = arith.index_cast %add3A_72 : i32 to index
        %swap3A_84 = arith.index_cast %add3A_82 : i32 to index
        %swap3A_85 = tpu.vector_load %arg11[%swap3A, %swap3A_84] {strides = array<i32>} : memref<32x128xf32, #tpu.memory_space<vmem>>, vector<1x16xf32>,
        %swap3A_86 = vector.shape_cast %swap3A_85 : vector<1x16xf32> to vector<16xf32>
        %swap3A_87 = vector.shape_cast %broadcast_in_dim3A_83 : vector<16xf32> to vector<1x16xf32>
        tpu.vector_store %arg11[%swap3A, %swap3A_84], %swap3A_87 {strides = array<i32>} : memref<32x128xf32, #tpu.memory_space<vmem>>, vector<1x16xf32>,
      }
      %scan3A_77 = arith.constant 8 : i32
    }
    %scan3A_12 = arith.constant 32 : i32
    %dma_wait3A = arith.constant 0 : i32
    %dma_wait3A_13 = arith.constant 0 : i32
    %dma_wait3A_14 = arith.constant 0 : i32
    %dma_wait3A_15 = tpu.memref_slice %arg3[%dma_wait3A, %add3A, %dma_wait3A_13, %dma_wait3A_14] : memref<2x32x80x128xi32, #tpu.memory_space<hbm>> -> memref<1x1x80x128xi32, #tpu.memory_space<hbm>>
    %dma_wait3A_16 = tpu.memref_squeeze %dma_wait3A_15 : memref<1x1x80x128xi32, #tpu.memory_space<hbm>> -> memref<80x128xi32, #tpu.memory_space<hbm>>
    %dma_wait3A_17 = arith.constant 0 : i32
    %dma_wait3A_18 = arith.constant 0 : i32
    %dma_wait3A_19 = tpu.memref_slice %arg3[%dma_wait3A, %add3A, %dma_wait3A_17, %dma_wait3A_18] : memref<2x32x80x128xi32, #tpu.memory_space<hbm>> -> memref<1x1x80x128xi32, #tpu.memory_space<hbm>>
    %dma_wait3A_20 = tpu.memref_squeeze %dma_wait3A_19 : memref<1x1x80x128xi32, #tpu.memory_space<hbm>> -> memref<80x128xi32, #tpu.memory_space<hbm>>
    tpu.wait_dma2 semaphore(%arg12 : memref<!tpu.dma_semaphore, #tpu.memory_space<semaphore_mem>>) src(%dma_wait3A_20 : memref<80x128xi32, #tpu.memory_space<hbm>>) dst(%arg6 : memref<80x128xi32, #tpu.memory_space<vmem>>)
    %dma_start3A_21 = arith.constant 1 : i32
    %dma_start3A_22 = arith.constant 0 : i32
    %dma_start3A_23 = arith.constant 0 : i32
    %dma_start3A_24 = tpu.memref_slice %arg3[%dma_start3A_21, %add3A, %dma_start3A_22, %dma_start3A_23] : memref<2x32x80x128xi32, #tpu.memory_space<hbm>> -> memref<1x1x1x128xi32, #tpu.memory_space<hbm>>
    %dma_start3A_25 = tpu.memref_squeeze %dma_start3A_24 : memref<1x1x1x128xi32, #tpu.memory_space<hbm>> -> memref<1x128xi32, #tpu.memory_space<hbm>>
    %dma_start3A_26 = arith.constant 0 : i32
    %dma_start3A_27 = arith.constant 0 : i32
    %dma_start3A_28 = tpu.memref_slice %arg3[%dma_start3A_21, %add3A, %dma_start3A_26, %dma_start3A_27] : memref<2x32x80x128xi32, #tpu.memory_space<hbm>> -> memref<1x1x1x128xi32, #tpu.memory_space<hbm>>
    %dma_start3A_29 = tpu.memref_squeeze %dma_start3A_28 : memref<1x1x1x128xi32, #tpu.memory_space<hbm>> -> memref<1x128xi32, #tpu.memory_space<hbm>>
    tpu.enqueue_dma source(%dma_start3A_29 : memref<1x128xi32, #tpu.memory_space<hbm>>) target(%arg7 : memref<1x128xi32, #tpu.memory_space<vmem>>) target_semaphore(%arg15 : memref<!tpu.dma_semaphore, #tpu.memory_space<semaphore_mem>>)
    %dma_start3A_30 = arith.constant 1 : i32
    %dma_start3A_31 = arith.constant 1 : i32
    %dma_start3A_32 = arith.constant 0 : i32
    %dma_start3A_33 = tpu.memref_slice %arg3[%dma_start3A_30, %add3A, %dma_start3A_31, %dma_start3A_32] : memref<2x32x80x128xi32, #tpu.memory_space<hbm>> -> memref<1x1x1x128xi32, #tpu.memory_space<hbm>>
    %dma_start3A_34 = tpu.memref_squeeze %dma_start3A_33 : memref<1x1x1x128xi32, #tpu.memory_space<hbm>> -> memref<1x128xi32, #tpu.memory_space<hbm>>
    %dma_start3A_35 = arith.constant 1 : i32
    %dma_start3A_36 = arith.constant 0 : i32
    %dma_start3A_37 = tpu.memref_slice %arg3[%dma_start3A_30, %add3A, %dma_start3A_35, %dma_start3A_36] : memref<2x32x80x128xi32, #tpu.memory_space<hbm>> -> memref<1x1x1x128xi32, #tpu.memory_space<hbm>>
    %dma_start3A_38 = tpu.memref_squeeze %dma_start3A_37 : memref<1x1x1x128xi32, #tpu.memory_space<hbm>> -> memref<1x128xi32, #tpu.memory_space<hbm>>
    tpu.enqueue_dma source(%dma_start3A_38 : memref<1x128xi32, #tpu.memory_space<hbm>>) target(%arg8 : memref<1x128xi32, #tpu.memory_space<vmem>>) target_semaphore(%arg16 : memref<!tpu.dma_semaphore, #tpu.memory_space<semaphore_mem>>)
    %dma_start3A_39 = arith.constant 0 : i32
    %dma_start3A_40 = arith.constant 0 : i32
    %dma_start3A_41 = tpu.memref_slice %arg6[%dma_start3A_39, %dma_start3A_40] : memref<80x128xi32, #tpu.memory_space<vmem>> -> memref<1x128xi32, #tpu.memory_space<vmem>>
    %dma_start3A_42 = tpu.memref_squeeze %dma_start3A_41 : memref<1x128xi32, #tpu.memory_space<vmem>> -> memref<128xi32, #tpu.memory_space<vmem>>
    %dma_start3A_43 = arith.constant 0 : i32
    %dma_start3A_44 = arith.constant 0 : i32
    %dma_start3A_45 = tpu.memref_slice %arg2[%dma_start3A_43, %dma_start3A_44] : memref<10240x128xf32, #tpu.memory_space<hbm>> -> memref<10240x128xf32, #tpu.memory_space<hbm>>
    tpu.enqueue_indirect_dma source(%dma_start3A_45 : memref<10240x128xf32, #tpu.memory_space<hbm>>) target(%arg9 : memref<128x128xf32, #tpu.memory_space<vmem>>) offsets(%dma_start3A_42 : memref<128xi32, #tpu.memory_space<vmem>>) semaphore(%arg13 : memref<!tpu.dma_semaphore, #tpu.memory_space<semaphore_mem>>)
    %dma_start3A_46 = arith.constant 1 : i32
    %dma_start3A_47 = arith.constant 0 : i32
    %dma_start3A_48 = tpu.memref_slice %arg6[%dma_start3A_46, %dma_start3A_47] : memref<80x128xi32, #tpu.memory_space<vmem>> -> memref<1x128xi32, #tpu.memory_space<vmem>>
    %dma_start3A_49 = tpu.memref_squeeze %dma_start3A_48 : memref<1x128xi32, #tpu.memory_space<vmem>> -> memref<128xi32, #tpu.memory_space<vmem>>
    %dma_start3A_50 = arith.constant 0 : i32
    %dma_start3A_51 = arith.constant 0 : i32
    %dma_start3A_52 = tpu.memref_slice %arg2[%dma_start3A_50, %dma_start3A_51] : memref<10240x128xf32, #tpu.memory_space<hbm>> -> memref<10240x128xf32, #tpu.memory_space<hbm>>
    tpu.enqueue_indirect_dma source(%dma_start3A_52 : memref<10240x128xf32, #tpu.memory_space<hbm>>) target(%arg10 : memref<128x128xf32, #tpu.memory_space<vmem>>) offsets(%dma_start3A_49 : memref<128xi32, #tpu.memory_space<vmem>>) semaphore(%arg14 : memref<!tpu.dma_semaphore, #tpu.memory_space<semaphore_mem>>)
    %scan3A_53 = arith.constant 0 : i32
    %scan3A_54 = arith.constant 20 : i32
    %scan3A_55 = arith.addi %scan3A_53, %scan3A_54 : i32
    %scan3A_56 = arith.constant 1 : i32
    scf.for %scan3A_68 = %scan3A_53 to %scan3A_55 step %scan3A_56  : i32 {
      %mul3A_69 = arith.constant 32 : i32
      %mul3A_70 = arith.muli %scan3A_68, %mul3A_69 : i32
      %add3A_71 = arith.constant 0 : i32
      %add3A_72 = arith.addi %add3A_71, %mul3A_70 : i32
      %mul3A_73 = arith.constant 640 : i32
      %mul3A_74 = arith.muli %arg1, %mul3A_73 : i32
      %add3A_75 = arith.addi %mul3A_74, %add3A_72 : i32
      "tpu.region"() ({
        %run_scoped3A = tpu.sem_alloc : memref<!tpu.dma_semaphore, #tpu.memory_space<semaphore_mem>>
        %dma_start3A_76 = arith.constant 0 : i32
        %dma_start3A_77 = tpu.memref_slice %arg5[%add3A_75, %dma_start3A_76] : memref<10240x128xf32, #tpu.memory_space<vmem_shared>> -> memref<32x128xf32, #tpu.memory_space<vmem_shared>>
        %dma_start3A_78 = arith.constant 0 : i32
        %dma_start3A_79 = tpu.memref_slice %arg5[%add3A_75, %dma_start3A_78] : memref<10240x128xf32, #tpu.memory_space<vmem_shared>> -> memref<32x128xf32, #tpu.memory_space<vmem_shared>>
        tpu.enqueue_dma source(%arg11 : memref<32x128xf32, #tpu.memory_space<vmem>>) target(%dma_start3A_79 : memref<32x128xf32, #tpu.memory_space<vmem_shared>>) target_semaphore(%run_scoped3A : memref<!tpu.dma_semaphore, #tpu.memory_space<semaphore_mem>>)
        %dma_wait3A_80 = arith.constant 0 : i32
        %dma_wait3A_81 = tpu.memref_slice %arg5[%add3A_75, %dma_wait3A_80] : memref<10240x128xf32, #tpu.memory_space<vmem_shared>> -> memref<32x128xf32, #tpu.memory_space<vmem_shared>>
        %dma_wait3A_82 = arith.constant 0 : i32
        %dma_wait3A_83 = tpu.memref_slice %arg5[%add3A_75, %dma_wait3A_82] : memref<10240x128xf32, #tpu.memory_space<vmem_shared>> -> memref<32x128xf32, #tpu.memory_space<vmem_shared>>
        tpu.wait_dma2 semaphore(%run_scoped3A : memref<!tpu.dma_semaphore, #tpu.memory_space<semaphore_mem>>) src(%arg11 : memref<32x128xf32, #tpu.memory_space<vmem>>) dst(%dma_wait3A_83 : memref<32x128xf32, #tpu.memory_space<vmem_shared>>)
        tpu.yield
      }) : () -> ()
    }
    %scan3A_57 = arith.constant 20 : i32
    %barrier3A = arith.constant 0 : index
    tpu.barrier barrier_id(%barrier3A)
    %scan3A_58 = arith.constant 0 : i32
    %scan3A_59 = arith.constant 40 : i32
    %scan3A_60 = arith.addi %scan3A_58, %scan3A_59 : i32
    %scan3A_61 = arith.constant 1 : i32
    scf.for %scan3A_68 = %scan3A_58 to %scan3A_60 step %scan3A_61  : i32 {
      %mul3A_69 = arith.constant 2 : i32
      %mul3A_70 = arith.muli %scan3A_68, %mul3A_69 : i32
      %add3A_71 = arith.constant 0 : i32
      %add3A_72 = arith.addi %add3A_71, %mul3A_70 : i32
      %dma_wait3A_73 = arith.constant 0 : i32
      %dma_wait3A_74 = tpu.memref_slice %arg6[%add3A_72, %dma_wait3A_73] : memref<80x128xi32, #tpu.memory_space<vmem>> -> memref<1x128xi32, #tpu.memory_space<vmem>>
      %dma_wait3A_75 = tpu.memref_squeeze %dma_wait3A_74 : memref<1x128xi32, #tpu.memory_space<vmem>> -> memref<128xi32, #tpu.memory_space<vmem>>
      %dma_wait3A_76 = arith.constant 0 : i32
      %dma_wait3A_77 = arith.constant 0 : i32
      %dma_wait3A_78 = tpu.memref_slice %arg2[%dma_wait3A_76, %dma_wait3A_77] : memref<10240x128xf32, #tpu.memory_space<hbm>> -> memref<10240x128xf32, #tpu.memory_space<hbm>>
      tpu.wait_indirect_dma semaphore(%arg13 : memref<!tpu.dma_semaphore, #tpu.memory_space<semaphore_mem>>) src(%dma_wait3A_78 : memref<10240x128xf32, #tpu.memory_space<hbm>>) dst(%arg9 : memref<128x128xf32, #tpu.memory_space<vmem>>)
      %dma_wait3A_79 = arith.constant 1 : i32
      %dma_wait3A_80 = arith.constant 0 : i32
      %dma_wait3A_81 = tpu.memref_slice %arg3[%dma_wait3A_79, %add3A, %add3A_72, %dma_wait3A_80] : memref<2x32x80x128xi32, #tpu.memory_space<hbm>> -> memref<1x1x1x128xi32, #tpu.memory_space<hbm>>
      %dma_wait3A_82 = tpu.memref_squeeze %dma_wait3A_81 : memref<1x1x1x128xi32, #tpu.memory_space<hbm>> -> memref<1x128xi32, #tpu.memory_space<hbm>>
      %dma_wait3A_83 = arith.constant 0 : i32
      %dma_wait3A_84 = tpu.memref_slice %arg3[%dma_wait3A_79, %add3A, %add3A_72, %dma_wait3A_83] : memref<2x32x80x128xi32, #tpu.memory_space<hbm>> -> memref<1x1x1x128xi32, #tpu.memory_space<hbm>>
      %dma_wait3A_85 = tpu.memref_squeeze %dma_wait3A_84 : memref<1x1x1x128xi32, #tpu.memory_space<hbm>> -> memref<1x128xi32, #tpu.memory_space<hbm>>
      tpu.wait_dma2 semaphore(%arg15 : memref<!tpu.dma_semaphore, #tpu.memory_space<semaphore_mem>>) src(%dma_wait3A_85 : memref<1x128xi32, #tpu.memory_space<hbm>>) dst(%arg7 : memref<1x128xi32, #tpu.memory_space<vmem>>)
      %run_scoped3A = arith.constant 0 : i32
      "tpu.region"() ({
        %run_scoped3A_115 = tpu.sem_alloc : memref<!tpu.dma_semaphore, #tpu.memory_space<semaphore_mem>>
        %dma_start3A_116 = arith.constant 0 : i32
        %dma_start3A_117 = tpu.memref_slice %arg7[%run_scoped3A, %dma_start3A_116] : memref<1x128xi32, #tpu.memory_space<vmem>> -> memref<1x128xi32, #tpu.memory_space<vmem>>
        %dma_start3A_118 = tpu.memref_squeeze %dma_start3A_117 : memref<1x128xi32, #tpu.memory_space<vmem>> -> memref<128xi32, #tpu.memory_space<vmem>>
        %dma_start3A_119 = arith.constant 0 : i32
        %dma_start3A_120 = arith.constant 0 : i32
        %dma_start3A_121 = tpu.memref_slice %arg5[%dma_start3A_119, %dma_start3A_120] : memref<10240x128xf32, #tpu.memory_space<vmem_shared>> -> memref<10240x128xf32, #tpu.memory_space<vmem_shared>>
        tpu.enqueue_indirect_dma source(%arg9 : memref<128x128xf32, #tpu.memory_space<vmem>>) target(%dma_start3A_121 : memref<10240x128xf32, #tpu.memory_space<vmem_shared>>) offsets(%dma_start3A_118 : memref<128xi32, #tpu.memory_space<vmem>>) semaphore(%run_scoped3A_115 : memref<!tpu.dma_semaphore, #tpu.memory_space<semaphore_mem>>) {add = true}
        %dma_wait3A_122 = arith.constant 0 : i32
        %dma_wait3A_123 = tpu.memref_slice %arg7[%run_scoped3A, %dma_wait3A_122] : memref<1x128xi32, #tpu.memory_space<vmem>> -> memref<1x128xi32, #tpu.memory_space<vmem>>
        %dma_wait3A_124 = tpu.memref_squeeze %dma_wait3A_123 : memref<1x128xi32, #tpu.memory_space<vmem>> -> memref<128xi32, #tpu.memory_space<vmem>>
        %dma_wait3A_125 = arith.constant 0 : i32
        %dma_wait3A_126 = arith.constant 0 : i32
        %dma_wait3A_127 = tpu.memref_slice %arg5[%dma_wait3A_125, %dma_wait3A_126] : memref<10240x128xf32, #tpu.memory_space<vmem_shared>> -> memref<10240x128xf32, #tpu.memory_space<vmem_shared>>
        tpu.wait_indirect_dma semaphore(%run_scoped3A_115 : memref<!tpu.dma_semaphore, #tpu.memory_space<semaphore_mem>>) src(%arg9 : memref<128x128xf32, #tpu.memory_space<vmem>>) dst(%dma_wait3A_127 : memref<10240x128xf32, #tpu.memory_space<vmem_shared>>)
        tpu.yield
      }) : () -> ()
      %add3A_86 = arith.constant 2 : i32
      %add3A_87 = arith.addi %add3A_72, %add3A_86 : i32
      %lt3A = arith.constant 80 : i32
      %lt3A_88 = arith.cmpi slt, %add3A_87, %lt3A : i32
      %convert_element_type3A = arith.extui %lt3A_88 : i1 to i32
      %cond3A = arith.constant 0 : i32
      %cond3A_89 = arith.cmpi ne, %convert_element_type3A, %cond3A : i32
      scf.if %cond3A_89 {
        %add3A_115 = arith.constant 2 : i32
        %add3A_116 = arith.addi %add3A_72, %add3A_115 : i32
        %dma_start3A_117 = arith.constant 1 : i32
        %dma_start3A_118 = arith.constant 0 : i32
        %dma_start3A_119 = tpu.memref_slice %arg3[%dma_start3A_117, %add3A, %add3A_116, %dma_start3A_118] : memref<2x32x80x128xi32, #tpu.memory_space<hbm>> -> memref<1x1x1x128xi32, #tpu.memory_space<hbm>>
        %dma_start3A_120 = tpu.memref_squeeze %dma_start3A_119 : memref<1x1x1x128xi32, #tpu.memory_space<hbm>> -> memref<1x128xi32, #tpu.memory_space<hbm>>
        %dma_start3A_121 = arith.constant 0 : i32
        %dma_start3A_122 = tpu.memref_slice %arg3[%dma_start3A_117, %add3A, %add3A_116, %dma_start3A_121] : memref<2x32x80x128xi32, #tpu.memory_space<hbm>> -> memref<1x1x1x128xi32, #tpu.memory_space<hbm>>
        %dma_start3A_123 = tpu.memref_squeeze %dma_start3A_122 : memref<1x1x1x128xi32, #tpu.memory_space<hbm>> -> memref<1x128xi32, #tpu.memory_space<hbm>>
        tpu.enqueue_dma source(%dma_start3A_123 : memref<1x128xi32, #tpu.memory_space<hbm>>) target(%arg7 : memref<1x128xi32, #tpu.memory_space<vmem>>) target_semaphore(%arg15 : memref<!tpu.dma_semaphore, #tpu.memory_space<semaphore_mem>>)
        %add3A_124 = arith.constant 2 : i32
        %add3A_125 = arith.addi %add3A_72, %add3A_124 : i32
        %dma_start3A_126 = arith.constant 0 : i32
        %dma_start3A_127 = tpu.memref_slice %arg6[%add3A_125, %dma_start3A_126] : memref<80x128xi32, #tpu.memory_space<vmem>> -> memref<1x128xi32, #tpu.memory_space<vmem>>
        %dma_start3A_128 = tpu.memref_squeeze %dma_start3A_127 : memref<1x128xi32, #tpu.memory_space<vmem>> -> memref<128xi32, #tpu.memory_space<vmem>>
        %dma_start3A_129 = arith.constant 0 : i32
        %dma_start3A_130 = arith.constant 0 : i32
        %dma_start3A_131 = tpu.memref_slice %arg2[%dma_start3A_129, %dma_start3A_130] : memref<10240x128xf32, #tpu.memory_space<hbm>> -> memref<10240x128xf32, #tpu.memory_space<hbm>>
        tpu.enqueue_indirect_dma source(%dma_start3A_131 : memref<10240x128xf32, #tpu.memory_space<hbm>>) target(%arg9 : memref<128x128xf32, #tpu.memory_space<vmem>>) offsets(%dma_start3A_128 : memref<128xi32, #tpu.memory_space<vmem>>) semaphore(%arg13 : memref<!tpu.dma_semaphore, #tpu.memory_space<semaphore_mem>>)
      } else {
      }
      %add3A_90 = arith.constant 1 : i32
      %add3A_91 = arith.addi %add3A_72, %add3A_90 : i32
      %dma_wait3A_92 = arith.constant 0 : i32
      %dma_wait3A_93 = tpu.memref_slice %arg6[%add3A_91, %dma_wait3A_92] : memref<80x128xi32, #tpu.memory_space<vmem>> -> memref<1x128xi32, #tpu.memory_space<vmem>>
      %dma_wait3A_94 = tpu.memref_squeeze %dma_wait3A_93 : memref<1x128xi32, #tpu.memory_space<vmem>> -> memref<128xi32, #tpu.memory_space<vmem>>
      %dma_wait3A_95 = arith.constant 0 : i32
      %dma_wait3A_96 = arith.constant 0 : i32
      %dma_wait3A_97 = tpu.memref_slice %arg2[%dma_wait3A_95, %dma_wait3A_96] : memref<10240x128xf32, #tpu.memory_space<hbm>> -> memref<10240x128xf32, #tpu.memory_space<hbm>>
      tpu.wait_indirect_dma semaphore(%arg14 : memref<!tpu.dma_semaphore, #tpu.memory_space<semaphore_mem>>) src(%dma_wait3A_97 : memref<10240x128xf32, #tpu.memory_space<hbm>>) dst(%arg10 : memref<128x128xf32, #tpu.memory_space<vmem>>)
      %add3A_98 = arith.constant 1 : i32
      %add3A_99 = arith.addi %add3A_72, %add3A_98 : i32
      %dma_wait3A_100 = arith.constant 1 : i32
      %dma_wait3A_101 = arith.constant 0 : i32
      %dma_wait3A_102 = tpu.memref_slice %arg3[%dma_wait3A_100, %add3A, %add3A_99, %dma_wait3A_101] : memref<2x32x80x128xi32, #tpu.memory_space<hbm>> -> memref<1x1x1x128xi32, #tpu.memory_space<hbm>>
      %dma_wait3A_103 = tpu.memref_squeeze %dma_wait3A_102 : memref<1x1x1x128xi32, #tpu.memory_space<hbm>> -> memref<1x128xi32, #tpu.memory_space<hbm>>
      %dma_wait3A_104 = arith.constant 0 : i32
      %dma_wait3A_105 = tpu.memref_slice %arg3[%dma_wait3A_100, %add3A, %add3A_99, %dma_wait3A_104] : memref<2x32x80x128xi32, #tpu.memory_space<hbm>> -> memref<1x1x1x128xi32, #tpu.memory_space<hbm>>
      %dma_wait3A_106 = tpu.memref_squeeze %dma_wait3A_105 : memref<1x1x1x128xi32, #tpu.memory_space<hbm>> -> memref<1x128xi32, #tpu.memory_space<hbm>>
      tpu.wait_dma2 semaphore(%arg16 : memref<!tpu.dma_semaphore, #tpu.memory_space<semaphore_mem>>) src(%dma_wait3A_106 : memref<1x128xi32, #tpu.memory_space<hbm>>) dst(%arg8 : memref<1x128xi32, #tpu.memory_space<vmem>>)
      %run_scoped3A_107 = arith.constant 0 : i32
      "tpu.region"() ({
        %run_scoped3A_115 = tpu.sem_alloc : memref<!tpu.dma_semaphore, #tpu.memory_space<semaphore_mem>>
        %dma_start3A_116 = arith.constant 0 : i32
        %dma_start3A_117 = tpu.memref_slice %arg8[%run_scoped3A_107, %dma_start3A_116] : memref<1x128xi32, #tpu.memory_space<vmem>> -> memref<1x128xi32, #tpu.memory_space<vmem>>
        %dma_start3A_118 = tpu.memref_squeeze %dma_start3A_117 : memref<1x128xi32, #tpu.memory_space<vmem>> -> memref<128xi32, #tpu.memory_space<vmem>>
        %dma_start3A_119 = arith.constant 0 : i32
        %dma_start3A_120 = arith.constant 0 : i32
        %dma_start3A_121 = tpu.memref_slice %arg5[%dma_start3A_119, %dma_start3A_120] : memref<10240x128xf32, #tpu.memory_space<vmem_shared>> -> memref<10240x128xf32, #tpu.memory_space<vmem_shared>>
        tpu.enqueue_indirect_dma source(%arg10 : memref<128x128xf32, #tpu.memory_space<vmem>>) target(%dma_start3A_121 : memref<10240x128xf32, #tpu.memory_space<vmem_shared>>) offsets(%dma_start3A_118 : memref<128xi32, #tpu.memory_space<vmem>>) semaphore(%run_scoped3A_115 : memref<!tpu.dma_semaphore, #tpu.memory_space<semaphore_mem>>) {add = true}
        %dma_wait3A_122 = arith.constant 0 : i32
        %dma_wait3A_123 = tpu.memref_slice %arg8[%run_scoped3A_107, %dma_wait3A_122] : memref<1x128xi32, #tpu.memory_space<vmem>> -> memref<1x128xi32, #tpu.memory_space<vmem>>
        %dma_wait3A_124 = tpu.memref_squeeze %dma_wait3A_123 : memref<1x128xi32, #tpu.memory_space<vmem>> -> memref<128xi32, #tpu.memory_space<vmem>>
        %dma_wait3A_125 = arith.constant 0 : i32
        %dma_wait3A_126 = arith.constant 0 : i32
        %dma_wait3A_127 = tpu.memref_slice %arg5[%dma_wait3A_125, %dma_wait3A_126] : memref<10240x128xf32, #tpu.memory_space<vmem_shared>> -> memref<10240x128xf32, #tpu.memory_space<vmem_shared>>
        tpu.wait_indirect_dma semaphore(%run_scoped3A_115 : memref<!tpu.dma_semaphore, #tpu.memory_space<semaphore_mem>>) src(%arg10 : memref<128x128xf32, #tpu.memory_space<vmem>>) dst(%dma_wait3A_127 : memref<10240x128xf32, #tpu.memory_space<vmem_shared>>)
        tpu.yield
      }) : () -> ()
      %add3A_108 = arith.constant 3 : i32
      %add3A_109 = arith.addi %add3A_72, %add3A_108 : i32
      %lt3A_110 = arith.constant 80 : i32
      %lt3A_111 = arith.cmpi slt, %add3A_109, %lt3A_110 : i32
      %convert_element_type3A_112 = arith.extui %lt3A_111 : i1 to i32
      %cond3A_113 = arith.constant 0 : i32
      %cond3A_114 = arith.cmpi ne, %convert_element_type3A_112, %cond3A_113 : i32
      scf.if %cond3A_114 {
        %add3A_115 = arith.constant 3 : i32
        %add3A_116 = arith.addi %add3A_72, %add3A_115 : i32
        %dma_start3A_117 = arith.constant 1 : i32
        %dma_start3A_118 = arith.constant 0 : i32
        %dma_start3A_119 = tpu.memref_slice %arg3[%dma_start3A_117, %add3A, %add3A_116, %dma_start3A_118] : memref<2x32x80x128xi32, #tpu.memory_space<hbm>> -> memref<1x1x1x128xi32, #tpu.memory_space<hbm>>
        %dma_start3A_120 = tpu.memref_squeeze %dma_start3A_119 : memref<1x1x1x128xi32, #tpu.memory_space<hbm>> -> memref<1x128xi32, #tpu.memory_space<hbm>>
        %dma_start3A_121 = arith.constant 0 : i32
        %dma_start3A_122 = tpu.memref_slice %arg3[%dma_start3A_117, %add3A, %add3A_116, %dma_start3A_121] : memref<2x32x80x128xi32, #tpu.memory_space<hbm>> -> memref<1x1x1x128xi32, #tpu.memory_space<hbm>>
        %dma_start3A_123 = tpu.memref_squeeze %dma_start3A_122 : memref<1x1x1x128xi32, #tpu.memory_space<hbm>> -> memref<1x128xi32, #tpu.memory_space<hbm>>
        tpu.enqueue_dma source(%dma_start3A_123 : memref<1x128xi32, #tpu.memory_space<hbm>>) target(%arg8 : memref<1x128xi32, #tpu.memory_space<vmem>>) target_semaphore(%arg16 : memref<!tpu.dma_semaphore, #tpu.memory_space<semaphore_mem>>)
        %add3A_124 = arith.constant 3 : i32
        %add3A_125 = arith.addi %add3A_72, %add3A_124 : i32
        %dma_start3A_126 = arith.constant 0 : i32
        %dma_start3A_127 = tpu.memref_slice %arg6[%add3A_125, %dma_start3A_126] : memref<80x128xi32, #tpu.memory_space<vmem>> -> memref<1x128xi32, #tpu.memory_space<vmem>>
        %dma_start3A_128 = tpu.memref_squeeze %dma_start3A_127 : memref<1x128xi32, #tpu.memory_space<vmem>> -> memref<128xi32, #tpu.memory_space<vmem>>
        %dma_start3A_129 = arith.constant 0 : i32
        %dma_start3A_130 = arith.constant 0 : i32
        %dma_start3A_131 = tpu.memref_slice %arg2[%dma_start3A_129, %dma_start3A_130] : memref<10240x128xf32, #tpu.memory_space<hbm>> -> memref<10240x128xf32, #tpu.memory_space<hbm>>
        tpu.enqueue_indirect_dma source(%dma_start3A_131 : memref<10240x128xf32, #tpu.memory_space<hbm>>) target(%arg10 : memref<128x128xf32, #tpu.memory_space<vmem>>) offsets(%dma_start3A_128 : memref<128xi32, #tpu.memory_space<vmem>>) semaphore(%arg14 : memref<!tpu.dma_semaphore, #tpu.memory_space<semaphore_mem>>)
      } else {
      }
    }
    %scan3A_62 = arith.constant 40 : i32
    %barrier3A_63 = arith.constant 0 : index
    tpu.barrier barrier_id(%barrier3A_63)
    %mul3A_64 = arith.constant 640 : i32
    %mul3A_65 = arith.muli %arg1, %mul3A_64 : i32
    %mul3A_66 = arith.constant 640 : i32
    %mul3A_67 = arith.muli %arg1, %mul3A_66 : i32
    "tpu.region"() ({
      %run_scoped3A = tpu.sem_alloc : memref<!tpu.dma_semaphore, #tpu.memory_space<semaphore_mem>>
      %dma_start3A_68 = arith.constant 0 : i32
      %dma_start3A_69 = tpu.memref_slice %arg4[%arg0, %mul3A_67, %dma_start3A_68] : memref<2x10240x128xf32, #tpu.memory_space<hbm>> -> memref<1x640x128xf32, #tpu.memory_space<hbm>>
      %dma_start3A_70 = tpu.memref_squeeze %dma_start3A_69 : memref<1x640x128xf32, #tpu.memory_space<hbm>> -> memref<640x128xf32, #tpu.memory_space<hbm>>
      %dma_start3A_71 = arith.constant 0 : i32
      %dma_start3A_72 = tpu.memref_slice %arg5[%mul3A_65, %dma_start3A_71] : memref<10240x128xf32, #tpu.memory_space<vmem_shared>> -> memref<640x128xf32, #tpu.memory_space<vmem_shared>>
      tpu.enqueue_dma source(%dma_start3A_72 : memref<640x128xf32, #tpu.memory_space<vmem_shared>>) target(%dma_start3A_70 : memref<640x128xf32, #tpu.memory_space<hbm>>) target_semaphore(%run_scoped3A : memref<!tpu.dma_semaphore, #tpu.memory_space<semaphore_mem>>)
      %dma_wait3A_73 = arith.constant 0 : i32
      %dma_wait3A_74 = tpu.memref_slice %arg4[%arg0, %mul3A_67, %dma_wait3A_73] : memref<2x10240x128xf32, #tpu.memory_space<hbm>> -> memref<1x640x128xf32, #tpu.memory_space<hbm>>
      %dma_wait3A_75 = tpu.memref_squeeze %dma_wait3A_74 : memref<1x640x128xf32, #tpu.memory_space<hbm>> -> memref<640x128xf32, #tpu.memory_space<hbm>>
      %dma_wait3A_76 = arith.constant 0 : i32
      %dma_wait3A_77 = tpu.memref_slice %arg5[%mul3A_65, %dma_wait3A_76] : memref<10240x128xf32, #tpu.memory_space<vmem_shared>> -> memref<640x128xf32, #tpu.memory_space<vmem_shared>>
      tpu.wait_dma2 semaphore(%run_scoped3A : memref<!tpu.dma_semaphore, #tpu.memory_space<semaphore_mem>>) src(%dma_wait3A_77 : memref<640x128xf32, #tpu.memory_space<vmem_shared>>) dst(%dma_wait3A_75 : memref<640x128xf32, #tpu.memory_space<hbm>>)
      tpu.yield
    }) : () -> ()
    return
  }
}

#map = affine_map<(d0, d1) -> (0, 0)>
#map1 = affine_map<(d0, d1) -> (0, 0, 0, 0)>
#map2 = affine_map<(d0, d1) -> (0, 0, 0)>
module attributes {stable_mosaic.version = 14 : i64} {
  func.func @k(%arg0: i32, %arg1: i32, %arg2: memref<10240x128xf32, #tpu.memory_space<hbm>>, %arg3: memref<2x32x80x128xi32, #tpu.memory_space<hbm>>, %arg4: memref<2x10240x128xf32, #tpu.memory_space<hbm>>, %arg5: memref<10240x128xf32, #tpu.memory_space<vmem_shared>>, %arg6: memref<80x128xi32, #tpu.memory_space<vmem>>, %arg7: memref<1x128xi32, #tpu.memory_space<vmem>>, %arg8: memref<1x128xi32, #tpu.memory_space<vmem>>, %arg9: memref<128x128xf32, #tpu.memory_space<vmem>>, %arg10: memref<128x128xf32, #tpu.memory_space<vmem>>, %arg11: memref<32x128xf32, #tpu.memory_space<vmem>>, %arg12: memref<!tpu.dma_semaphore, #tpu.memory_space<semaphore_mem>>, %arg13: memref<!tpu.dma_semaphore, #tpu.memory_space<semaphore_mem>>, %arg14: memref<!tpu.dma_semaphore, #tpu.memory_space<semaphore_mem>>, %arg15: memref<!tpu.dma_semaphore, #tpu.memory_space<semaphore_mem>>, %arg16: memref<!tpu.dma_semaphore, #tpu.memory_space<semaphore_mem>>) attributes {dimension_semantics = [#tpu.dimension_semantics<core_parallel>, #tpu.dimension_semantics<subcore_parallel>], iteration_bounds = array<i64: 2, 16>, scalar_prefetch = 0 : i64, scratch_operands = 12 : i64, tpu.core_type = #tpu.core_type<sc_vector_subcore>, window_params = [{transform_indices = #map}, {transform_indices = #map1}, {transform_indices = #map2}]} {
    %mul3A = arith.constant 16 : i32
    %mul3A_0 = arith.muli %arg0, %mul3A : i32
    %add3A = arith.addi %mul3A_0, %arg1 : i32
    %dma_start3A = arith.constant 0 : i32
    %dma_start3A_1 = arith.constant 0 : i32
    %dma_start3A_2 = arith.constant 0 : i32
    %dma_start3A_3 = tpu.memref_slice %arg3[%dma_start3A, %add3A, %dma_start3A_1, %dma_start3A_2] : memref<2x32x80x128xi32, #tpu.memory_space<hbm>> -> memref<1x1x80x128xi32, #tpu.memory_space<hbm>>
    %dma_start3A_4 = tpu.memref_squeeze %dma_start3A_3 : memref<1x1x80x128xi32, #tpu.memory_space<hbm>> -> memref<80x128xi32, #tpu.memory_space<hbm>>
    %dma_start3A_5 = arith.constant 0 : i32
    %dma_start3A_6 = arith.constant 0 : i32
    %dma_start3A_7 = tpu.memref_slice %arg3[%dma_start3A, %add3A, %dma_start3A_5, %dma_start3A_6] : memref<2x32x80x128xi32, #tpu.memory_space<hbm>> -> memref<1x1x80x128xi32, #tpu.memory_space<hbm>>
    %dma_start3A_8 = tpu.memref_squeeze %dma_start3A_7 : memref<1x1x80x128xi32, #tpu.memory_space<hbm>> -> memref<80x128xi32, #tpu.memory_space<hbm>>
    tpu.enqueue_dma source(%dma_start3A_8 : memref<80x128xi32, #tpu.memory_space<hbm>>) target(%arg6 : memref<80x128xi32, #tpu.memory_space<vmem>>) target_semaphore(%arg12 : memref<!tpu.dma_semaphore, #tpu.memory_space<semaphore_mem>>)
    %scan3A = arith.constant 0 : i32
    %scan3A_9 = arith.constant 32 : i32
    %scan3A_10 = arith.addi %scan3A, %scan3A_9 : i32
    %scan3A_11 = arith.constant 1 : i32
    scf.for %scan3A_68 = %scan3A to %scan3A_10 step %scan3A_11  : i32 {
      %mul3A_69 = arith.constant 1 : i32
      %mul3A_70 = arith.muli %scan3A_68, %mul3A_69 : i32
      %add3A_71 = arith.constant 0 : i32
      %add3A_72 = arith.addi %add3A_71, %mul3A_70 : i32
      %scan3A_73 = arith.constant 0 : i32
      %scan3A_74 = arith.constant 8 : i32
      %scan3A_75 = arith.addi %scan3A_73, %scan3A_74 : i32
      %scan3A_76 = arith.constant 1 : i32
      scf.for %scan3A_78 = %scan3A_73 to %scan3A_75 step %scan3A_76  : i32 {
        %mul3A_79 = arith.constant 16 : i32
        %mul3A_80 = arith.muli %scan3A_78, %mul3A_79 : i32
        %add3A_81 = arith.constant 0 : i32
        %add3A_82 = arith.addi %add3A_81, %mul3A_80 : i32
        %broadcast_in_dim3A = arith.constant 0.000000e+00 : f32
        %broadcast_in_dim3A_83 = vector.broadcast %broadcast_in_dim3A : f32 to vector<16xf32>
        %swap3A = arith.index_cast %add3A_72 : i32 to index
        %swap3A_84 = arith.index_cast %add3A_82 : i32 to index
        %swap3A_85 = tpu.vector_load %arg11[%swap3A, %swap3A_84] {strides = array<i32>} : memref<32x128xf32, #tpu.memory_space<vmem>>, vector<1x16xf32>,
        %swap3A_86 = vector.shape_cast %swap3A_85 : vector<1x16xf32> to vector<16xf32>
        %swap3A_87 = vector.shape_cast %broadcast_in_dim3A_83 : vector<16xf32> to vector<1x16xf32>
        tpu.vector_store %arg11[%swap3A, %swap3A_84], %swap3A_87 {strides = array<i32>} : memref<32x128xf32, #tpu.memory_space<vmem>>, vector<1x16xf32>,
      }
      %scan3A_77 = arith.constant 8 : i32
    }
    %scan3A_12 = arith.constant 32 : i32
    %dma_wait3A = arith.constant 0 : i32
    %dma_wait3A_13 = arith.constant 0 : i32
    %dma_wait3A_14 = arith.constant 0 : i32
    %dma_wait3A_15 = tpu.memref_slice %arg3[%dma_wait3A, %add3A, %dma_wait3A_13, %dma_wait3A_14] : memref<2x32x80x128xi32, #tpu.memory_space<hbm>> -> memref<1x1x80x128xi32, #tpu.memory_space<hbm>>
    %dma_wait3A_16 = tpu.memref_squeeze %dma_wait3A_15 : memref<1x1x80x128xi32, #tpu.memory_space<hbm>> -> memref<80x128xi32, #tpu.memory_space<hbm>>
    %dma_wait3A_17 = arith.constant 0 : i32
    %dma_wait3A_18 = arith.constant 0 : i32
    %dma_wait3A_19 = tpu.memref_slice %arg3[%dma_wait3A, %add3A, %dma_wait3A_17, %dma_wait3A_18] : memref<2x32x80x128xi32, #tpu.memory_space<hbm>> -> memref<1x1x80x128xi32, #tpu.memory_space<hbm>>
    %dma_wait3A_20 = tpu.memref_squeeze %dma_wait3A_19 : memref<1x1x80x128xi32, #tpu.memory_space<hbm>> -> memref<80x128xi32, #tpu.memory_space<hbm>>
    tpu.wait_dma2 semaphore(%arg12 : memref<!tpu.dma_semaphore, #tpu.memory_space<semaphore_mem>>) src(%dma_wait3A_20 : memref<80x128xi32, #tpu.memory_space<hbm>>) dst(%arg6 : memref<80x128xi32, #tpu.memory_space<vmem>>)
    %dma_start3A_21 = arith.constant 1 : i32
    %dma_start3A_22 = arith.constant 0 : i32
    %dma_start3A_23 = arith.constant 0 : i32
    %dma_start3A_24 = tpu.memref_slice %arg3[%dma_start3A_21, %add3A, %dma_start3A_22, %dma_start3A_23] : memref<2x32x80x128xi32, #tpu.memory_space<hbm>> -> memref<1x1x1x128xi32, #tpu.memory_space<hbm>>
    %dma_start3A_25 = tpu.memref_squeeze %dma_start3A_24 : memref<1x1x1x128xi32, #tpu.memory_space<hbm>> -> memref<1x128xi32, #tpu.memory_space<hbm>>
    %dma_start3A_26 = arith.constant 0 : i32
    %dma_start3A_27 = arith.constant 0 : i32
    %dma_start3A_28 = tpu.memref_slice %arg3[%dma_start3A_21, %add3A, %dma_start3A_26, %dma_start3A_27] : memref<2x32x80x128xi32, #tpu.memory_space<hbm>> -> memref<1x1x1x128xi32, #tpu.memory_space<hbm>>
    %dma_start3A_29 = tpu.memref_squeeze %dma_start3A_28 : memref<1x1x1x128xi32, #tpu.memory_space<hbm>> -> memref<1x128xi32, #tpu.memory_space<hbm>>
    tpu.enqueue_dma source(%dma_start3A_29 : memref<1x128xi32, #tpu.memory_space<hbm>>) target(%arg7 : memref<1x128xi32, #tpu.memory_space<vmem>>) target_semaphore(%arg15 : memref<!tpu.dma_semaphore, #tpu.memory_space<semaphore_mem>>)
    %dma_start3A_30 = arith.constant 1 : i32
    %dma_start3A_31 = arith.constant 1 : i32
    %dma_start3A_32 = arith.constant 0 : i32
    %dma_start3A_33 = tpu.memref_slice %arg3[%dma_start3A_30, %add3A, %dma_start3A_31, %dma_start3A_32] : memref<2x32x80x128xi32, #tpu.memory_space<hbm>> -> memref<1x1x1x128xi32, #tpu.memory_space<hbm>>
    %dma_start3A_34 = tpu.memref_squeeze %dma_start3A_33 : memref<1x1x1x128xi32, #tpu.memory_space<hbm>> -> memref<1x128xi32, #tpu.memory_space<hbm>>
    %dma_start3A_35 = arith.constant 1 : i32
    %dma_start3A_36 = arith.constant 0 : i32
    %dma_start3A_37 = tpu.memref_slice %arg3[%dma_start3A_30, %add3A, %dma_start3A_35, %dma_start3A_36] : memref<2x32x80x128xi32, #tpu.memory_space<hbm>> -> memref<1x1x1x128xi32, #tpu.memory_space<hbm>>
    %dma_start3A_38 = tpu.memref_squeeze %dma_start3A_37 : memref<1x1x1x128xi32, #tpu.memory_space<hbm>> -> memref<1x128xi32, #tpu.memory_space<hbm>>
    tpu.enqueue_dma source(%dma_start3A_38 : memref<1x128xi32, #tpu.memory_space<hbm>>) target(%arg8 : memref<1x128xi32, #tpu.memory_space<vmem>>) target_semaphore(%arg16 : memref<!tpu.dma_semaphore, #tpu.memory_space<semaphore_mem>>)
    %dma_start3A_39 = arith.constant 0 : i32
    %dma_start3A_40 = arith.constant 0 : i32
    %dma_start3A_41 = tpu.memref_slice %arg6[%dma_start3A_39, %dma_start3A_40] : memref<80x128xi32, #tpu.memory_space<vmem>> -> memref<1x128xi32, #tpu.memory_space<vmem>>
    %dma_start3A_42 = tpu.memref_squeeze %dma_start3A_41 : memref<1x128xi32, #tpu.memory_space<vmem>> -> memref<128xi32, #tpu.memory_space<vmem>>
    %dma_start3A_43 = arith.constant 0 : i32
    %dma_start3A_44 = arith.constant 0 : i32
    %dma_start3A_45 = tpu.memref_slice %arg2[%dma_start3A_43, %dma_start3A_44] : memref<10240x128xf32, #tpu.memory_space<hbm>> -> memref<10240x128xf32, #tpu.memory_space<hbm>>
    tpu.enqueue_indirect_dma source(%dma_start3A_45 : memref<10240x128xf32, #tpu.memory_space<hbm>>) target(%arg9 : memref<128x128xf32, #tpu.memory_space<vmem>>) offsets(%dma_start3A_42 : memref<128xi32, #tpu.memory_space<vmem>>) semaphore(%arg13 : memref<!tpu.dma_semaphore, #tpu.memory_space<semaphore_mem>>)
    %dma_start3A_46 = arith.constant 1 : i32
    %dma_start3A_47 = arith.constant 0 : i32
    %dma_start3A_48 = tpu.memref_slice %arg6[%dma_start3A_46, %dma_start3A_47] : memref<80x128xi32, #tpu.memory_space<vmem>> -> memref<1x128xi32, #tpu.memory_space<vmem>>
    %dma_start3A_49 = tpu.memref_squeeze %dma_start3A_48 : memref<1x128xi32, #tpu.memory_space<vmem>> -> memref<128xi32, #tpu.memory_space<vmem>>
    %dma_start3A_50 = arith.constant 0 : i32
    %dma_start3A_51 = arith.constant 0 : i32
    %dma_start3A_52 = tpu.memref_slice %arg2[%dma_start3A_50, %dma_start3A_51] : memref<10240x128xf32, #tpu.memory_space<hbm>> -> memref<10240x128xf32, #tpu.memory_space<hbm>>
    tpu.enqueue_indirect_dma source(%dma_start3A_52 : memref<10240x128xf32, #tpu.memory_space<hbm>>) target(%arg10 : memref<128x128xf32, #tpu.memory_space<vmem>>) offsets(%dma_start3A_49 : memref<128xi32, #tpu.memory_space<vmem>>) semaphore(%arg14 : memref<!tpu.dma_semaphore, #tpu.memory_space<semaphore_mem>>)
    %scan3A_53 = arith.constant 0 : i32
    %scan3A_54 = arith.constant 20 : i32
    %scan3A_55 = arith.addi %scan3A_53, %scan3A_54 : i32
    %scan3A_56 = arith.constant 1 : i32
    scf.for %scan3A_68 = %scan3A_53 to %scan3A_55 step %scan3A_56  : i32 {
      %mul3A_69 = arith.constant 32 : i32
      %mul3A_70 = arith.muli %scan3A_68, %mul3A_69 : i32
      %add3A_71 = arith.constant 0 : i32
      %add3A_72 = arith.addi %add3A_71, %mul3A_70 : i32
      %mul3A_73 = arith.constant 640 : i32
      %mul3A_74 = arith.muli %arg1, %mul3A_73 : i32
      %add3A_75 = arith.addi %mul3A_74, %add3A_72 : i32
      "tpu.region"() ({
        %run_scoped3A = tpu.sem_alloc : memref<!tpu.dma_semaphore, #tpu.memory_space<semaphore_mem>>
        %dma_start3A_76 = arith.constant 0 : i32
        %dma_start3A_77 = tpu.memref_slice %arg5[%add3A_75, %dma_start3A_76] : memref<10240x128xf32, #tpu.memory_space<vmem_shared>> -> memref<32x128xf32, #tpu.memory_space<vmem_shared>>
        %dma_start3A_78 = arith.constant 0 : i32
        %dma_start3A_79 = tpu.memref_slice %arg5[%add3A_75, %dma_start3A_78] : memref<10240x128xf32, #tpu.memory_space<vmem_shared>> -> memref<32x128xf32, #tpu.memory_space<vmem_shared>>
        tpu.enqueue_dma source(%arg11 : memref<32x128xf32, #tpu.memory_space<vmem>>) target(%dma_start3A_79 : memref<32x128xf32, #tpu.memory_space<vmem_shared>>) target_semaphore(%run_scoped3A : memref<!tpu.dma_semaphore, #tpu.memory_space<semaphore_mem>>)
        %dma_wait3A_80 = arith.constant 0 : i32
        %dma_wait3A_81 = tpu.memref_slice %arg5[%add3A_75, %dma_wait3A_80] : memref<10240x128xf32, #tpu.memory_space<vmem_shared>> -> memref<32x128xf32, #tpu.memory_space<vmem_shared>>
        %dma_wait3A_82 = arith.constant 0 : i32
        %dma_wait3A_83 = tpu.memref_slice %arg5[%add3A_75, %dma_wait3A_82] : memref<10240x128xf32, #tpu.memory_space<vmem_shared>> -> memref<32x128xf32, #tpu.memory_space<vmem_shared>>
        tpu.wait_dma2 semaphore(%run_scoped3A : memref<!tpu.dma_semaphore, #tpu.memory_space<semaphore_mem>>) src(%arg11 : memref<32x128xf32, #tpu.memory_space<vmem>>) dst(%dma_wait3A_83 : memref<32x128xf32, #tpu.memory_space<vmem_shared>>)
        tpu.yield
      }) : () -> ()
    }
    %scan3A_57 = arith.constant 20 : i32
    %barrier3A = arith.constant 0 : index
    tpu.barrier barrier_id(%barrier3A)
    %scan3A_58 = arith.constant 0 : i32
    %scan3A_59 = arith.constant 40 : i32
    %scan3A_60 = arith.addi %scan3A_58, %scan3A_59 : i32
    %scan3A_61 = arith.constant 1 : i32
    scf.for %scan3A_68 = %scan3A_58 to %scan3A_60 step %scan3A_61  : i32 {
      %mul3A_69 = arith.constant 2 : i32
      %mul3A_70 = arith.muli %scan3A_68, %mul3A_69 : i32
      %add3A_71 = arith.constant 0 : i32
      %add3A_72 = arith.addi %add3A_71, %mul3A_70 : i32
      %dma_wait3A_73 = arith.constant 0 : i32
      %dma_wait3A_74 = tpu.memref_slice %arg6[%add3A_72, %dma_wait3A_73] : memref<80x128xi32, #tpu.memory_space<vmem>> -> memref<1x128xi32, #tpu.memory_space<vmem>>
      %dma_wait3A_75 = tpu.memref_squeeze %dma_wait3A_74 : memref<1x128xi32, #tpu.memory_space<vmem>> -> memref<128xi32, #tpu.memory_space<vmem>>
      %dma_wait3A_76 = arith.constant 0 : i32
      %dma_wait3A_77 = arith.constant 0 : i32
      %dma_wait3A_78 = tpu.memref_slice %arg2[%dma_wait3A_76, %dma_wait3A_77] : memref<10240x128xf32, #tpu.memory_space<hbm>> -> memref<10240x128xf32, #tpu.memory_space<hbm>>
      tpu.wait_indirect_dma semaphore(%arg13 : memref<!tpu.dma_semaphore, #tpu.memory_space<semaphore_mem>>) src(%dma_wait3A_78 : memref<10240x128xf32, #tpu.memory_space<hbm>>) dst(%arg9 : memref<128x128xf32, #tpu.memory_space<vmem>>)
      %dma_wait3A_79 = arith.constant 1 : i32
      %dma_wait3A_80 = arith.constant 0 : i32
      %dma_wait3A_81 = tpu.memref_slice %arg3[%dma_wait3A_79, %add3A, %add3A_72, %dma_wait3A_80] : memref<2x32x80x128xi32, #tpu.memory_space<hbm>> -> memref<1x1x1x128xi32, #tpu.memory_space<hbm>>
      %dma_wait3A_82 = tpu.memref_squeeze %dma_wait3A_81 : memref<1x1x1x128xi32, #tpu.memory_space<hbm>> -> memref<1x128xi32, #tpu.memory_space<hbm>>
      %dma_wait3A_83 = arith.constant 0 : i32
      %dma_wait3A_84 = tpu.memref_slice %arg3[%dma_wait3A_79, %add3A, %add3A_72, %dma_wait3A_83] : memref<2x32x80x128xi32, #tpu.memory_space<hbm>> -> memref<1x1x1x128xi32, #tpu.memory_space<hbm>>
      %dma_wait3A_85 = tpu.memref_squeeze %dma_wait3A_84 : memref<1x1x1x128xi32, #tpu.memory_space<hbm>> -> memref<1x128xi32, #tpu.memory_space<hbm>>
      tpu.wait_dma2 semaphore(%arg15 : memref<!tpu.dma_semaphore, #tpu.memory_space<semaphore_mem>>) src(%dma_wait3A_85 : memref<1x128xi32, #tpu.memory_space<hbm>>) dst(%arg7 : memref<1x128xi32, #tpu.memory_space<vmem>>)
      %run_scoped3A = arith.constant 0 : i32
      "tpu.region"() ({
        %run_scoped3A_115 = tpu.sem_alloc : memref<!tpu.dma_semaphore, #tpu.memory_space<semaphore_mem>>
        %dma_start3A_116 = arith.constant 0 : i32
        %dma_start3A_117 = tpu.memref_slice %arg7[%run_scoped3A, %dma_start3A_116] : memref<1x128xi32, #tpu.memory_space<vmem>> -> memref<1x128xi32, #tpu.memory_space<vmem>>
        %dma_start3A_118 = tpu.memref_squeeze %dma_start3A_117 : memref<1x128xi32, #tpu.memory_space<vmem>> -> memref<128xi32, #tpu.memory_space<vmem>>
        %dma_start3A_119 = arith.constant 0 : i32
        %dma_start3A_120 = arith.constant 0 : i32
        %dma_start3A_121 = tpu.memref_slice %arg5[%dma_start3A_119, %dma_start3A_120] : memref<10240x128xf32, #tpu.memory_space<vmem_shared>> -> memref<10240x128xf32, #tpu.memory_space<vmem_shared>>
        tpu.enqueue_indirect_dma source(%arg9 : memref<128x128xf32, #tpu.memory_space<vmem>>) target(%dma_start3A_121 : memref<10240x128xf32, #tpu.memory_space<vmem_shared>>) offsets(%dma_start3A_118 : memref<128xi32, #tpu.memory_space<vmem>>) semaphore(%run_scoped3A_115 : memref<!tpu.dma_semaphore, #tpu.memory_space<semaphore_mem>>) {add = true}
        %dma_wait3A_122 = arith.constant 0 : i32
        %dma_wait3A_123 = tpu.memref_slice %arg7[%run_scoped3A, %dma_wait3A_122] : memref<1x128xi32, #tpu.memory_space<vmem>> -> memref<1x128xi32, #tpu.memory_space<vmem>>
        %dma_wait3A_124 = tpu.memref_squeeze %dma_wait3A_123 : memref<1x128xi32, #tpu.memory_space<vmem>> -> memref<128xi32, #tpu.memory_space<vmem>>
        %dma_wait3A_125 = arith.constant 0 : i32
        %dma_wait3A_126 = arith.constant 0 : i32
        %dma_wait3A_127 = tpu.memref_slice %arg5[%dma_wait3A_125, %dma_wait3A_126] : memref<10240x128xf32, #tpu.memory_space<vmem_shared>> -> memref<10240x128xf32, #tpu.memory_space<vmem_shared>>
        tpu.wait_indirect_dma semaphore(%run_scoped3A_115 : memref<!tpu.dma_semaphore, #tpu.memory_space<semaphore_mem>>) src(%arg9 : memref<128x128xf32, #tpu.memory_space<vmem>>) dst(%dma_wait3A_127 : memref<10240x128xf32, #tpu.memory_space<vmem_shared>>)
        tpu.yield
      }) : () -> ()
      %add3A_86 = arith.constant 2 : i32
      %add3A_87 = arith.addi %add3A_72, %add3A_86 : i32
      %lt3A = arith.constant 80 : i32
      %lt3A_88 = arith.cmpi slt, %add3A_87, %lt3A : i32
      %convert_element_type3A = arith.extui %lt3A_88 : i1 to i32
      %cond3A = arith.constant 0 : i32
      %cond3A_89 = arith.cmpi ne, %convert_element_type3A, %cond3A : i32
      scf.if %cond3A_89 {
        %add3A_115 = arith.constant 2 : i32
        %add3A_116 = arith.addi %add3A_72, %add3A_115 : i32
        %dma_start3A_117 = arith.constant 1 : i32
        %dma_start3A_118 = arith.constant 0 : i32
        %dma_start3A_119 = tpu.memref_slice %arg3[%dma_start3A_117, %add3A, %add3A_116, %dma_start3A_118] : memref<2x32x80x128xi32, #tpu.memory_space<hbm>> -> memref<1x1x1x128xi32, #tpu.memory_space<hbm>>
        %dma_start3A_120 = tpu.memref_squeeze %dma_start3A_119 : memref<1x1x1x128xi32, #tpu.memory_space<hbm>> -> memref<1x128xi32, #tpu.memory_space<hbm>>
        %dma_start3A_121 = arith.constant 0 : i32
        %dma_start3A_122 = tpu.memref_slice %arg3[%dma_start3A_117, %add3A, %add3A_116, %dma_start3A_121] : memref<2x32x80x128xi32, #tpu.memory_space<hbm>> -> memref<1x1x1x128xi32, #tpu.memory_space<hbm>>
        %dma_start3A_123 = tpu.memref_squeeze %dma_start3A_122 : memref<1x1x1x128xi32, #tpu.memory_space<hbm>> -> memref<1x128xi32, #tpu.memory_space<hbm>>
        tpu.enqueue_dma source(%dma_start3A_123 : memref<1x128xi32, #tpu.memory_space<hbm>>) target(%arg7 : memref<1x128xi32, #tpu.memory_space<vmem>>) target_semaphore(%arg15 : memref<!tpu.dma_semaphore, #tpu.memory_space<semaphore_mem>>)
        %add3A_124 = arith.constant 2 : i32
        %add3A_125 = arith.addi %add3A_72, %add3A_124 : i32
        %dma_start3A_126 = arith.constant 0 : i32
        %dma_start3A_127 = tpu.memref_slice %arg6[%add3A_125, %dma_start3A_126] : memref<80x128xi32, #tpu.memory_space<vmem>> -> memref<1x128xi32, #tpu.memory_space<vmem>>
        %dma_start3A_128 = tpu.memref_squeeze %dma_start3A_127 : memref<1x128xi32, #tpu.memory_space<vmem>> -> memref<128xi32, #tpu.memory_space<vmem>>
        %dma_start3A_129 = arith.constant 0 : i32
        %dma_start3A_130 = arith.constant 0 : i32
        %dma_start3A_131 = tpu.memref_slice %arg2[%dma_start3A_129, %dma_start3A_130] : memref<10240x128xf32, #tpu.memory_space<hbm>> -> memref<10240x128xf32, #tpu.memory_space<hbm>>
        tpu.enqueue_indirect_dma source(%dma_start3A_131 : memref<10240x128xf32, #tpu.memory_space<hbm>>) target(%arg9 : memref<128x128xf32, #tpu.memory_space<vmem>>) offsets(%dma_start3A_128 : memref<128xi32, #tpu.memory_space<vmem>>) semaphore(%arg13 : memref<!tpu.dma_semaphore, #tpu.memory_space<semaphore_mem>>)
      } else {
      }
      %add3A_90 = arith.constant 1 : i32
      %add3A_91 = arith.addi %add3A_72, %add3A_90 : i32
      %dma_wait3A_92 = arith.constant 0 : i32
      %dma_wait3A_93 = tpu.memref_slice %arg6[%add3A_91, %dma_wait3A_92] : memref<80x128xi32, #tpu.memory_space<vmem>> -> memref<1x128xi32, #tpu.memory_space<vmem>>
      %dma_wait3A_94 = tpu.memref_squeeze %dma_wait3A_93 : memref<1x128xi32, #tpu.memory_space<vmem>> -> memref<128xi32, #tpu.memory_space<vmem>>
      %dma_wait3A_95 = arith.constant 0 : i32
      %dma_wait3A_96 = arith.constant 0 : i32
      %dma_wait3A_97 = tpu.memref_slice %arg2[%dma_wait3A_95, %dma_wait3A_96] : memref<10240x128xf32, #tpu.memory_space<hbm>> -> memref<10240x128xf32, #tpu.memory_space<hbm>>
      tpu.wait_indirect_dma semaphore(%arg14 : memref<!tpu.dma_semaphore, #tpu.memory_space<semaphore_mem>>) src(%dma_wait3A_97 : memref<10240x128xf32, #tpu.memory_space<hbm>>) dst(%arg10 : memref<128x128xf32, #tpu.memory_space<vmem>>)
      %add3A_98 = arith.constant 1 : i32
      %add3A_99 = arith.addi %add3A_72, %add3A_98 : i32
      %dma_wait3A_100 = arith.constant 1 : i32
      %dma_wait3A_101 = arith.constant 0 : i32
      %dma_wait3A_102 = tpu.memref_slice %arg3[%dma_wait3A_100, %add3A, %add3A_99, %dma_wait3A_101] : memref<2x32x80x128xi32, #tpu.memory_space<hbm>> -> memref<1x1x1x128xi32, #tpu.memory_space<hbm>>
      %dma_wait3A_103 = tpu.memref_squeeze %dma_wait3A_102 : memref<1x1x1x128xi32, #tpu.memory_space<hbm>> -> memref<1x128xi32, #tpu.memory_space<hbm>>
      %dma_wait3A_104 = arith.constant 0 : i32
      %dma_wait3A_105 = tpu.memref_slice %arg3[%dma_wait3A_100, %add3A, %add3A_99, %dma_wait3A_104] : memref<2x32x80x128xi32, #tpu.memory_space<hbm>> -> memref<1x1x1x128xi32, #tpu.memory_space<hbm>>
      %dma_wait3A_106 = tpu.memref_squeeze %dma_wait3A_105 : memref<1x1x1x128xi32, #tpu.memory_space<hbm>> -> memref<1x128xi32, #tpu.memory_space<hbm>>
      tpu.wait_dma2 semaphore(%arg16 : memref<!tpu.dma_semaphore, #tpu.memory_space<semaphore_mem>>) src(%dma_wait3A_106 : memref<1x128xi32, #tpu.memory_space<hbm>>) dst(%arg8 : memref<1x128xi32, #tpu.memory_space<vmem>>)
      %run_scoped3A_107 = arith.constant 0 : i32
      "tpu.region"() ({
        %run_scoped3A_115 = tpu.sem_alloc : memref<!tpu.dma_semaphore, #tpu.memory_space<semaphore_mem>>
        %dma_start3A_116 = arith.constant 0 : i32
        %dma_start3A_117 = tpu.memref_slice %arg8[%run_scoped3A_107, %dma_start3A_116] : memref<1x128xi32, #tpu.memory_space<vmem>> -> memref<1x128xi32, #tpu.memory_space<vmem>>
        %dma_start3A_118 = tpu.memref_squeeze %dma_start3A_117 : memref<1x128xi32, #tpu.memory_space<vmem>> -> memref<128xi32, #tpu.memory_space<vmem>>
        %dma_start3A_119 = arith.constant 0 : i32
        %dma_start3A_120 = arith.constant 0 : i32
        %dma_start3A_121 = tpu.memref_slice %arg5[%dma_start3A_119, %dma_start3A_120] : memref<10240x128xf32, #tpu.memory_space<vmem_shared>> -> memref<10240x128xf32, #tpu.memory_space<vmem_shared>>
        tpu.enqueue_indirect_dma source(%arg10 : memref<128x128xf32, #tpu.memory_space<vmem>>) target(%dma_start3A_121 : memref<10240x128xf32, #tpu.memory_space<vmem_shared>>) offsets(%dma_start3A_118 : memref<128xi32, #tpu.memory_space<vmem>>) semaphore(%run_scoped3A_115 : memref<!tpu.dma_semaphore, #tpu.memory_space<semaphore_mem>>) {add = true}
        %dma_wait3A_122 = arith.constant 0 : i32
        %dma_wait3A_123 = tpu.memref_slice %arg8[%run_scoped3A_107, %dma_wait3A_122] : memref<1x128xi32, #tpu.memory_space<vmem>> -> memref<1x128xi32, #tpu.memory_space<vmem>>
        %dma_wait3A_124 = tpu.memref_squeeze %dma_wait3A_123 : memref<1x128xi32, #tpu.memory_space<vmem>> -> memref<128xi32, #tpu.memory_space<vmem>>
        %dma_wait3A_125 = arith.constant 0 : i32
        %dma_wait3A_126 = arith.constant 0 : i32
        %dma_wait3A_127 = tpu.memref_slice %arg5[%dma_wait3A_125, %dma_wait3A_126] : memref<10240x128xf32, #tpu.memory_space<vmem_shared>> -> memref<10240x128xf32, #tpu.memory_space<vmem_shared>>
        tpu.wait_indirect_dma semaphore(%run_scoped3A_115 : memref<!tpu.dma_semaphore, #tpu.memory_space<semaphore_mem>>) src(%arg10 : memref<128x128xf32, #tpu.memory_space<vmem>>) dst(%dma_wait3A_127 : memref<10240x128xf32, #tpu.memory_space<vmem_shared>>)
        tpu.yield
      }) : () -> ()
      %add3A_108 = arith.constant 3 : i32
      %add3A_109 = arith.addi %add3A_72, %add3A_108 : i32
      %lt3A_110 = arith.constant 80 : i32
      %lt3A_111 = arith.cmpi slt, %add3A_109, %lt3A_110 : i32
      %convert_element_type3A_112 = arith.extui %lt3A_111 : i1 to i32
      %cond3A_113 = arith.constant 0 : i32
      %cond3A_114 = arith.cmpi ne, %convert_element_type3A_112, %cond3A_113 : i32
      scf.if %cond3A_114 {
        %add3A_115 = arith.constant 3 : i32
        %add3A_116 = arith.addi %add3A_72, %add3A_115 : i32
        %dma_start3A_117 = arith.constant 1 : i32
        %dma_start3A_118 = arith.constant 0 : i32
        %dma_start3A_119 = tpu.memref_slice %arg3[%dma_start3A_117, %add3A, %add3A_116, %dma_start3A_118] : memref<2x32x80x128xi32, #tpu.memory_space<hbm>> -> memref<1x1x1x128xi32, #tpu.memory_space<hbm>>
        %dma_start3A_120 = tpu.memref_squeeze %dma_start3A_119 : memref<1x1x1x128xi32, #tpu.memory_space<hbm>> -> memref<1x128xi32, #tpu.memory_space<hbm>>
        %dma_start3A_121 = arith.constant 0 : i32
        %dma_start3A_122 = tpu.memref_slice %arg3[%dma_start3A_117, %add3A, %add3A_116, %dma_start3A_121] : memref<2x32x80x128xi32, #tpu.memory_space<hbm>> -> memref<1x1x1x128xi32, #tpu.memory_space<hbm>>
        %dma_start3A_123 = tpu.memref_squeeze %dma_start3A_122 : memref<1x1x1x128xi32, #tpu.memory_space<hbm>> -> memref<1x128xi32, #tpu.memory_space<hbm>>
        tpu.enqueue_dma source(%dma_start3A_123 : memref<1x128xi32, #tpu.memory_space<hbm>>) target(%arg8 : memref<1x128xi32, #tpu.memory_space<vmem>>) target_semaphore(%arg16 : memref<!tpu.dma_semaphore, #tpu.memory_space<semaphore_mem>>)
        %add3A_124 = arith.constant 3 : i32
        %add3A_125 = arith.addi %add3A_72, %add3A_124 : i32
        %dma_start3A_126 = arith.constant 0 : i32
        %dma_start3A_127 = tpu.memref_slice %arg6[%add3A_125, %dma_start3A_126] : memref<80x128xi32, #tpu.memory_space<vmem>> -> memref<1x128xi32, #tpu.memory_space<vmem>>
        %dma_start3A_128 = tpu.memref_squeeze %dma_start3A_127 : memref<1x128xi32, #tpu.memory_space<vmem>> -> memref<128xi32, #tpu.memory_space<vmem>>
        %dma_start3A_129 = arith.constant 0 : i32
        %dma_start3A_130 = arith.constant 0 : i32
        %dma_start3A_131 = tpu.memref_slice %arg2[%dma_start3A_129, %dma_start3A_130] : memref<10240x128xf32, #tpu.memory_space<hbm>> -> memref<10240x128xf32, #tpu.memory_space<hbm>>
        tpu.enqueue_indirect_dma source(%dma_start3A_131 : memref<10240x128xf32, #tpu.memory_space<hbm>>) target(%arg10 : memref<128x128xf32, #tpu.memory_space<vmem>>) offsets(%dma_start3A_128 : memref<128xi32, #tpu.memory_space<vmem>>) semaphore(%arg14 : memref<!tpu.dma_semaphore, #tpu.memory_space<semaphore_mem>>)
      } else {
      }
    }
    %scan3A_62 = arith.constant 40 : i32
    %barrier3A_63 = arith.constant 0 : index
    tpu.barrier barrier_id(%barrier3A_63)
    %mul3A_64 = arith.constant 640 : i32
    %mul3A_65 = arith.muli %arg1, %mul3A_64 : i32
    %mul3A_66 = arith.constant 640 : i32
    %mul3A_67 = arith.muli %arg1, %mul3A_66 : i32
    "tpu.region"() ({
      %run_scoped3A = tpu.sem_alloc : memref<!tpu.dma_semaphore, #tpu.memory_space<semaphore_mem>>
      %dma_start3A_68 = arith.constant 0 : i32
      %dma_start3A_69 = tpu.memref_slice %arg4[%arg0, %mul3A_67, %dma_start3A_68] : memref<2x10240x128xf32, #tpu.memory_space<hbm>> -> memref<1x640x128xf32, #tpu.memory_space<hbm>>
      %dma_start3A_70 = tpu.memref_squeeze %dma_start3A_69 : memref<1x640x128xf32, #tpu.memory_space<hbm>> -> memref<640x128xf32, #tpu.memory_space<hbm>>
      %dma_start3A_71 = arith.constant 0 : i32
      %dma_start3A_72 = tpu.memref_slice %arg5[%mul3A_65, %dma_start3A_71] : memref<10240x128xf32, #tpu.memory_space<vmem_shared>> -> memref<640x128xf32, #tpu.memory_space<vmem_shared>>
      tpu.enqueue_dma source(%dma_start3A_72 : memref<640x128xf32, #tpu.memory_space<vmem_shared>>) target(%dma_start3A_70 : memref<640x128xf32, #tpu.memory_space<hbm>>) target_semaphore(%run_scoped3A : memref<!tpu.dma_semaphore, #tpu.memory_space<semaphore_mem>>)
      %dma_wait3A_73 = arith.constant 0 : i32
      %dma_wait3A_74 = tpu.memref_slice %arg4[%arg0, %mul3A_67, %dma_wait3A_73] : memref<2x10240x128xf32, #tpu.memory_space<hbm>> -> memref<1x640x128xf32, #tpu.memory_space<hbm>>
      %dma_wait3A_75 = tpu.memref_squeeze %dma_wait3A_74 : memref<1x640x128xf32, #tpu.memory_space<hbm>> -> memref<640x128xf32, #tpu.memory_space<hbm>>
      %dma_wait3A_76 = arith.constant 0 : i32
      %dma_wait3A_77 = tpu.memref_slice %arg5[%mul3A_65, %dma_wait3A_76] : memref<10240x128xf32, #tpu.memory_space<vmem_shared>> -> memref<640x128xf32, #tpu.memory_space<vmem_shared>>
      tpu.wait_dma2 semaphore(%run_scoped3A : memref<!tpu.dma_semaphore, #tpu.memory_space<semaphore_mem>>) src(%dma_wait3A_77 : memref<640x128xf32, #tpu.memory_space<vmem_shared>>) dst(%dma_wait3A_75 : memref<640x128xf32, #tpu.memory_space<hbm>>)
      tpu.yield
    }) : () -> ()
    return
  }
}

module attributes {stable_mosaic.version = 14 : i64} {
  func.func @body(%arg0: i32, %arg1: memref<2000x128xf32, #tpu.memory_space<vmem>>, %arg2: memref<128x128xf32, #tpu.memory_space<vmem>>, %arg3: memref<2000x128xf32, #tpu.memory_space<vmem>>) attributes {dimension_semantics = [#tpu.dimension_semantics<arbitrary>], iteration_bounds = array<i64: 5>, scalar_prefetch = 0 : i64, scratch_operands = 0 : i64, tpu.core_type = #tpu.core_type<tc>, window_params = [{transform_indices = @transform_0, window_bounds = array<i64: 2000, 128>}, {pipeline_mode = #tpu.pipeline_mode<synchronous>, transform_indices = @transform_1, window_bounds = array<i64: 128, 128>}, {transform_indices = @transform_2, window_bounds = array<i64: 2000, 128>}]} {
    %get3A = arith.constant 0 : index
    %get3A_0 = arith.constant 0 : index
    %get3A_1 = vector.load %arg1[%get3A, %get3A_0] : memref<2000x128xf32, #tpu.memory_space<vmem>>, vector<2000x128xf32>
    %get3A_2 = arith.constant 0 : index
    %get3A_3 = arith.constant 0 : index
    %get3A_4 = vector.load %arg2[%get3A_2, %get3A_3] : memref<128x128xf32, #tpu.memory_space<vmem>>, vector<128x128xf32>
    %convert_element_type3A = arith.truncf %get3A_1 : vector<2000x128xf32> to vector<2000x128xbf16>
    %convert_element_type3A_5 = arith.extf %convert_element_type3A : vector<2000x128xbf16> to vector<2000x128xf32>
    %sub3A = arith.subf %get3A_1, %convert_element_type3A_5 : vector<2000x128xf32>
    %convert_element_type3A_6 = arith.truncf %sub3A : vector<2000x128xf32> to vector<2000x128xbf16>
    %convert_element_type3A_7 = arith.truncf %get3A_4 : vector<128x128xf32> to vector<128x128xbf16>
    %convert_element_type3A_8 = arith.extf %convert_element_type3A_7 : vector<128x128xbf16> to vector<128x128xf32>
    %sub3A_9 = arith.subf %get3A_4, %convert_element_type3A_8 : vector<128x128xf32>
    %convert_element_type3A_10 = arith.truncf %sub3A_9 : vector<128x128xf32> to vector<128x128xbf16>
    %dot_general3A = arith.constant dense<0.000000e+00> : vector<2000x128xf32>
    %dot_general3A_11 = tpu.matmul %convert_element_type3A, %convert_element_type3A_7, %dot_general3A {dimension_numbers = #tpu.dot_dimension_numbers<[1], [0], [0], [1], [0, 0, 1, 1], [], []>, transpose_lhs_hint = false} : vector<2000x128xbf16>, vector<128x128xbf16>, vector<2000x128xf32> -> vector<2000x128xf32>
    %dot_general3A_12 = arith.constant dense<0.000000e+00> : vector<2000x128xf32>
    %dot_general3A_13 = tpu.matmul %convert_element_type3A, %convert_element_type3A_10, %dot_general3A_12 {dimension_numbers = #tpu.dot_dimension_numbers<[1], [0], [0], [1], [0, 0, 1, 1], [], []>, transpose_lhs_hint = false} : vector<2000x128xbf16>, vector<128x128xbf16>, vector<2000x128xf32> -> vector<2000x128xf32>
    %add3A = arith.addf %dot_general3A_11, %dot_general3A_13 : vector<2000x128xf32>
    %dot_general3A_14 = arith.constant dense<0.000000e+00> : vector<2000x128xf32>
    %dot_general3A_15 = tpu.matmul %convert_element_type3A_6, %convert_element_type3A_7, %dot_general3A_14 {dimension_numbers = #tpu.dot_dimension_numbers<[1], [0], [0], [1], [0, 0, 1, 1], [], []>, transpose_lhs_hint = false} : vector<2000x128xbf16>, vector<128x128xbf16>, vector<2000x128xf32> -> vector<2000x128xf32>
    %add3A_16 = arith.addf %add3A, %dot_general3A_15 : vector<2000x128xf32>
    %swap3A = arith.constant 0 : index
    %swap3A_17 = arith.constant 0 : index
    %swap3A_18 = vector.load %arg3[%swap3A, %swap3A_17] : memref<2000x128xf32, #tpu.memory_space<vmem>>, vector<2000x128xf32>
    tpu.vector_store %arg3[%swap3A, %swap3A_17], %add3A_16 {strides = array<i32>} : memref<2000x128xf32, #tpu.memory_space<vmem>>, vector<2000x128xf32>,
    return
  }
  func.func @transform_0(%arg0: i32) -> (i32, i32) {
    %c0_i32 = arith.constant 0 : i32
    %c0_i32_0 = arith.constant 0 : i32
    return %arg0, %c0_i32 : i32, i32
  }
  func.func @transform_1(%arg0: i32) -> (i32, i32) {
    %c0_i32 = arith.constant 0 : i32
    %c0_i32_0 = arith.constant 0 : i32
    %c0_i32_1 = arith.constant 0 : i32
    return %c0_i32, %c0_i32_0 : i32, i32
  }
  func.func @transform_2(%arg0: i32) -> (i32, i32) {
    %c0_i32 = arith.constant 0 : i32
    %c0_i32_0 = arith.constant 0 : i32
    return %arg0, %c0_i32 : i32, i32
  }
}

module attributes {stable_mosaic.version = 14 : i64} {
  func.func @body(%arg0: i32, %arg1: memref<2560x128xf32, #tpu.memory_space<vmem>>, %arg2: memref<2x2560xf32, #tpu.memory_space<vmem>>, %arg3: memref<2560x128xf32, #tpu.memory_space<vmem>>, %arg4: memref<2560x1xf32, #tpu.memory_space<vmem>>) attributes {dimension_semantics = [#tpu.dimension_semantics<arbitrary>], iteration_bounds = array<i64: 4>, scalar_prefetch = 0 : i64, scratch_operands = 0 : i64, tpu.core_type = #tpu.core_type<tc>, window_params = [{transform_indices = @transform_0, window_bounds = array<i64: 2560, 128>}, {transform_indices = @transform_1, window_bounds = array<i64: 2, 2560>}, {transform_indices = @transform_2, window_bounds = array<i64: 2560, 128>}, {transform_indices = @transform_3, window_bounds = array<i64: 2560, 1>}]} {
    %get3A = arith.constant 0 : index
    %get3A_0 = arith.constant 0 : index
    %get3A_1 = vector.load %arg2[%get3A, %get3A_0] : memref<2x2560xf32, #tpu.memory_space<vmem>>, vector<2x2560xf32>
    %slice3A = vector.extract_strided_slice %get3A_1 {offsets = [0, 0], sizes = [1, 2560], strides = [1, 1]} : vector<2x2560xf32> to vector<1x2560xf32>
    %slice3A_2 = vector.extract_strided_slice %get3A_1 {offsets = [1, 0], sizes = [1, 2560], strides = [1, 1]} : vector<2x2560xf32> to vector<1x2560xf32>
    %add3A = arith.addf %slice3A, %slice3A_2 : vector<1x2560xf32>
    %add3A_3 = arith.constant 1.000000e+00 : f32
    %add3A_4 = vector.broadcast %add3A_3 : f32 to vector<1x2560xf32>
    %add3A_5 = arith.addf %add3A, %add3A_4 : vector<1x2560xf32>
    %rsqrt3A = math.rsqrt %add3A_5 : vector<1x2560xf32>
    %reshape3A = vector.shape_cast %rsqrt3A : vector<1x2560xf32> to vector<2560x1xf32>
    %swap3A = arith.constant 0 : index
    %swap3A_6 = arith.constant 0 : index
    %swap3A_7 = vector.load %arg4[%swap3A, %swap3A_6] : memref<2560x1xf32, #tpu.memory_space<vmem>>, vector<2560x1xf32>
    tpu.vector_store %arg4[%swap3A, %swap3A_6], %reshape3A {strides = array<i32>} : memref<2560x1xf32, #tpu.memory_space<vmem>>, vector<2560x1xf32>,
    %get3A_8 = arith.constant 0 : index
    %get3A_9 = arith.constant 0 : index
    %get3A_10 = vector.load %arg1[%get3A_8, %get3A_9] : memref<2560x128xf32, #tpu.memory_space<vmem>>, vector<2560x128xf32>
    %mul3A = vector.broadcast %reshape3A : vector<2560x1xf32> to vector<2560x128xf32>
    %mul3A_11 = arith.mulf %get3A_10, %mul3A : vector<2560x128xf32>
    %swap3A_12 = arith.constant 0 : index
    %swap3A_13 = arith.constant 0 : index
    %swap3A_14 = vector.load %arg3[%swap3A_12, %swap3A_13] : memref<2560x128xf32, #tpu.memory_space<vmem>>, vector<2560x128xf32>
    tpu.vector_store %arg3[%swap3A_12, %swap3A_13], %mul3A_11 {strides = array<i32>} : memref<2560x128xf32, #tpu.memory_space<vmem>>, vector<2560x128xf32>,
    return
  }
  func.func @transform_0(%arg0: i32) -> (i32, i32) {
    %c0_i32 = arith.constant 0 : i32
    %c0_i32_0 = arith.constant 0 : i32
    return %arg0, %c0_i32 : i32, i32
  }
  func.func @transform_1(%arg0: i32) -> (i32, i32) {
    %c0_i32 = arith.constant 0 : i32
    %c0_i32_0 = arith.constant 0 : i32
    return %c0_i32, %arg0 : i32, i32
  }
  func.func @transform_2(%arg0: i32) -> (i32, i32) {
    %c0_i32 = arith.constant 0 : i32
    %c0_i32_0 = arith.constant 0 : i32
    return %arg0, %c0_i32 : i32, i32
  }
  func.func @transform_3(%arg0: i32) -> (i32, i32) {
    %c0_i32 = arith.constant 0 : i32
    %c0_i32_0 = arith.constant 0 : i32
    return %arg0, %c0_i32 : i32, i32
  }
}

module attributes {stable_mosaic.version = 14 : i64} {
  func.func @body(%arg0: i32, %arg1: memref<2x2560x128xf32, #tpu.memory_space<vmem>>, %arg2: memref<2560x128xf32, #tpu.memory_space<vmem>>, %arg3: memref<2560x1xf32, #tpu.memory_space<vmem>>, %arg4: memref<1x128xf32, #tpu.memory_space<vmem>>, %arg5: memref<128x128xf32, #tpu.memory_space<vmem>>, %arg6: memref<2560x128xf32, #tpu.memory_space<vmem>>) attributes {dimension_semantics = [#tpu.dimension_semantics<arbitrary>], iteration_bounds = array<i64: 4>, scalar_prefetch = 0 : i64, scratch_operands = 0 : i64, tpu.core_type = #tpu.core_type<tc>, window_params = [{transform_indices = @transform_0, window_bounds = array<i64: 2, 2560, 128>}, {transform_indices = @transform_1, window_bounds = array<i64: 2560, 128>}, {transform_indices = @transform_2, window_bounds = array<i64: 2560, 1>}, {pipeline_mode = #tpu.pipeline_mode<synchronous>, transform_indices = @transform_3, window_bounds = array<i64: 1, 128>}, {pipeline_mode = #tpu.pipeline_mode<synchronous>, transform_indices = @transform_4, window_bounds = array<i64: 128, 128>}, {transform_indices = @transform_5, window_bounds = array<i64: 2560, 128>}]} {
    %get3A = arith.constant 0 : index
    %get3A_0 = arith.constant 0 : index
    %get3A_1 = vector.load %arg3[%get3A, %get3A_0] : memref<2560x1xf32, #tpu.memory_space<vmem>>, vector<2560x1xf32>
    %get3A_2 = arith.constant 0 : index
    %get3A_3 = arith.constant 0 : index
    %get3A_4 = arith.constant 0 : index
    %get3A_5 = vector.load %arg1[%get3A_2, %get3A_3, %get3A_4] : memref<2x2560x128xf32, #tpu.memory_space<vmem>>, vector<1x2560x128xf32>
    %get3A_6 = vector.shape_cast %get3A_5 : vector<1x2560x128xf32> to vector<2560x128xf32>
    %get3A_7 = arith.constant 1 : index
    %get3A_8 = arith.constant 0 : index
    %get3A_9 = arith.constant 0 : index
    %get3A_10 = vector.load %arg1[%get3A_7, %get3A_8, %get3A_9] : memref<2x2560x128xf32, #tpu.memory_space<vmem>>, vector<1x2560x128xf32>
    %get3A_11 = vector.shape_cast %get3A_10 : vector<1x2560x128xf32> to vector<2560x128xf32>
    %add3A = arith.addf %get3A_6, %get3A_11 : vector<2560x128xf32>
    %get3A_12 = arith.constant 0 : index
    %get3A_13 = arith.constant 0 : index
    %get3A_14 = vector.load %arg2[%get3A_12, %get3A_13] : memref<2560x128xf32, #tpu.memory_space<vmem>>, vector<2560x128xf32>
    %add3A_15 = arith.addf %add3A, %get3A_14 : vector<2560x128xf32>
    %mul3A = vector.broadcast %get3A_1 : vector<2560x1xf32> to vector<2560x128xf32>
    %mul3A_16 = arith.mulf %mul3A, %add3A_15 : vector<2560x128xf32>
    %get3A_17 = arith.constant 0 : index
    %get3A_18 = arith.constant 0 : index
    %get3A_19 = vector.load %arg4[%get3A_17, %get3A_18] : memref<1x128xf32, #tpu.memory_space<vmem>>, vector<1x128xf32>
    %add3A_20 = vector.broadcast %get3A_19 : vector<1x128xf32> to vector<2560x128xf32>
    %add3A_21 = arith.addf %mul3A_16, %add3A_20 : vector<2560x128xf32>
    %max3A = arith.constant 0.000000e+00 : f32
    %max3A_22 = vector.broadcast %max3A : f32 to vector<2560x128xf32>
    %max3A_23 = arith.maximumf %add3A_21, %max3A_22 : vector<2560x128xf32>
    %get3A_24 = arith.constant 0 : index
    %get3A_25 = arith.constant 0 : index
    %get3A_26 = vector.load %arg5[%get3A_24, %get3A_25] : memref<128x128xf32, #tpu.memory_space<vmem>>, vector<128x128xf32>
    %convert_element_type3A = arith.truncf %max3A_23 : vector<2560x128xf32> to vector<2560x128xbf16>
    %convert_element_type3A_27 = arith.extf %convert_element_type3A : vector<2560x128xbf16> to vector<2560x128xf32>
    %sub3A = arith.subf %max3A_23, %convert_element_type3A_27 : vector<2560x128xf32>
    %convert_element_type3A_28 = arith.truncf %sub3A : vector<2560x128xf32> to vector<2560x128xbf16>
    %convert_element_type3A_29 = arith.truncf %get3A_26 : vector<128x128xf32> to vector<128x128xbf16>
    %convert_element_type3A_30 = arith.extf %convert_element_type3A_29 : vector<128x128xbf16> to vector<128x128xf32>
    %sub3A_31 = arith.subf %get3A_26, %convert_element_type3A_30 : vector<128x128xf32>
    %convert_element_type3A_32 = arith.truncf %sub3A_31 : vector<128x128xf32> to vector<128x128xbf16>
    %dot_general3A = arith.constant dense<0.000000e+00> : vector<2560x128xf32>
    %dot_general3A_33 = tpu.matmul %convert_element_type3A, %convert_element_type3A_29, %dot_general3A {dimension_numbers = #tpu.dot_dimension_numbers<[1], [0], [0], [1], [0, 0, 1, 1], [], []>, transpose_lhs_hint = false} : vector<2560x128xbf16>, vector<128x128xbf16>, vector<2560x128xf32> -> vector<2560x128xf32>
    %dot_general3A_34 = arith.constant dense<0.000000e+00> : vector<2560x128xf32>
    %dot_general3A_35 = tpu.matmul %convert_element_type3A, %convert_element_type3A_32, %dot_general3A_34 {dimension_numbers = #tpu.dot_dimension_numbers<[1], [0], [0], [1], [0, 0, 1, 1], [], []>, transpose_lhs_hint = false} : vector<2560x128xbf16>, vector<128x128xbf16>, vector<2560x128xf32> -> vector<2560x128xf32>
    %add3A_36 = arith.addf %dot_general3A_33, %dot_general3A_35 : vector<2560x128xf32>
    %dot_general3A_37 = arith.constant dense<0.000000e+00> : vector<2560x128xf32>
    %dot_general3A_38 = tpu.matmul %convert_element_type3A_28, %convert_element_type3A_29, %dot_general3A_37 {dimension_numbers = #tpu.dot_dimension_numbers<[1], [0], [0], [1], [0, 0, 1, 1], [], []>, transpose_lhs_hint = false} : vector<2560x128xbf16>, vector<128x128xbf16>, vector<2560x128xf32> -> vector<2560x128xf32>
    %add3A_39 = arith.addf %add3A_36, %dot_general3A_38 : vector<2560x128xf32>
    %mul3A_40 = vector.broadcast %get3A_1 : vector<2560x1xf32> to vector<2560x128xf32>
    %mul3A_41 = arith.mulf %add3A_39, %mul3A_40 : vector<2560x128xf32>
    %swap3A = arith.constant 0 : index
    %swap3A_42 = arith.constant 0 : index
    %swap3A_43 = vector.load %arg6[%swap3A, %swap3A_42] : memref<2560x128xf32, #tpu.memory_space<vmem>>, vector<2560x128xf32>
    tpu.vector_store %arg6[%swap3A, %swap3A_42], %mul3A_41 {strides = array<i32>} : memref<2560x128xf32, #tpu.memory_space<vmem>>, vector<2560x128xf32>,
    return
  }
  func.func @transform_0(%arg0: i32) -> (i32, i32, i32) {
    %c0_i32 = arith.constant 0 : i32
    %c0_i32_0 = arith.constant 0 : i32
    %c0_i32_1 = arith.constant 0 : i32
    return %c0_i32, %arg0, %c0_i32_0 : i32, i32, i32
  }
  func.func @transform_1(%arg0: i32) -> (i32, i32) {
    %c0_i32 = arith.constant 0 : i32
    %c0_i32_0 = arith.constant 0 : i32
    return %arg0, %c0_i32 : i32, i32
  }
  func.func @transform_2(%arg0: i32) -> (i32, i32) {
    %c0_i32 = arith.constant 0 : i32
    %c0_i32_0 = arith.constant 0 : i32
    return %arg0, %c0_i32 : i32, i32
  }
  func.func @transform_3(%arg0: i32) -> (i32, i32) {
    %c0_i32 = arith.constant 0 : i32
    %c0_i32_0 = arith.constant 0 : i32
    %c0_i32_1 = arith.constant 0 : i32
    return %c0_i32, %c0_i32_0 : i32, i32
  }
  func.func @transform_4(%arg0: i32) -> (i32, i32) {
    %c0_i32 = arith.constant 0 : i32
    %c0_i32_0 = arith.constant 0 : i32
    %c0_i32_1 = arith.constant 0 : i32
    return %c0_i32, %c0_i32_0 : i32, i32
  }
  func.func @transform_5(%arg0: i32) -> (i32, i32) {
    %c0_i32 = arith.constant 0 : i32
    %c0_i32_0 = arith.constant 0 : i32
    return %arg0, %c0_i32 : i32, i32
  }
}

module attributes {stable_mosaic.version = 14 : i64} {
  func.func @body(%arg0: i32, %arg1: memref<2x2560x128xf32, #tpu.memory_space<vmem>>, %arg2: memref<2560x128xf32, #tpu.memory_space<vmem>>, %arg3: memref<2560x1xf32, #tpu.memory_space<vmem>>, %arg4: memref<1x128xf32, #tpu.memory_space<vmem>>, %arg5: memref<128x40xf32, #tpu.memory_space<vmem>>, %arg6: memref<2560x128xf32, #tpu.memory_space<vmem>>) attributes {dimension_semantics = [#tpu.dimension_semantics<arbitrary>], iteration_bounds = array<i64: 4>, scalar_prefetch = 0 : i64, scratch_operands = 0 : i64, tpu.core_type = #tpu.core_type<tc>, window_params = [{transform_indices = @transform_0, window_bounds = array<i64: 2, 2560, 128>}, {transform_indices = @transform_1, window_bounds = array<i64: 2560, 128>}, {transform_indices = @transform_2, window_bounds = array<i64: 2560, 1>}, {pipeline_mode = #tpu.pipeline_mode<synchronous>, transform_indices = @transform_3, window_bounds = array<i64: 1, 128>}, {pipeline_mode = #tpu.pipeline_mode<synchronous>, transform_indices = @transform_4, window_bounds = array<i64: 128, 40>}, {transform_indices = @transform_5, window_bounds = array<i64: 2560, 128>}]} {
    %get3A = arith.constant 0 : index
    %get3A_0 = arith.constant 0 : index
    %get3A_1 = vector.load %arg3[%get3A, %get3A_0] : memref<2560x1xf32, #tpu.memory_space<vmem>>, vector<2560x1xf32>
    %get3A_2 = arith.constant 0 : index
    %get3A_3 = arith.constant 0 : index
    %get3A_4 = arith.constant 0 : index
    %get3A_5 = vector.load %arg1[%get3A_2, %get3A_3, %get3A_4] : memref<2x2560x128xf32, #tpu.memory_space<vmem>>, vector<1x2560x128xf32>
    %get3A_6 = vector.shape_cast %get3A_5 : vector<1x2560x128xf32> to vector<2560x128xf32>
    %get3A_7 = arith.constant 1 : index
    %get3A_8 = arith.constant 0 : index
    %get3A_9 = arith.constant 0 : index
    %get3A_10 = vector.load %arg1[%get3A_7, %get3A_8, %get3A_9] : memref<2x2560x128xf32, #tpu.memory_space<vmem>>, vector<1x2560x128xf32>
    %get3A_11 = vector.shape_cast %get3A_10 : vector<1x2560x128xf32> to vector<2560x128xf32>
    %add3A = arith.addf %get3A_6, %get3A_11 : vector<2560x128xf32>
    %get3A_12 = arith.constant 0 : index
    %get3A_13 = arith.constant 0 : index
    %get3A_14 = vector.load %arg2[%get3A_12, %get3A_13] : memref<2560x128xf32, #tpu.memory_space<vmem>>, vector<2560x128xf32>
    %add3A_15 = arith.addf %add3A, %get3A_14 : vector<2560x128xf32>
    %mul3A = vector.broadcast %get3A_1 : vector<2560x1xf32> to vector<2560x128xf32>
    %mul3A_16 = arith.mulf %mul3A, %add3A_15 : vector<2560x128xf32>
    %get3A_17 = arith.constant 0 : index
    %get3A_18 = arith.constant 0 : index
    %get3A_19 = vector.load %arg4[%get3A_17, %get3A_18] : memref<1x128xf32, #tpu.memory_space<vmem>>, vector<1x128xf32>
    %add3A_20 = vector.broadcast %get3A_19 : vector<1x128xf32> to vector<2560x128xf32>
    %add3A_21 = arith.addf %mul3A_16, %add3A_20 : vector<2560x128xf32>
    %max3A = arith.constant 0.000000e+00 : f32
    %max3A_22 = vector.broadcast %max3A : f32 to vector<2560x128xf32>
    %max3A_23 = arith.maximumf %add3A_21, %max3A_22 : vector<2560x128xf32>
    %get3A_24 = arith.constant 0 : index
    %get3A_25 = arith.constant 0 : index
    %get3A_26 = vector.load %arg5[%get3A_24, %get3A_25] : memref<128x40xf32, #tpu.memory_space<vmem>>, vector<128x40xf32>
    %convert_element_type3A = arith.truncf %max3A_23 : vector<2560x128xf32> to vector<2560x128xbf16>
    %convert_element_type3A_27 = arith.extf %convert_element_type3A : vector<2560x128xbf16> to vector<2560x128xf32>
    %sub3A = arith.subf %max3A_23, %convert_element_type3A_27 : vector<2560x128xf32>
    %convert_element_type3A_28 = arith.truncf %sub3A : vector<2560x128xf32> to vector<2560x128xbf16>
    %convert_element_type3A_29 = arith.truncf %get3A_26 : vector<128x40xf32> to vector<128x40xbf16>
    %convert_element_type3A_30 = arith.extf %convert_element_type3A_29 : vector<128x40xbf16> to vector<128x40xf32>
    %sub3A_31 = arith.subf %get3A_26, %convert_element_type3A_30 : vector<128x40xf32>
    %convert_element_type3A_32 = arith.truncf %sub3A_31 : vector<128x40xf32> to vector<128x40xbf16>
    %dot_general3A = arith.constant dense<0.000000e+00> : vector<2560x40xf32>
    %dot_general3A_33 = tpu.matmul %convert_element_type3A, %convert_element_type3A_29, %dot_general3A {dimension_numbers = #tpu.dot_dimension_numbers<[1], [0], [0], [1], [0, 0, 1, 1], [], []>, transpose_lhs_hint = false} : vector<2560x128xbf16>, vector<128x40xbf16>, vector<2560x40xf32> -> vector<2560x40xf32>
    %dot_general3A_34 = arith.constant dense<0.000000e+00> : vector<2560x40xf32>
    %dot_general3A_35 = tpu.matmul %convert_element_type3A, %convert_element_type3A_32, %dot_general3A_34 {dimension_numbers = #tpu.dot_dimension_numbers<[1], [0], [0], [1], [0, 0, 1, 1], [], []>, transpose_lhs_hint = false} : vector<2560x128xbf16>, vector<128x40xbf16>, vector<2560x40xf32> -> vector<2560x40xf32>
    %add3A_36 = arith.addf %dot_general3A_33, %dot_general3A_35 : vector<2560x40xf32>
    %dot_general3A_37 = arith.constant dense<0.000000e+00> : vector<2560x40xf32>
    %dot_general3A_38 = tpu.matmul %convert_element_type3A_28, %convert_element_type3A_29, %dot_general3A_37 {dimension_numbers = #tpu.dot_dimension_numbers<[1], [0], [0], [1], [0, 0, 1, 1], [], []>, transpose_lhs_hint = false} : vector<2560x128xbf16>, vector<128x40xbf16>, vector<2560x40xf32> -> vector<2560x40xf32>
    %add3A_39 = arith.addf %add3A_36, %dot_general3A_38 : vector<2560x40xf32>
    %mul3A_40 = vector.broadcast %get3A_1 : vector<2560x1xf32> to vector<2560x40xf32>
    %mul3A_41 = arith.mulf %add3A_39, %mul3A_40 : vector<2560x40xf32>
    %swap3A = arith.constant 0 : index
    %swap3A_42 = arith.constant 0 : index
    %swap3A_43 = vector.load %arg6[%swap3A, %swap3A_42] : memref<2560x128xf32, #tpu.memory_space<vmem>>, vector<2560x40xf32>
    tpu.vector_store %arg6[%swap3A, %swap3A_42], %mul3A_41 {strides = array<i32>} : memref<2560x128xf32, #tpu.memory_space<vmem>>, vector<2560x40xf32>,
    return
  }
  func.func @transform_0(%arg0: i32) -> (i32, i32, i32) {
    %c0_i32 = arith.constant 0 : i32
    %c0_i32_0 = arith.constant 0 : i32
    %c0_i32_1 = arith.constant 0 : i32
    return %c0_i32, %arg0, %c0_i32_0 : i32, i32, i32
  }
  func.func @transform_1(%arg0: i32) -> (i32, i32) {
    %c0_i32 = arith.constant 0 : i32
    %c0_i32_0 = arith.constant 0 : i32
    return %arg0, %c0_i32 : i32, i32
  }
  func.func @transform_2(%arg0: i32) -> (i32, i32) {
    %c0_i32 = arith.constant 0 : i32
    %c0_i32_0 = arith.constant 0 : i32
    return %arg0, %c0_i32 : i32, i32
  }
  func.func @transform_3(%arg0: i32) -> (i32, i32) {
    %c0_i32 = arith.constant 0 : i32
    %c0_i32_0 = arith.constant 0 : i32
    %c0_i32_1 = arith.constant 0 : i32
    return %c0_i32, %c0_i32_0 : i32, i32
  }
  func.func @transform_4(%arg0: i32) -> (i32, i32) {
    %c0_i32 = arith.constant 0 : i32
    %c0_i32_0 = arith.constant 0 : i32
    %c0_i32_1 = arith.constant 0 : i32
    return %c0_i32, %c0_i32_0 : i32, i32
  }
  func.func @transform_5(%arg0: i32) -> (i32, i32) {
    %c0_i32 = arith.constant 0 : i32
    %c0_i32_0 = arith.constant 0 : i32
    return %arg0, %c0_i32 : i32, i32
  }
}

module attributes {stable_mosaic.version = 14 : i64} {
  func.func @body(%arg0: i32, %arg1: memref<2x2000x128xf32, #tpu.memory_space<vmem>>, %arg2: memref<2000x128xf32, #tpu.memory_space<vmem>>, %arg3: memref<2000x1xf32, #tpu.memory_space<vmem>>, %arg4: memref<1x40xf32, #tpu.memory_space<vmem>>, %arg5: memref<2000x40xf32, #tpu.memory_space<vmem>>) attributes {dimension_semantics = [#tpu.dimension_semantics<arbitrary>], iteration_bounds = array<i64: 5>, scalar_prefetch = 0 : i64, scratch_operands = 0 : i64, tpu.core_type = #tpu.core_type<tc>, window_params = [{transform_indices = @transform_0, window_bounds = array<i64: 2, 2000, 128>}, {transform_indices = @transform_1, window_bounds = array<i64: 2000, 128>}, {transform_indices = @transform_2, window_bounds = array<i64: 2000, 1>}, {pipeline_mode = #tpu.pipeline_mode<synchronous>, transform_indices = @transform_3, window_bounds = array<i64: 1, 40>}, {transform_indices = @transform_4, window_bounds = array<i64: 2000, 40>}]} {
    %get3A = arith.constant 0 : index
    %get3A_0 = arith.constant 0 : index
    %get3A_1 = vector.load %arg3[%get3A, %get3A_0] : memref<2000x1xf32, #tpu.memory_space<vmem>>, vector<2000x1xf32>
    %get3A_2 = arith.constant 0 : index
    %get3A_3 = arith.constant 0 : index
    %get3A_4 = arith.constant 0 : index
    %get3A_5 = vector.load %arg1[%get3A_2, %get3A_3, %get3A_4] : memref<2x2000x128xf32, #tpu.memory_space<vmem>>, vector<1x2000x128xf32>
    %get3A_6 = vector.shape_cast %get3A_5 : vector<1x2000x128xf32> to vector<2000x128xf32>
    %get3A_7 = arith.constant 1 : index
    %get3A_8 = arith.constant 0 : index
    %get3A_9 = arith.constant 0 : index
    %get3A_10 = vector.load %arg1[%get3A_7, %get3A_8, %get3A_9] : memref<2x2000x128xf32, #tpu.memory_space<vmem>>, vector<1x2000x128xf32>
    %get3A_11 = vector.shape_cast %get3A_10 : vector<1x2000x128xf32> to vector<2000x128xf32>
    %add3A = arith.addf %get3A_6, %get3A_11 : vector<2000x128xf32>
    %get3A_12 = arith.constant 0 : index
    %get3A_13 = arith.constant 0 : index
    %get3A_14 = vector.load %arg2[%get3A_12, %get3A_13] : memref<2000x128xf32, #tpu.memory_space<vmem>>, vector<2000x128xf32>
    %add3A_15 = arith.addf %add3A, %get3A_14 : vector<2000x128xf32>
    %mul3A = vector.broadcast %get3A_1 : vector<2000x1xf32> to vector<2000x128xf32>
    %mul3A_16 = arith.mulf %mul3A, %add3A_15 : vector<2000x128xf32>
    %slice3A = vector.extract_strided_slice %mul3A_16 {offsets = [0, 0], sizes = [2000, 40], strides = [1, 1]} : vector<2000x128xf32> to vector<2000x40xf32>
    %get3A_17 = arith.constant 0 : index
    %get3A_18 = arith.constant 0 : index
    %get3A_19 = vector.load %arg4[%get3A_17, %get3A_18] : memref<1x40xf32, #tpu.memory_space<vmem>>, vector<1x40xf32>
    %add3A_20 = vector.broadcast %get3A_19 : vector<1x40xf32> to vector<2000x40xf32>
    %add3A_21 = arith.addf %slice3A, %add3A_20 : vector<2000x40xf32>
    %swap3A = arith.constant 0 : index
    %swap3A_22 = arith.constant 0 : index
    %swap3A_23 = vector.load %arg5[%swap3A, %swap3A_22] : memref<2000x40xf32, #tpu.memory_space<vmem>>, vector<2000x40xf32>
    tpu.vector_store %arg5[%swap3A, %swap3A_22], %add3A_21 {strides = array<i32>} : memref<2000x40xf32, #tpu.memory_space<vmem>>, vector<2000x40xf32>,
    return
  }
  func.func @transform_0(%arg0: i32) -> (i32, i32, i32) {
    %c0_i32 = arith.constant 0 : i32
    %c0_i32_0 = arith.constant 0 : i32
    %c0_i32_1 = arith.constant 0 : i32
    return %c0_i32, %arg0, %c0_i32_0 : i32, i32, i32
  }
  func.func @transform_1(%arg0: i32) -> (i32, i32) {
    %c0_i32 = arith.constant 0 : i32
    %c0_i32_0 = arith.constant 0 : i32
    return %arg0, %c0_i32 : i32, i32
  }
  func.func @transform_2(%arg0: i32) -> (i32, i32) {
    %c0_i32 = arith.constant 0 : i32
    %c0_i32_0 = arith.constant 0 : i32
    return %arg0, %c0_i32 : i32, i32
  }
  func.func @transform_3(%arg0: i32) -> (i32, i32) {
    %c0_i32 = arith.constant 0 : i32
    %c0_i32_0 = arith.constant 0 : i32
    %c0_i32_1 = arith.constant 0 : i32
    return %c0_i32, %c0_i32_0 : i32, i32
  }
  func.func @transform_4(%arg0: i32) -> (i32, i32) {
    %c0_i32 = arith.constant 0 : i32
    %c0_i32_0 = arith.constant 0 : i32
    return %arg0, %c0_i32 : i32, i32
  }
}

</mosaic_0001>

<sc_bundles>
// kernel: kernel.11.cloned.1.call-start
scs
__scs_entry_jumppad:
0x0: {  	(pc) =	sbr.rel $0x88, $3  }
0x1: {  	(tag) =	ssettag $0x0;
	lr =	simm.s32 $0x1  }
0x2: {  	[smem:$0x3F99] =	sst lr;
	_ =	strace $0xD0000000  }
0x3: {  	_ = 	snop  }
0x4: {  	_ = 	snop  }
0x5: {  	_ = 	snop  }
0x6: {  	_ = 	snop  }
0x7: {  	_ = 	snop  }
__scs_overlays_trampoline_lowered:
0x8: {  	[smem:$0x3FA8] =	sst s0  }
0x9: {  	[smem:$0x3FA9] =	sst s1  }
0xa: {  	[smem:$0x3FAA] =	sst s2  }
0xb: {  	[smem:$0x3FAB] =	sst s3  }
0xc: {  	[smem:$0x3FAC] =	sst s4  }
0xd: {  	[smem:$0x3FAD] =	sst s5  }
0xe: {  	[smem:$0x3FAE] =	sst s6  }
0xf: {  	[smem:$0x3FAF] =	sst s7  }
0x10: {  	[smem:$0x3FB0] =	sst s8  }
0x11: {  	[smem:$0x3FB1] =	sst s9;
	s0 =	simm.s32 @!p0 $0x0  }
0x12: {  	s1 =	sld [smem:$0x3F97];
	s0 =	simm.s32 @p0 $0x1  }
0x13: {  	[smem:$0x3FB2] =	sst s0;
	s0 =	simm.s32 @!p1 $0x0  }
0x14: {  	s2 =	sld [smem:$0x3F96];
	s0 =	simm.s32 @p1 $0x1  }
0x15: {  	[smem:$0x3FB3] =	sst s0;
	s0 =	simm.s32 @!p2 $0x0  }
0x16: {  	s3 =	sld [smem:$0x3FDB];
	s0 =	simm.s32 @p2 $0x1  }
0x17: {  	s4 =	simm.s32 $0x1BF5;
	[smem:$0x3FB5] =	sst s0  }
0x18: {  	s0 =	sld [smem:$0x3F98];
	_ =	swait.ge [sflag:s4], $0x0  }
0x19: {  	s7 =	sld [smem:$0x3F99]  }
0x1a: {  	s8 =	sadd.s32 $0xFFFFE003, lr  }
0x1b: {  	s9 =	sadd.s32 $0xFFFFFEF7, lr;
	s5 =	simm.s32 $0xFFFFFFFF;
	p2 =	slt.u32 s8, $0xFFFFF086  }
0x1c: {  	p1 =	slt.u32 s9, $0xF7A;
	s5 =	simm.s32 @!p2 $0x0  }
0x1d: {  	s5 =	simm.s32 @p1 $0x1;
	p0 =	seq.s32 s7, s2  }
0x1e: {  	s7 =	smul.u32 @!p0 $0xF7A, s2;
	p2 =	seq.s32 @!p0 s5, $0x0  }
0x1f: {  	s9 =	smul.u32 $0xF7A, s1;
	s8 =	simm.s32 @!p0 $0x1BF5;
	p2 =	por !p2, p0  }
0x20: {  	[sflag:s8] =	ssyncset.s32 @!p0 $0xFFFFF086;
	s6 =	sadd.s32 @!p0 s3, s7;
	s7 =	simm.s32 @!p0 $0x108  }
0x21: {  	s3 =	sadd.s32 s3, s9;
	s6 =	sadd.s32 @!p0 $0x88, s6;
	s7 =	simm.s32 @p2 $0x1082  }
0x22: {  	[simem:s7], [sflag:s8] =	dma.local @!p0 [hbm:s6], $0xF7A  }
0x23: {  	s9 =	sor.u32 $0xD0000000, s2;
	s6 =	simm.s32 $0x108;
	_ =	swait.ge @!p0 [sflag:s8], $0x0  }
0x24: {  	s3 =	sadd.s32 $0x88, s3;
	s6 =	simm.s32 @!p1 $0x1082;
	[sflag:s4] =	ssyncset.s32 $0xFFFFF086  }
0x25: {  	[simem:s6], [sflag:s4] =	dma.local [hbm:s3], $0xF7A  }
0x26: {  	[smem:$0x3F99] =	sst s1;
	(tag) =	ssettag s2;
	_ =	strace s9  }
0x27: {  	s1 =	sld [smem:$0x3FA9]  }
0x28: {  	s2 =	sld [smem:$0x3FAA]  }
0x29: {  	s4 =	sld [smem:$0x3FAC]  }
0x2a: {  	p0 =	seq.s32 s5, $0x0;
	s5 =	sld [smem:$0x3FAD]  }
0x2b: {  	s6 =	sld [smem:$0x3FAE]  }
0x2c: {  	s7 =	sld [smem:$0x3FAF]  }
0x2d: {  	s3 =	simm.s32 $0x108;
	s8 =	sld [smem:$0x3FB0]  }
0x2e: {  	s3 =	simm.s32 @!p0 $0x1082;
	s9 =	sld [smem:$0x3FB1]  }
0x2f: {  	lr =	sadd.s32 s0, s3;
	s0 =	sld [smem:$0x3FA8]  }
0x30: {  	s3 =	sld [smem:$0x3FAB]  }
0x31: {  	[smem:$0x3FB4] =	sst s10  }
0x32: {  	s10 =	sld [smem:$0x3FB2];
	_ =	sdelay $0x3  }
0x33: {  	p0 =	seq.s32 s10, $0x1;
	s10 =	sld [smem:$0x3FB4];
	_ =	sdelay $0x3  }
0x34: {  	[smem:$0x3FB4] =	sst s10  }
0x35: {  	s10 =	sld [smem:$0x3FB3];
	_ =	sdelay $0x3  }
0x36: {  	p1 =	seq.s32 s10, $0x1;
	s10 =	sld [smem:$0x3FB4];
	_ =	sdelay $0x3  }
0x37: {  	[smem:$0x3FB4] =	sst s10  }
0x38: {  	s10 =	sld [smem:$0x3FB5]  }
0x39: {  	_ = 	snop;
	(pc) =	sbr.ind lr, $3  }
0x3a: {  	_ = 	snop  }
0x3b: {  	_ = 	snop  }
0x3c: {  	p2 =	seq.s32 s10, $0x1;
	s10 =	sld [smem:$0x3FB4]  }
0x3d: {  	_ =	shalt  }
0x3e: {  	_ =	shalt  }
0x3f: {  	_ =	shalt  }
0x40: {  	_ =	shalt  }
0x41: {  	_ =	shalt  }
0x42: {  	_ =	shalt  }
0x43: {  	_ =	shalt  }
0x44: {  	_ =	shalt  }
0x45: {  	_ =	shalt  }
0x46: {  	_ =	shalt  }
0x47: {  	_ =	shalt  }
0x48: {  	_ =	shalt  }
0x49: {  	_ =	shalt  }
0x4a: {  	_ =	shalt  }
0x4b: {  	_ =	shalt  }
0x4c: {  	_ =	shalt  }
0x4d: {  	_ =	shalt  }
0x4e: {  	_ =	shalt  }
0x4f: {  	_ =	shalt  }
0x50: {  	_ =	shalt  }
0x51: {  	_ =	shalt  }
0x52: {  	_ =	shalt  }
0x53: {  	_ =	shalt  }
0x54: {  	_ =	shalt  }
0x55: {  	_ =	shalt  }
0x56: {  	_ =	shalt  }
0x57: {  	_ =	shalt  }
0x58: {  	_ =	shalt  }
0x59: {  	_ =	shalt  }
0x5a: {  	_ =	shalt  }
0x5b: {  	_ =	shalt  }
0x5c: {  	_ =	shalt  }
0x5d: {  	_ =	shalt  }
0x5e: {  	_ =	shalt  }
0x5f: {  	_ =	shalt  }
0x60: {  	_ =	shalt  }
0x61: {  	_ =	shalt  }
0x62: {  	_ =	shalt  }
0x63: {  	_ =	shalt  }
0x64: {  	_ =	shalt  }
0x65: {  	_ =	shalt  }
0x66: {  	_ =	shalt  }
0x67: {  	_ =	shalt  }
0x68: {  	_ =	shalt  }
0x69: {  	_ =	shalt  }
0x6a: {  	_ =	shalt  }
0x6b: {  	_ =	shalt  }
0x6c: {  	_ =	shalt  }
0x6d: {  	_ =	shalt  }
0x6e: {  	_ =	shalt  }
0x6f: {  	_ =	shalt  }
0x70: {  	_ =	shalt  }
0x71: {  	_ =	shalt  }
0x72: {  	_ =	shalt  }
0x73: {  	_ =	shalt  }
0x74: {  	_ =	shalt  }
0x75: {  	_ =	shalt  }
0x76: {  	_ =	shalt  }
0x77: {  	_ =	shalt  }
0x78: {  	_ =	shalt  }
0x79: {  	_ =	shalt  }
0x7a: {  	_ =	shalt  }
0x7b: {  	_ =	shalt  }
0x7c: {  	_ =	shalt  }
0x7d: {  	_ =	shalt  }
0x7e: {  	_ =	shalt  }
0x7f: {  	_ =	shalt  }
0x80: {  	_ =	shalt  }
0x81: {  	_ =	shalt  }
0x82: {  	_ =	shalt  }
0x83: {  	_ =	shalt  }
0x84: {  	_ =	shalt  }
0x85: {  	_ =	shalt  }
0x86: {  	_ =	shalt  }
0x87: {  	_ =	shalt  }
.Lfunc_end0:
.L_simem_size_0:
called_computation_lowered:
.L_overlay_start_0:
0x88: {  	s2 =	sld [smem:$0x3FD9]  }
0x89: {  	s3 =	sld [smem:$0x3FFE];
	_ =	sdelay $0x1  }
0x8a: {  	s1 =	srdreg.scid  }
0x8b: {  	s0 =	sand.u32 $0x1, s1  }
0x8c: {  	s17 =	sshll.u32 s0, $0xA;
	s2 =	sadd.s32 s3, s2  }
0x8d: {  	s2 =	sadd.s32 s2, s17  }
0x8e: {  	[smem:$0x3FC0] =	sst s2  }
0x8f: {  	_ = 	snop  }
0x90: {  	s2 =	sld [smem:$0x3FD0];
	(tm) =	ssettm $0x1  }
0x91: {  	s18 =	sld [smem:$0x3FFB];
	_ =	sdelay $0x3  }
0x92: {  	_ =	strace s18  }
0x93: {  	s3 =	sld [smem:$0x3FFC];
	_ =	sdelay $0x3  }
0x94: {  	_ =	strace s3  }
0x95: {  	s3 =	sld [smem:$0x3FFD];
	_ =	sdelay $0x3  }
0x96: {  	_ =	strace s3  }
0x97: {  	_ =	strace $0x8FFFFFFF  }
0x98: {  	s19 =	sld [smem:$0x3FDB];
	_ =	sdelay $0x1  }
0x99: {  	s4 =	simm.s32 $_scs_section_size  }
0x9a: {  	s5 =	simm.s32 $_size__tile_overlayer_lowered;
	s6 =	simm.s32 $_tile_overlayer_lowered  }
0x9b: {  	s22 =	simm.s32 $0x1BFF;
	s21 =	sshll.u32 s6, $0x1;
	s3 =	sadd.s32 s4, s19  }
0x9c: {  	s7 =	simm.s32 $0x0;
	s20 =	sshll.u32 s5, $0x1;
	s5 =	sadd.s32 s21, s3  }
0x9d: {  	[timem:s7], [sflag:s22] =	dma.local [hbm:s5], s20  }
0x9e: {  	_ =	swait.ge [sflag:s22], s20  }
0x9f: {  	s4 =	ssub.s32 $0x0, s20;
	[sflag:s22] =	ssyncset.done $0x0  }
0xa0: {  	[sflag:s22] =	ssyncadd.s32 s4;
	_ =	sdelay $0x1  }
0xa1: {  	s23 =	simm.s32 $0x1B8B  }
0xa2: {  	_ =	swait.ge [sflag:s23], $0x1  }
0xa3: {  	[sflag:s23] =	ssyncset.done $0x0  }
0xa4: {  	s25 =	simm.s32 $0x1B8E;
	s24 =	sld [smem:$0x3FFE];
	[sflag:s23] =	ssyncadd.s32 $0xFFFFFFFF  }
0xa5: {  	s26 =	simm.s32 $execute0_lowered;
	[smem:$0x3FD2] =	sst s25  }
0xa6: {  	s5 =	sshll.u32 s26, $0x1;
	_ =	strace $0x80000046;
	[dreg:$0x1] =	wrdreg $0xFFFFFFFF  }
0xa7: {  	s28 =	simm.s32 $_size_execute0_lowered;
	s3 =	sadd.s32 s3, s5;
	[dreg:$0x0] =	wrdreg $0x0  }
0xa8: {  	s5 =	sshll.u32 s28, $0x1;
	[dreg:$0x2] =	wrdreg s3  }
0xa9: {  	[dreg:$0x3] =	wrdreg s5  }
0xaa: {  	[dreg:$0x4] =	wrdreg $0xC0  }
0xab: {  	_ =	task [dreg:s7], $0x5FFFF  }
0xac: {  	[dreg:$0x1] =	wrdreg $0xFFFFFFFF  }
0xad: {  	[dreg:$0x0] =	wrdreg $0x60  }
0xae: {  	[dreg:$0x2] =	wrdreg s24  }
0xaf: {  	[dreg:$0x3] =	wrdreg s2  }
0xb0: {  	[dreg:$0x4] =	wrdreg $0x0  }
0xb1: {  	[dreg:$0x5] =	wrdreg $0x9  }
0xb2: {  	_ =	task.clear_ibuf [dreg:s7], $0x6FFFF;
	_ =	strace $0x90000046  }
0xb3: {  	s29 =	simm.s32 $0x9;
	_ =	strace $0x80000048  }
0xb4: {  	_ =	swait.ge [sflag:s29], $0x1  }
0xb5: {  	[sflag:s29] =	ssyncadd.s32 $0xFFFFFFFF  }
0xb6: {  	_ =	strace $0x90000048  }
0xb7: {  	_ =	sfence  }
0xb8: {  	s30 =	sld [smem:$0x0];
	_ =	sdelay $0x2  }
0xb9: {  	s31 =	sshll.u32 s1, $0xD;
	s1 =	sshrl.u32 s1, $0x2  }
0xba: {  	s3 =	sand.u32 $0x4000, s31;
	s1 =	sadd.s32 s1, s30  }
0xbb: {  	s0 =	sor.u32 s3, s0;
	s1 =	sshll.u32 s1, $0x11  }
0xbc: {  	s0 =	sor.u32 s1, s0  }
0xbd: {  	s0 =	sadd.s32 $0x8F2B, s0  }
0xbe: {  	[sflag:s0] =	ssyncadd.remote.s32 $0x1  }
0xbf: {  	_ =	sfence.sel $0xFFFF  }
0xc0: {  	[dreg:$0x0] =	wrdreg $0xFFFFFFFF;
	(pc) =	sbr.abs _section_cstart, $3  }
0xc1: {  	[dreg:$0x1] =	wrdreg $0xFFFFFFFF  }
0xc2: {  	_ =	task.clear_ibuf [dreg:s7], $0x2FFFF;
	_ =	strace $0x9FFFFFFF  }
0xc3: {  	(tm) =	ssettm $0x7FFFFFFF  }
tec
execute0_lowered:
.L_overlay_start_1:
0x0: {  	(tag) =	ssettag $0x1  }
0x1: {  	s4 =	rddreg [dreg:$0x0]  }
0x2: {  	s6 =	rddreg [dreg:$0x1]  }
0x3: {  	s0 =	srdreg.scid;
	s2 =	rddreg [dreg:$0x2]  }
0x4: {  	s1 =	stileid.u32;
	s3 =	simm.s32 $0x0;
	s12 =	simm.s32 $0x80  }
0x5: {  	s13 =	simm.s32 $0x2A80;
	s16 =	simm.s32 $0x20;
	s17 =	simm.s32 $0x10  }
0x6: {  	s5 =	sand.u32 $0x1, s0;
	s0 =	rddreg [dreg:$0x3];
	s10 =	smul.u32 $0x500, s1  }
0x7: {  	s18 =	simm.s32 $0x0;
	[smem:$0x7FF] =	sst s3;
	s11 =	smul.u32 $0xA00, s1  }
0x8: {  	s14 =	sshll.u32 s1, $0x6;
	s7 =	sshll.u32 s5, $0x4;
	s8 =	ssub.s32 $0x2, s5  }
0x9: {  	_ =	strace $0x80000047;
	s5 =	sshll.u32 s5, $0x7;
	s14 =	sor.u32 $0x1C02, s14  }
0xa: {  	s7 =	sor.u32 s1, s7;
	s9 =	sshrl.u32 s8, $0x1;
	s5 =	sor.u32 s5, s10  }
0xb: {  	s30 =	sshrl.u32 s11, $0x2;
	s10 =	simm.s32 $0x2;
	s7 =	smul.u32 $0x2800, s7  }
0xc: {  	s11 =	simm.s32 $0x1;
	s8 =	ssub.s32 s8, s9;
	s31 =	sshrl.u32 s5, $0x3  }
0xd: {  	s5 =	sadd.s32 s30, s2;
	s9 =	simm.s32 $0x2B00;
	s7 =	sshrl.u32 s7, $0x3  }
0xe: {  	s6 =	sadd.s32 s6, s31;
	s15 =	sshrl.u32 s5, $0x3;
	s4 =	sadd.s32 s4, s7  }
0xf: {  	v0 =	vimm.f32 $1.000000000e+00;
	v1 =	vimm.f32 $0.0e+00;
	s7 =	smax.u32 s8, $0x1;
	s8 =	simm.s32 $0x280;
	s4 =	sadd.s32 $0xD400, s4  }
.LBB2_1:
0x10: {  	[tilespmem:s8], [sflag:$0x1] =	stream.linear.gather [hbm4b:s4+s3], $0x2800, $0x38;
	[tilespmem:$0x2D80] =	vst v63  }
0x11: {  	[tilespmem:$0x2A80] =	vst v0  }
0x12: {  	[tilespmem:$0x2A90] =	vst v0  }
0x13: {  	[tilespmem:$0x2AA0] =	vst v0  }
0x14: {  	[tilespmem:$0x2AB0] =	vst v0  }
0x15: {  	[tilespmem:$0x2AC0] =	vst v0  }
0x16: {  	[tilespmem:$0x2AD0] =	vst v0  }
0x17: {  	[tilespmem:$0x2AE0] =	vst v0  }
0x18: {  	[tilespmem:$0x2AF0] =	vst v0  }
0x19: {  	[tilespmem:$0x2B00] =	vst v1  }
0x1a: {  	[tilespmem:$0x2B10] =	vst v1  }
0x1b: {  	[tilespmem:$0x2B20] =	vst v1  }
0x1c: {  	[tilespmem:$0x2B30] =	vst v1  }
0x1d: {  	[tilespmem:$0x2B40] =	vst v1  }
0x1e: {  	[tilespmem:$0x2B50] =	vst v1  }
0x1f: {  	[tilespmem:$0x2B60] =	vst v1  }
0x20: {  	[tilespmem:$0x2B70] =	vst v1  }
0x21: {  	[tilespmem:$0x2B80] =	vst v1  }
0x22: {  	[tilespmem:$0x2B90] =	vst v1  }
0x23: {  	[tilespmem:$0x2BA0] =	vst v1  }
0x24: {  	[tilespmem:$0x2BB0] =	vst v1  }
0x25: {  	[tilespmem:$0x2BC0] =	vst v1  }
0x26: {  	[tilespmem:$0x2BD0] =	vst v1  }
0x27: {  	[tilespmem:$0x2BE0] =	vst v1  }
0x28: {  	[tilespmem:$0x2BF0] =	vst v1  }
0x29: {  	[tilespmem:$0x2C00] =	vst v1  }
0x2a: {  	[tilespmem:$0x2C10] =	vst v1  }
0x2b: {  	[tilespmem:$0x2C20] =	vst v1  }
0x2c: {  	[tilespmem:$0x2C30] =	vst v1  }
0x2d: {  	[tilespmem:$0x2C40] =	vst v1  }
0x2e: {  	[tilespmem:$0x2C50] =	vst v1  }
0x2f: {  	[tilespmem:$0x2C60] =	vst v1  }
0x30: {  	[tilespmem:$0x2C70] =	vst v1  }
0x31: {  	[tilespmem:$0x2C80] =	vst v1  }
0x32: {  	[tilespmem:$0x2C90] =	vst v1  }
0x33: {  	[tilespmem:$0x2CA0] =	vst v1  }
0x34: {  	[tilespmem:$0x2CB0] =	vst v1  }
0x35: {  	[tilespmem:$0x2CC0] =	vst v1  }
0x36: {  	[tilespmem:$0x2CD0] =	vst v1  }
0x37: {  	[tilespmem:$0x2CE0] =	vst v1  }
0x38: {  	[tilespmem:$0x2CF0] =	vst v1  }
0x39: {  	[tilespmem:$0x2D00] =	vst v1  }
0x3a: {  	[tilespmem:$0x2D10] =	vst v1  }
0x3b: {  	[tilespmem:$0x2D20] =	vst v1  }
0x3c: {  	[tilespmem:$0x2D30] =	vst v1  }
0x3d: {  	[tilespmem:$0x2D40] =	vst v1  }
0x3e: {  	[tilespmem:$0x2D50] =	vst v1  }
0x3f: {  	[tilespmem:$0x2D60] =	vst v1  }
0x40: {  	[tilespmem:$0x2D70] =	vst v1  }
0x41: {  	[spmem:s5] =	stream.linear.scatter [tilespmem:s9], [sflag:$0x2], $0x280, $0x38;
	[tilespmem:$0x2D80] =	vst v63  }
0x42: {  	_ =	swait.ge [sflag:s10], $0x280  }
0x43: {  	[sflag:s10] =	ssyncset.done $0x0  }
0x44: {  	[sflag:s10] =	ssyncadd.s32 $0xFFFFFD80  }
0x45: {  	[bflag:$0x0] =	sbarrier.arrive $0xFFFF  }
0x46: {  	_ =	swait.ge [sflag:s11], $0x2800  }
0x47: {  	[sflag:s11] =	ssyncset.done $0x0  }
0x48: {  	s19 =	simm.s32 $0x280;
	[sflag:s11] =	ssyncadd.s32 $0xFFFFD800  }
0x49: {  	[spmem:s2] =	stream.indirect.scatter.add.f32 [tilespmem:s13], [sflag:$0x1], $0x1, s19, s12, $0xb8;
	[tilespmem:$0x2D80] =	vst v63  }
0x4a: {  	s24 =	simm.s32 $0x300  }
0x4b: {  	[spmem:s2] =	stream.indirect.scatter.add.f32 [tilespmem:s13], [sflag:$0x1], $0x1, s24, s12, $0xb8;
	[tilespmem:$0x2D80] =	vst v63  }
0x4c: {  	s25 =	simm.s32 $0x380  }
0x4d: {  	[spmem:s2] =	stream.indirect.scatter.add.f32 [tilespmem:s13], [sflag:$0x1], $0x1, s25, s12, $0xb8;
	[tilespmem:$0x2D80] =	vst v63  }
0x4e: {  	s26 =	simm.s32 $0x400  }
0x4f: {  	[spmem:s2] =	stream.indirect.scatter.add.f32 [tilespmem:s13], [sflag:$0x1], $0x1, s26, s12, $0xb8;
	[tilespmem:$0x2D80] =	vst v63  }
0x50: {  	s28 =	simm.s32 $0x480  }
0x51: {  	[spmem:s2] =	stream.indirect.scatter.add.f32 [tilespmem:s13], [sflag:$0x1], $0x1, s28, s12, $0xb8;
	[tilespmem:$0x2D80] =	vst v63  }
0x52: {  	s29 =	simm.s32 $0x500  }
0x53: {  	[spmem:s2] =	stream.indirect.scatter.add.f32 [tilespmem:s13], [sflag:$0x1], $0x1, s29, s12, $0xb8;
	[tilespmem:$0x2D80] =	vst v63  }
0x54: {  	s30 =	simm.s32 $0x580  }
0x55: {  	[spmem:s2] =	stream.indirect.scatter.add.f32 [tilespmem:s13], [sflag:$0x1], $0x1, s30, s12, $0xb8;
	[tilespmem:$0x2D80] =	vst v63  }
0x56: {  	s31 =	simm.s32 $0x600  }
0x57: {  	[spmem:s2] =	stream.indirect.scatter.add.f32 [tilespmem:s13], [sflag:$0x1], $0x1, s31, s12, $0xb8;
	[tilespmem:$0x2D80] =	vst v63  }
0x58: {  	_ =	swait.ge [sflag:s11], $0x80  }
0x59: {  	[sflag:s11] =	ssyncset.done $0x0  }
0x5a: {  	[sflag:s11] =	ssyncadd.s32 $0xFFFFFF80  }
0x5b: {  	_ =	swait.ge [sflag:s11], $0x80  }
0x5c: {  	[sflag:s11] =	ssyncset.done $0x0  }
0x5d: {  	[sflag:s11] =	ssyncadd.s32 $0xFFFFFF80  }
0x5e: {  	_ =	swait.ge [sflag:s11], $0x80  }
0x5f: {  	[sflag:s11] =	ssyncset.done $0x0  }
0x60: {  	[sflag:s11] =	ssyncadd.s32 $0xFFFFFF80  }
0x61: {  	_ =	swait.ge [sflag:s11], $0x80  }
0x62: {  	[sflag:s11] =	ssyncset.done $0x0  }
0x63: {  	[sflag:s11] =	ssyncadd.s32 $0xFFFFFF80  }
0x64: {  	_ =	swait.ge [sflag:s11], $0x80  }
0x65: {  	[sflag:s11] =	ssyncset.done $0x0  }
0x66: {  	[sflag:s11] =	ssyncadd.s32 $0xFFFFFF80  }
0x67: {  	_ =	swait.ge [sflag:s11], $0x80  }
0x68: {  	[sflag:s11] =	ssyncset.done $0x0  }
0x69: {  	[sflag:s11] =	ssyncadd.s32 $0xFFFFFF80  }
0x6a: {  	_ =	swait.ge [sflag:s11], $0x80  }
0x6b: {  	[sflag:s11] =	ssyncset.done $0x0  }
0x6c: {  	[sflag:s11] =	ssyncadd.s32 $0xFFFFFF80  }
0x6d: {  	_ =	swait.ge [sflag:s11], $0x80  }
0x6e: {  	s22 =	simm.s32 $0x2000;
	s21 =	simm.s32 $0x400;
	[sflag:s11] =	ssyncset.done $0x0  }
.LBB2_2:
0x6f: {  	s23 =	sadd.s32 $0x280, s21  }
0x70: {  	[sflag:s11] =	ssyncadd.s32 $0xFFFFFF80;
	s20 =	smov.u32 s22;
	s19 =	sadd.s32 $0x1000, s22  }
0x71: {  	[spmem:s2] =	stream.indirect.scatter.add.f32 [tilespmem:s13], [sflag:$0x1], $0x1, s23, s12, $0xb8;
	[tilespmem:$0x2D80] =	vst v63  }
0x72: {  	p0 =	sne.s32 s22, $0x9000;
	s22 =	sadd.s32 $0x300, s21  }
0x73: {  	[spmem:s2] =	stream.indirect.scatter.add.f32 [tilespmem:s13], [sflag:$0x1], $0x1, s22, s12, $0xb8;
	[tilespmem:$0x2D80] =	vst v63  }
0x74: {  	s22 =	sadd.s32 $0x380, s21  }
0x75: {  	[spmem:s2] =	stream.indirect.scatter.add.f32 [tilespmem:s13], [sflag:$0x1], $0x1, s22, s12, $0xb8;
	[tilespmem:$0x2D80] =	vst v63  }
0x76: {  	s22 =	sadd.s32 $0x400, s21  }
0x77: {  	[spmem:s2] =	stream.indirect.scatter.add.f32 [tilespmem:s13], [sflag:$0x1], $0x1, s22, s12, $0xb8;
	[tilespmem:$0x2D80] =	vst v63  }
0x78: {  	s22 =	sadd.s32 $0x480, s21  }
0x79: {  	[spmem:s2] =	stream.indirect.scatter.add.f32 [tilespmem:s13], [sflag:$0x1], $0x1, s22, s12, $0xb8;
	[tilespmem:$0x2D80] =	vst v63  }
0x7a: {  	s22 =	sadd.s32 $0x500, s21  }
0x7b: {  	[spmem:s2] =	stream.indirect.scatter.add.f32 [tilespmem:s13], [sflag:$0x1], $0x1, s22, s12, $0xb8;
	[tilespmem:$0x2D80] =	vst v63  }
0x7c: {  	s22 =	sadd.s32 $0x580, s21  }
0x7d: {  	[spmem:s2] =	stream.indirect.scatter.add.f32 [tilespmem:s13], [sflag:$0x1], $0x1, s22, s12, $0xb8;
	[tilespmem:$0x2D80] =	vst v63  }
0x7e: {  	s21 =	sadd.s32 $0x600, s21  }
0x7f: {  	[spmem:s2] =	stream.indirect.scatter.add.f32 [tilespmem:s13], [sflag:$0x1], $0x1, s21, s12, $0xb8;
	[tilespmem:$0x2D80] =	vst v63  }
0x80: {  	_ =	swait.ge [sflag:s11], $0x80  }
0x81: {  	[sflag:s11] =	ssyncset.done $0x0  }
0x82: {  	[sflag:s11] =	ssyncadd.s32 $0xFFFFFF80  }
0x83: {  	_ =	swait.ge [sflag:s11], $0x80  }
0x84: {  	[sflag:s11] =	ssyncset.done $0x0  }
0x85: {  	[sflag:s11] =	ssyncadd.s32 $0xFFFFFF80  }
0x86: {  	_ =	swait.ge [sflag:s11], $0x80  }
0x87: {  	[sflag:s11] =	ssyncset.done $0x0  }
0x88: {  	[sflag:s11] =	ssyncadd.s32 $0xFFFFFF80  }
0x89: {  	_ =	swait.ge [sflag:s11], $0x80  }
0x8a: {  	[sflag:s11] =	ssyncset.done $0x0  }
0x8b: {  	[sflag:s11] =	ssyncadd.s32 $0xFFFFFF80  }
0x8c: {  	_ =	swait.ge [sflag:s11], $0x80  }
0x8d: {  	[sflag:s11] =	ssyncset.done $0x0  }
0x8e: {  	[sflag:s11] =	ssyncadd.s32 $0xFFFFFF80  }
0x8f: {  	_ =	swait.ge [sflag:s11], $0x80  }
0x90: {  	[sflag:s11] =	ssyncset.done $0x0  }
0x91: {  	[sflag:s11] =	ssyncadd.s32 $0xFFFFFF80  }
.Ltmp0:
0x92: {  	_ =	swait.ge [sflag:s11], $0x80;
	(pc) =	sbr.rel @p0 .LBB2_2-.Ltmp0, $4  }
0x93: {  	[sflag:s11] =	ssyncset.done $0x0  }
0x94: {  	[sflag:s11] =	ssyncadd.s32 $0xFFFFFF80  }
0x95: {  	_ =	swait.ge [sflag:s11], $0x80  }
0x96: {  	s22 =	smov.u32 s19;
	s21 =	sshra.s32 s20, $0x2;
	[sflag:s11] =	ssyncset.done $0x0  }
0x97: {  	s19 =	sadd.s32 $0x280, s21;
	[sflag:s11] =	ssyncadd.s32 $0xFFFFFF80  }
0x98: {  	[spmem:s2] =	stream.indirect.scatter.add.f32 [tilespmem:s13], [sflag:$0x1], $0x1, s19, s12, $0xb8;
	[tilespmem:$0x2D80] =	vst v63  }
0x99: {  	s24 =	sadd.s32 $0x300, s21  }
0x9a: {  	[spmem:s2] =	stream.indirect.scatter.add.f32 [tilespmem:s13], [sflag:$0x1], $0x1, s24, s12, $0xb8;
	[tilespmem:$0x2D80] =	vst v63  }
0x9b: {  	s25 =	sadd.s32 $0x380, s21  }
0x9c: {  	[spmem:s2] =	stream.indirect.scatter.add.f32 [tilespmem:s13], [sflag:$0x1], $0x1, s25, s12, $0xb8;
	[tilespmem:$0x2D80] =	vst v63  }
0x9d: {  	s26 =	sadd.s32 $0x400, s21  }
0x9e: {  	[spmem:s2] =	stream.indirect.scatter.add.f32 [tilespmem:s13], [sflag:$0x1], $0x1, s26, s12, $0xb8;
	[tilespmem:$0x2D80] =	vst v63  }
0x9f: {  	s28 =	sadd.s32 $0x480, s21  }
0xa0: {  	[spmem:s2] =	stream.indirect.scatter.add.f32 [tilespmem:s13], [sflag:$0x1], $0x1, s28, s12, $0xb8;
	[tilespmem:$0x2D80] =	vst v63  }
0xa1: {  	s29 =	sadd.s32 $0x500, s21  }
0xa2: {  	[spmem:s2] =	stream.indirect.scatter.add.f32 [tilespmem:s13], [sflag:$0x1], $0x1, s29, s12, $0xb8;
	[tilespmem:$0x2D80] =	vst v63  }
0xa3: {  	s30 =	sadd.s32 $0x580, s21  }
0xa4: {  	[spmem:s2] =	stream.indirect.scatter.add.f32 [tilespmem:s13], [sflag:$0x1], $0x1, s30, s12, $0xb8;
	[tilespmem:$0x2D80] =	vst v63  }
0xa5: {  	s31 =	sadd.s32 $0x600, s21  }
0xa6: {  	[spmem:s2] =	stream.indirect.scatter.add.f32 [tilespmem:s13], [sflag:$0x1], $0x1, s31, s12, $0xb8;
	[tilespmem:$0x2D80] =	vst v63  }
0xa7: {  	_ =	swait.ge [sflag:s11], $0x80  }
0xa8: {  	[sflag:s11] =	ssyncset.done $0x0  }
0xa9: {  	[sflag:s11] =	ssyncadd.s32 $0xFFFFFF80  }
0xaa: {  	_ =	swait.ge [sflag:s11], $0x80  }
0xab: {  	[sflag:s11] =	ssyncset.done $0x0  }
0xac: {  	[sflag:s11] =	ssyncadd.s32 $0xFFFFFF80  }
0xad: {  	_ =	swait.ge [sflag:s11], $0x80  }
0xae: {  	[sflag:s11] =	ssyncset.done $0x0  }
0xaf: {  	[sflag:s11] =	ssyncadd.s32 $0xFFFFFF80  }
0xb0: {  	_ =	swait.ge [sflag:s11], $0x80  }
0xb1: {  	[sflag:s11] =	ssyncset.done $0x0  }
0xb2: {  	[sflag:s11] =	ssyncadd.s32 $0xFFFFFF80  }
0xb3: {  	_ =	swait.ge [sflag:s11], $0x80  }
0xb4: {  	[sflag:s11] =	ssyncset.done $0x0  }
0xb5: {  	[sflag:s11] =	ssyncadd.s32 $0xFFFFFF80  }
0xb6: {  	_ =	swait.ge [sflag:s11], $0x80  }
0xb7: {  	[sflag:s11] =	ssyncset.done $0x0  }
0xb8: {  	[sflag:s11] =	ssyncadd.s32 $0xFFFFFF80  }
0xb9: {  	_ =	swait.ge [sflag:s11], $0x80  }
0xba: {  	[sflag:s11] =	ssyncset.done $0x0  }
0xbb: {  	[sflag:s11] =	ssyncadd.s32 $0xFFFFFF80  }
0xbc: {  	_ =	swait.ge [sflag:s11], $0x80  }
0xbd: {  	s18 =	sadd.s32 $0x1, s18;
	[sflag:s11] =	ssyncset.done $0x0  }
0xbe: {  	p0 =	sne.s32 s18, s7;
	[sflag:s11] =	ssyncadd.s32 $0xFFFFFF80  }
.Ltmp1:
0xbf: {  	[bflag:$0x0] =	sbarrier.arrive $0xFFFF;
	(pc) =	sbr.rel @p0 .LBB2_1-.Ltmp1, $4  }
0xc0: {  	[hbm:s6@s16], [sflag:s14] =	dma.strided [spmem:s15@s17], $0x50, s11, $0x10   }
0xc1: {  	_ =	swait.ge [sflag:s10], $0x50  }
0xc2: {  	[sflag:s10] =	ssyncset.done $0x0  }
0xc3: {  	[sflag:s10] =	ssyncadd.s32 $0xFFFFFFB0  }
0xc4: {  	_ =	sfence.sel $0x180000  }
0xc5: {  	[bflag:$0x0] =	sbarrier.arrive $0xFFFF  }
0xc6: {  	p0 =	sne.s32 s1, $0x0;
	_ =	strace $0x90000047  }
0xc7: {  	s0 =	sadd.s32 @!p0 $0x100000, s0;
	[bflag:$0x2] =	sbarrier.arrive $0xFFFF  }
0xc8: {  	[sflag:s0] =	ssyncadd.tile.s32 @!p0 $0x1;
	_ =	shalt  }
.Lfunc_end2:
_tile_overlayer_lowered:
.L_overlay_start_2:
0xc9: {  	(tag) =	ssettag $0x2  }
0xca: {  	s0 =	rddreg [dreg:$0x0];
	s2 =	stileid.u32  }
0xcb: {  	s1 =	rddreg [dreg:$0x1];
	p0 =	sne.s32 s2, $0x0  }
0xcc: {  	s3 =	rddreg [dreg:$0x2];
	[bflag:$0x3] =	sbarrier.arrive $0xFFFF;
	s2 =	simm.s32 @!p0 $0x1C02  }
0xcd: {  	[timem:s3], [sflag:s2] =	dma.local @!p0 [hbm:s0], s1  }
0xce: {  	s0 =	simm.s32 @!p0 $0x2  }
0xcf: {  	_ =	swait.ge @!p0 [sflag:s0], s1  }
0xd0: {  	s1 =	ssub.s32 @!p0 $0x0, s1;
	[sflag:s0] =	ssyncset.done @!p0 $0x0  }
0xd1: {  	[sflag:s0] =	ssyncadd.s32 @!p0 s1  }
0xd2: {  	[bflag:$0x3] =	sbarrier.arrive $0xFFFF  }
0xd3: {  	_ =	shalt  }

// kernel: kernel.14.cloned.1.call-start
scs
__scs_entry_jumppad:
0x0: {  	(pc) =	sbr.rel $0x88, $3  }
0x1: {  	(tag) =	ssettag $0x0;
	lr =	simm.s32 $0x1  }
0x2: {  	[smem:$0x3F99] =	sst lr;
	_ =	strace $0xD0000000  }
0x3: {  	_ = 	snop  }
0x4: {  	_ = 	snop  }
0x5: {  	_ = 	snop  }
0x6: {  	_ = 	snop  }
0x7: {  	_ = 	snop  }
__scs_overlays_trampoline_lowered:
0x8: {  	[smem:$0x3FA8] =	sst s0  }
0x9: {  	[smem:$0x3FA9] =	sst s1  }
0xa: {  	[smem:$0x3FAA] =	sst s2  }
0xb: {  	[smem:$0x3FAB] =	sst s3  }
0xc: {  	[smem:$0x3FAC] =	sst s4  }
0xd: {  	[smem:$0x3FAD] =	sst s5  }
0xe: {  	[smem:$0x3FAE] =	sst s6  }
0xf: {  	[smem:$0x3FAF] =	sst s7  }
0x10: {  	[smem:$0x3FB0] =	sst s8  }
0x11: {  	[smem:$0x3FB1] =	sst s9;
	s0 =	simm.s32 @!p0 $0x0  }
0x12: {  	s1 =	sld [smem:$0x3F97];
	s0 =	simm.s32 @p0 $0x1  }
0x13: {  	[smem:$0x3FB2] =	sst s0;
	s0 =	simm.s32 @!p1 $0x0  }
0x14: {  	s2 =	sld [smem:$0x3F96];
	s0 =	simm.s32 @p1 $0x1  }
0x15: {  	[smem:$0x3FB3] =	sst s0;
	s0 =	simm.s32 @!p2 $0x0  }
0x16: {  	s3 =	sld [smem:$0x3FDB];
	s0 =	simm.s32 @p2 $0x1  }
0x17: {  	s4 =	simm.s32 $0x1BF5;
	[smem:$0x3FB5] =	sst s0  }
0x18: {  	s0 =	sld [smem:$0x3F98];
	_ =	swait.ge [sflag:s4], $0x0  }
0x19: {  	s7 =	sld [smem:$0x3F99]  }
0x1a: {  	s8 =	sadd.s32 $0xFFFFE003, lr  }
0x1b: {  	s9 =	sadd.s32 $0xFFFFFEF7, lr;
	s5 =	simm.s32 $0xFFFFFFFF;
	p2 =	slt.u32 s8, $0xFFFFF086  }
0x1c: {  	p1 =	slt.u32 s9, $0xF7A;
	s5 =	simm.s32 @!p2 $0x0  }
0x1d: {  	s5 =	simm.s32 @p1 $0x1;
	p0 =	seq.s32 s7, s2  }
0x1e: {  	s7 =	smul.u32 @!p0 $0xF7A, s2;
	p2 =	seq.s32 @!p0 s5, $0x0  }
0x1f: {  	s9 =	smul.u32 $0xF7A, s1;
	s8 =	simm.s32 @!p0 $0x1BF5;
	p2 =	por !p2, p0  }
0x20: {  	[sflag:s8] =	ssyncset.s32 @!p0 $0xFFFFF086;
	s6 =	sadd.s32 @!p0 s3, s7;
	s7 =	simm.s32 @!p0 $0x108  }
0x21: {  	s3 =	sadd.s32 s3, s9;
	s6 =	sadd.s32 @!p0 $0x88, s6;
	s7 =	simm.s32 @p2 $0x1082  }
0x22: {  	[simem:s7], [sflag:s8] =	dma.local @!p0 [hbm:s6], $0xF7A  }
0x23: {  	s9 =	sor.u32 $0xD0000000, s2;
	s6 =	simm.s32 $0x108;
	_ =	swait.ge @!p0 [sflag:s8], $0x0  }
0x24: {  	s3 =	sadd.s32 $0x88, s3;
	s6 =	simm.s32 @!p1 $0x1082;
	[sflag:s4] =	ssyncset.s32 $0xFFFFF086  }
0x25: {  	[simem:s6], [sflag:s4] =	dma.local [hbm:s3], $0xF7A  }
0x26: {  	[smem:$0x3F99] =	sst s1;
	(tag) =	ssettag s2;
	_ =	strace s9  }
0x27: {  	s1 =	sld [smem:$0x3FA9]  }
0x28: {  	s2 =	sld [smem:$0x3FAA]  }
0x29: {  	s4 =	sld [smem:$0x3FAC]  }
0x2a: {  	p0 =	seq.s32 s5, $0x0;
	s5 =	sld [smem:$0x3FAD]  }
0x2b: {  	s6 =	sld [smem:$0x3FAE]  }
0x2c: {  	s7 =	sld [smem:$0x3FAF]  }
0x2d: {  	s3 =	simm.s32 $0x108;
	s8 =	sld [smem:$0x3FB0]  }
0x2e: {  	s3 =	simm.s32 @!p0 $0x1082;
	s9 =	sld [smem:$0x3FB1]  }
0x2f: {  	lr =	sadd.s32 s0, s3;
	s0 =	sld [smem:$0x3FA8]  }
0x30: {  	s3 =	sld [smem:$0x3FAB]  }
0x31: {  	[smem:$0x3FB4] =	sst s10  }
0x32: {  	s10 =	sld [smem:$0x3FB2];
	_ =	sdelay $0x3  }
0x33: {  	p0 =	seq.s32 s10, $0x1;
	s10 =	sld [smem:$0x3FB4];
	_ =	sdelay $0x3  }
0x34: {  	[smem:$0x3FB4] =	sst s10  }
0x35: {  	s10 =	sld [smem:$0x3FB3];
	_ =	sdelay $0x3  }
0x36: {  	p1 =	seq.s32 s10, $0x1;
	s10 =	sld [smem:$0x3FB4];
	_ =	sdelay $0x3  }
0x37: {  	[smem:$0x3FB4] =	sst s10  }
0x38: {  	s10 =	sld [smem:$0x3FB5]  }
0x39: {  	_ = 	snop;
	(pc) =	sbr.ind lr, $3  }
0x3a: {  	_ = 	snop  }
0x3b: {  	_ = 	snop  }
0x3c: {  	p2 =	seq.s32 s10, $0x1;
	s10 =	sld [smem:$0x3FB4]  }
0x3d: {  	_ =	shalt  }
0x3e: {  	_ =	shalt  }
0x3f: {  	_ =	shalt  }
0x40: {  	_ =	shalt  }
0x41: {  	_ =	shalt  }
0x42: {  	_ =	shalt  }
0x43: {  	_ =	shalt  }
0x44: {  	_ =	shalt  }
0x45: {  	_ =	shalt  }
0x46: {  	_ =	shalt  }
0x47: {  	_ =	shalt  }
0x48: {  	_ =	shalt  }
0x49: {  	_ =	shalt  }
0x4a: {  	_ =	shalt  }
0x4b: {  	_ =	shalt  }
0x4c: {  	_ =	shalt  }
0x4d: {  	_ =	shalt  }
0x4e: {  	_ =	shalt  }
0x4f: {  	_ =	shalt  }
0x50: {  	_ =	shalt  }
0x51: {  	_ =	shalt  }
0x52: {  	_ =	shalt  }
0x53: {  	_ =	shalt  }
0x54: {  	_ =	shalt  }
0x55: {  	_ =	shalt  }
0x56: {  	_ =	shalt  }
0x57: {  	_ =	shalt  }
0x58: {  	_ =	shalt  }
0x59: {  	_ =	shalt  }
0x5a: {  	_ =	shalt  }
0x5b: {  	_ =	shalt  }
0x5c: {  	_ =	shalt  }
0x5d: {  	_ =	shalt  }
0x5e: {  	_ =	shalt  }
0x5f: {  	_ =	shalt  }
0x60: {  	_ =	shalt  }
0x61: {  	_ =	shalt  }
0x62: {  	_ =	shalt  }
0x63: {  	_ =	shalt  }
0x64: {  	_ =	shalt  }
0x65: {  	_ =	shalt  }
0x66: {  	_ =	shalt  }
0x67: {  	_ =	shalt  }
0x68: {  	_ =	shalt  }
0x69: {  	_ =	shalt  }
0x6a: {  	_ =	shalt  }
0x6b: {  	_ =	shalt  }
0x6c: {  	_ =	shalt  }
0x6d: {  	_ =	shalt  }
0x6e: {  	_ =	shalt  }
0x6f: {  	_ =	shalt  }
0x70: {  	_ =	shalt  }
0x71: {  	_ =	shalt  }
0x72: {  	_ =	shalt  }
0x73: {  	_ =	shalt  }
0x74: {  	_ =	shalt  }
0x75: {  	_ =	shalt  }
0x76: {  	_ =	shalt  }
0x77: {  	_ =	shalt  }
0x78: {  	_ =	shalt  }
0x79: {  	_ =	shalt  }
0x7a: {  	_ =	shalt  }
0x7b: {  	_ =	shalt  }
0x7c: {  	_ =	shalt  }
0x7d: {  	_ =	shalt  }
0x7e: {  	_ =	shalt  }
0x7f: {  	_ =	shalt  }
0x80: {  	_ =	shalt  }
0x81: {  	_ =	shalt  }
0x82: {  	_ =	shalt  }
0x83: {  	_ =	shalt  }
0x84: {  	_ =	shalt  }
0x85: {  	_ =	shalt  }
0x86: {  	_ =	shalt  }
0x87: {  	_ =	shalt  }
.Lfunc_end0:
.L_simem_size_0:
called_computation.1_lowered:
.L_overlay_start_0:
0x88: {  	s2 =	sld [smem:$0x3FD9]  }
0x89: {  	s3 =	sld [smem:$0x3FFE];
	_ =	sdelay $0x1  }
0x8a: {  	s1 =	srdreg.scid  }
0x8b: {  	s0 =	sand.u32 $0x1, s1  }
0x8c: {  	s16 =	sshll.u32 s0, $0xA;
	s2 =	sadd.s32 s3, s2  }
0x8d: {  	s2 =	sadd.s32 s2, s16  }
0x8e: {  	[smem:$0x3FC0] =	sst s2  }
0x8f: {  	_ = 	snop  }
0x90: {  	(tm) =	ssettm $0x1  }
0x91: {  	s17 =	sld [smem:$0x3FFB];
	_ =	sdelay $0x3  }
0x92: {  	_ =	strace s17  }
0x93: {  	s2 =	sld [smem:$0x3FFC];
	_ =	sdelay $0x3  }
0x94: {  	_ =	strace s2  }
0x95: {  	s2 =	sld [smem:$0x3FFD];
	_ =	sdelay $0x3  }
0x96: {  	_ =	strace s2  }
0x97: {  	_ =	strace $0x8FFFFFFF  }
0x98: {  	s18 =	sld [smem:$0x3FDB];
	_ =	sdelay $0x1  }
0x99: {  	s19 =	simm.s32 $_scs_section_size  }
0x9a: {  	s4 =	simm.s32 $_size__tile_overlayer_lowered;
	s5 =	simm.s32 $_tile_overlayer_lowered  }
0x9b: {  	s22 =	simm.s32 $0x1BFF;
	s21 =	sshll.u32 s5, $0x1;
	s2 =	sadd.s32 s19, s18  }
0x9c: {  	s6 =	simm.s32 $0x0;
	s20 =	sshll.u32 s4, $0x1;
	s4 =	sadd.s32 s21, s2  }
0x9d: {  	[timem:s6], [sflag:s22] =	dma.local [hbm:s4], s20  }
0x9e: {  	_ =	swait.ge [sflag:s22], s20  }
0x9f: {  	s3 =	ssub.s32 $0x0, s20;
	[sflag:s22] =	ssyncset.done $0x0  }
0xa0: {  	[sflag:s22] =	ssyncadd.s32 s3;
	_ =	sdelay $0x1  }
0xa1: {  	s23 =	simm.s32 $0x1B8B  }
0xa2: {  	_ =	swait.ge [sflag:s23], $0x1  }
0xa3: {  	[sflag:s23] =	ssyncset.done $0x0  }
0xa4: {  	s25 =	simm.s32 $0x1B8E;
	s24 =	sld [smem:$0x3FFE];
	[sflag:s23] =	ssyncadd.s32 $0xFFFFFFFF  }
0xa5: {  	s26 =	simm.s32 $execute0_lowered;
	[smem:$0x3FD2] =	sst s25  }
0xa6: {  	s4 =	sshll.u32 s26, $0x1;
	_ =	strace $0x80000049;
	[dreg:$0x1] =	wrdreg $0xFFFFFFFF  }
0xa7: {  	s28 =	simm.s32 $_size_execute0_lowered;
	s2 =	sadd.s32 s2, s4;
	[dreg:$0x0] =	wrdreg $0x0  }
0xa8: {  	s4 =	sshll.u32 s28, $0x1;
	[dreg:$0x2] =	wrdreg s2  }
0xa9: {  	[dreg:$0x3] =	wrdreg s4  }
0xaa: {  	[dreg:$0x4] =	wrdreg $0xC0  }
0xab: {  	_ =	task [dreg:s6], $0x5FFFF  }
0xac: {  	[dreg:$0x1] =	wrdreg $0xFFFFFFFF  }
0xad: {  	[dreg:$0x0] =	wrdreg $0x60  }
0xae: {  	[dreg:$0x2] =	wrdreg s24  }
0xaf: {  	[dreg:$0x3] =	wrdreg $0x0  }
0xb0: {  	[dreg:$0x4] =	wrdreg $0x9  }
0xb1: {  	_ =	task.clear_ibuf [dreg:s6], $0x5FFFF;
	_ =	strace $0x90000049  }
0xb2: {  	s29 =	simm.s32 $0x9;
	_ =	strace $0x8000004B  }
0xb3: {  	_ =	swait.ge [sflag:s29], $0x1  }
0xb4: {  	[sflag:s29] =	ssyncadd.s32 $0xFFFFFFFF  }
0xb5: {  	_ =	strace $0x9000004B  }
0xb6: {  	_ =	sfence  }
0xb7: {  	s30 =	sld [smem:$0x0];
	_ =	sdelay $0x2  }
0xb8: {  	s31 =	sshll.u32 s1, $0xD;
	s1 =	sshrl.u32 s1, $0x2  }
0xb9: {  	s3 =	sand.u32 $0x4000, s31;
	s1 =	sadd.s32 s1, s30  }
0xba: {  	s0 =	sor.u32 s3, s0;
	s1 =	sshll.u32 s1, $0x11  }
0xbb: {  	s0 =	sor.u32 s1, s0  }
0xbc: {  	s0 =	sadd.s32 $0x8F2B, s0  }
0xbd: {  	[sflag:s0] =	ssyncadd.remote.s32 $0x1  }
0xbe: {  	_ =	sfence.sel $0xFFFF  }
0xbf: {  	[dreg:$0x0] =	wrdreg $0xFFFFFFFF;
	(pc) =	sbr.abs _section_cstart, $3  }
0xc0: {  	[dreg:$0x1] =	wrdreg $0xFFFFFFFF  }
0xc1: {  	_ =	task.clear_ibuf [dreg:s6], $0x2FFFF;
	_ =	strace $0x9FFFFFFF  }
0xc2: {  	(tm) =	ssettm $0x7FFFFFFF  }
0xc3: {  	_ =	shalt  }
tec
execute0_lowered:
.L_overlay_start_1:
0x0: {  	(tag) =	ssettag $0x1  }
0x1: {  	s0 =	rddreg [dreg:$0x0]  }
0x2: {  	s1 =	rddreg [dreg:$0x1];
	s2 =	srdreg.scid  }
0x3: {  	s3 =	simm.s32 $0x0;
	s9 =	stileid.u32;
	s2 =	sand.u32 $0x1, s2  }
0x4: {  	[smem:$0x7FF] =	sst s3;
	s7 =	smul.u32 $0x14000, s9;
	s4 =	sadd.s32 $0x17400, s0  }
0x5: {  	s5 =	sadd.s32 $0x3400, s0;
	s6 =	smul.u32 $0x140000, s2;
	s8 =	sshll.u32 s2, $0x4  }
0x6: {  	s26 =	smul.u32 $0x50000, s9;
	s2 =	ssub.s32 $0x2, s2;
	s24 =	sor.u32 s9, s8  }
0x7: {  	s25 =	sshrl.u32 s2, $0x1;
	s6 =	sadd.s32 s7, s6;
	s7 =	smul.u32 $0x2800, s24  }
0x8: {  	_ =	strace $0x8000004A;
	s2 =	ssub.s32 s2, s25;
	s6 =	sshrl.u32 s6, $0x3  }
0x9: {  	s12 =	smax.u32 s2, $0x1;
	s0 =	sadd.s32 s6, s0;
	s10 =	sshrl.u32 s7, $0x3  }
0xa: {  	s6 =	sadd.s32 $0x50000, s7;
	[dreg:$0x7] =	wrdreg s12;
	s9 =	sadd.s32 s5, s10  }
0xb: {  	s7 =	sshrl.u32 s6, $0x3;
	s0 =	sadd.s32 $0x3F400, s0;
	[dreg:$0x3] =	wrdreg s9  }
0xc: {  	s8 =	sshrl.u32 s26, $0x2;
	s7 =	sadd.s32 s5, s7;
	[dreg:$0x6] =	wrdreg s0  }
0xd: {  	s10 =	sadd.s32 s8, s1;
	s11 =	sadd.s32 $0xA010, s9;
	[dreg:$0x4] =	wrdreg s7  }
0xe: {  	s13 =	sadd.s32 $0x1000, s10;
	[dreg:$0x5] =	wrdreg s11  }
0xf: {  	s14 =	sadd.s32 $0x2000, s10;
	[dreg:$0x8] =	wrdreg s13  }
0x10: {  	s15 =	sadd.s32 $0x3000, s10;
	[dreg:$0x9] =	wrdreg s14  }
0x11: {  	s16 =	sadd.s32 $0x4000, s10;
	[dreg:$0xa] =	wrdreg s15  }
0x12: {  	s17 =	sadd.s32 $0x5000, s10;
	[dreg:$0xb] =	wrdreg s16  }
0x13: {  	s18 =	sadd.s32 $0x6000, s10;
	[dreg:$0xc] =	wrdreg s17  }
0x14: {  	s2 =	simm.s32 $0x14000;
	s19 =	sadd.s32 $0x7000, s10;
	[dreg:$0xd] =	wrdreg s18  }
0x15: {  	s12 =	simm.s32 $0x80;
	s20 =	sadd.s32 $0x8000, s10;
	[dreg:$0xe] =	wrdreg s19  }
0x16: {  	s8 =	simm.s32 $0x1;
	s21 =	sadd.s32 $0x9000, s10;
	[dreg:$0xf] =	wrdreg s20  }
0x17: {  	s22 =	sadd.s32 $0xA000, s10;
	s23 =	sadd.s32 $0xB000, s10;
	[dreg:$0x10] =	wrdreg s21  }
0x18: {  	s24 =	sadd.s32 $0xC000, s10;
	s25 =	sadd.s32 $0xD000, s10;
	[dreg:$0x11] =	wrdreg s22  }
0x19: {  	s26 =	sadd.s32 $0xE000, s10;
	s28 =	sadd.s32 $0xF000, s10;
	[dreg:$0x12] =	wrdreg s23  }
0x1a: {  	s29 =	sadd.s32 $0x10000, s10;
	s30 =	sadd.s32 $0x11000, s10;
	[dreg:$0x13] =	wrdreg s24  }
0x1b: {  	s31 =	sadd.s32 $0x12000, s10;
	s0 =	sadd.s32 $0x13000, s10;
	[dreg:$0x14] =	wrdreg s25  }
0x1c: {  	s9 =	simm.s32 $0x16800;
	[dreg:$0x15] =	wrdreg s26;
	s11 =	simm.s32 $0x16880  }
0x1d: {  	s13 =	simm.s32 $0x16900;
	s14 =	simm.s32 $0x1A900;
	s7 =	simm.s32 $0x1E900  }
0x1e: {  	s15 =	simm.s32 $0x6;
	s16 =	simm.s32 $0x2;
	s17 =	simm.s32 $0x4  }
0x1f: {  	v0 =	vimm.f32 $0.0e+00;
	s18 =	simm.s32 $0x3;
	s19 =	simm.s32 $0x5;
	s20 =	simm.s32 $0x0  }
.LBB2_1:
0x20: {  	s21 =	rddreg [dreg:$0x3]  }
0x21: {  	[tilespmem:s2], [sflag:$0x1] =	stream.linear.gather [hbm4b:s21+s3], $0x2800, $0x38;
	[tilespmem:$0x1F900] =	vst v63  }
0x22: {  	s22 =	simm.s32 $0x200;
	s21 =	simm.s32 $0x0  }
.LBB2_2:
0x23: {  	p0 =	sne.s32 s22, $0x3E00;
	[tilespmem:s21+$0x1E970] =	vst v0  }
0x24: {  	[tilespmem:s21+$0x1E900] =	vst v0  }
0x25: {  	[tilespmem:s21+$0x1E910] =	vst v0  }
.Ltmp0:
0x26: {  	[tilespmem:s21+$0x1E920] =	vst v0;
	(pc) =	sbr.rel @p0 .LBB2_2-.Ltmp0, $4  }
0x27: {  	[tilespmem:s21+$0x1E930] =	vst v0  }
0x28: {  	[tilespmem:s21+$0x1E940] =	vst v0  }
0x29: {  	[tilespmem:s21+$0x1E950] =	vst v0  }
0x2a: {  	[tilespmem:s21+$0x1E960] =	vst v0;
	s21 =	sshra.s32 s22, $0x2;
	s22 =	sadd.s32 $0x200, s22  }
0x2b: {  	[tilespmem:s21+$0x1E970] =	vst v0  }
0x2c: {  	[tilespmem:s21+$0x1E900] =	vst v0  }
0x2d: {  	[tilespmem:s21+$0x1E910] =	vst v0  }
0x2e: {  	[tilespmem:s21+$0x1E920] =	vst v0  }
0x2f: {  	[tilespmem:s21+$0x1E930] =	vst v0  }
0x30: {  	[tilespmem:s21+$0x1E940] =	vst v0  }
0x31: {  	[tilespmem:s21+$0x1E950] =	vst v0  }
0x32: {  	[tilespmem:s21+$0x1E960] =	vst v0  }
0x33: {  	_ =	swait.ge [sflag:s8], $0x2800  }
0x34: {  	[sflag:s8] =	ssyncset.done $0x0  }
0x35: {  	s26 =	rddreg [dreg:$0x4];
	[sflag:s8] =	ssyncadd.s32 $0xFFFFD800  }
0x36: {  	[tilespmem:s9], [sflag:$0x4] =	stream.linear.gather [hbm4b:s26+s3], $0x80, $0x38;
	[tilespmem:$0x1F900] =	vst v63  }
0x37: {  	s22 =	rddreg [dreg:$0x5]  }
0x38: {  	[tilespmem:s11], [sflag:$0x5] =	stream.linear.gather [hbm4b:s22+s3], $0x80, $0x38;
	[tilespmem:$0x1F900] =	vst v63  }
0x39: {  	_ = 	snop  }
0x3a: {  	[tilespmem:s13], [sflag:$0x2] =	stream.indirect.gather [hbm4b:s4+s12], $0x80, s2, s12, $0xb8;
	[tilespmem:$0x1F900] =	vst v63  }
0x3b: {  	s23 =	simm.s32 $0x14080  }
0x3c: {  	[tilespmem:s14], [sflag:$0x3] =	stream.indirect.gather [hbm4b:s4+s12], $0x80, s23, s12, $0xb8;
	[tilespmem:$0x1F900] =	vst v63  }
0x3d: {  	_ = 	snop  }
0x3e: {  	[spmem:s10] =	stream.linear.scatter [tilespmem:s7], [sflag:$0x6], $0x1000, $0x38;
	[tilespmem:$0x1F900] =	vst v63  }
0x3f: {  	_ =	swait.ge [sflag:s15], $0x1000  }
0x40: {  	[sflag:s15] =	ssyncset.done $0x0  }
0x41: {  	s24 =	rddreg [dreg:$0x8];
	[sflag:s15] =	ssyncadd.s32 $0xFFFFF000  }
0x42: {  	[spmem:s24] =	stream.linear.scatter [tilespmem:s7], [sflag:$0x6], $0x1000, $0x38;
	[tilespmem:$0x1F900] =	vst v63  }
0x43: {  	_ =	swait.ge [sflag:s15], $0x1000  }
0x44: {  	[sflag:s15] =	ssyncset.done $0x0  }
0x45: {  	s25 =	rddreg [dreg:$0x9];
	[sflag:s15] =	ssyncadd.s32 $0xFFFFF000  }
0x46: {  	[spmem:s25] =	stream.linear.scatter [tilespmem:s7], [sflag:$0x6], $0x1000, $0x38;
	[tilespmem:$0x1F900] =	vst v63  }
0x47: {  	_ =	swait.ge [sflag:s15], $0x1000  }
0x48: {  	[sflag:s15] =	ssyncset.done $0x0  }
0x49: {  	s26 =	rddreg [dreg:$0xa];
	[sflag:s15] =	ssyncadd.s32 $0xFFFFF000  }
0x4a: {  	[spmem:s26] =	stream.linear.scatter [tilespmem:s7], [sflag:$0x6], $0x1000, $0x38;
	[tilespmem:$0x1F900] =	vst v63  }
0x4b: {  	_ =	swait.ge [sflag:s15], $0x1000  }
0x4c: {  	[sflag:s15] =	ssyncset.done $0x0  }
0x4d: {  	s22 =	rddreg [dreg:$0xb];
	[sflag:s15] =	ssyncadd.s32 $0xFFFFF000  }
0x4e: {  	[spmem:s22] =	stream.linear.scatter [tilespmem:s7], [sflag:$0x6], $0x1000, $0x38;
	[tilespmem:$0x1F900] =	vst v63  }
0x4f: {  	_ =	swait.ge [sflag:s15], $0x1000  }
0x50: {  	[sflag:s15] =	ssyncset.done $0x0  }
0x51: {  	s23 =	rddreg [dreg:$0xc];
	[sflag:s15] =	ssyncadd.s32 $0xFFFFF000  }
0x52: {  	[spmem:s23] =	stream.linear.scatter [tilespmem:s7], [sflag:$0x6], $0x1000, $0x38;
	[tilespmem:$0x1F900] =	vst v63  }
0x53: {  	_ =	swait.ge [sflag:s15], $0x1000  }
0x54: {  	[sflag:s15] =	ssyncset.done $0x0  }
0x55: {  	s24 =	rddreg [dreg:$0xd];
	[sflag:s15] =	ssyncadd.s32 $0xFFFFF000  }
0x56: {  	[spmem:s24] =	stream.linear.scatter [tilespmem:s7], [sflag:$0x6], $0x1000, $0x38;
	[tilespmem:$0x1F900] =	vst v63  }
0x57: {  	_ =	swait.ge [sflag:s15], $0x1000  }
0x58: {  	[sflag:s15] =	ssyncset.done $0x0  }
0x59: {  	s25 =	rddreg [dreg:$0xe];
	[sflag:s15] =	ssyncadd.s32 $0xFFFFF000  }
0x5a: {  	[spmem:s25] =	stream.linear.scatter [tilespmem:s7], [sflag:$0x6], $0x1000, $0x38;
	[tilespmem:$0x1F900] =	vst v63  }
0x5b: {  	_ =	swait.ge [sflag:s15], $0x1000  }
0x5c: {  	[sflag:s15] =	ssyncset.done $0x0  }
0x5d: {  	s26 =	rddreg [dreg:$0xf];
	[sflag:s15] =	ssyncadd.s32 $0xFFFFF000  }
0x5e: {  	[spmem:s26] =	stream.linear.scatter [tilespmem:s7], [sflag:$0x6], $0x1000, $0x38;
	[tilespmem:$0x1F900] =	vst v63  }
0x5f: {  	_ =	swait.ge [sflag:s15], $0x1000  }
0x60: {  	[sflag:s15] =	ssyncset.done $0x0  }
0x61: {  	s22 =	rddreg [dreg:$0x10];
	[sflag:s15] =	ssyncadd.s32 $0xFFFFF000  }
0x62: {  	[spmem:s22] =	stream.linear.scatter [tilespmem:s7], [sflag:$0x6], $0x1000, $0x38;
	[tilespmem:$0x1F900] =	vst v63  }
0x63: {  	_ =	swait.ge [sflag:s15], $0x1000  }
0x64: {  	[sflag:s15] =	ssyncset.done $0x0  }
0x65: {  	s23 =	rddreg [dreg:$0x11];
	[sflag:s15] =	ssyncadd.s32 $0xFFFFF000  }
0x66: {  	[spmem:s23] =	stream.linear.scatter [tilespmem:s7], [sflag:$0x6], $0x1000, $0x38;
	[tilespmem:$0x1F900] =	vst v63  }
0x67: {  	_ =	swait.ge [sflag:s15], $0x1000  }
0x68: {  	[sflag:s15] =	ssyncset.done $0x0  }
0x69: {  	s24 =	rddreg [dreg:$0x12];
	[sflag:s15] =	ssyncadd.s32 $0xFFFFF000  }
0x6a: {  	[spmem:s24] =	stream.linear.scatter [tilespmem:s7], [sflag:$0x6], $0x1000, $0x38;
	[tilespmem:$0x1F900] =	vst v63  }
0x6b: {  	_ =	swait.ge [sflag:s15], $0x1000  }
0x6c: {  	[sflag:s15] =	ssyncset.done $0x0  }
0x6d: {  	s25 =	rddreg [dreg:$0x13];
	[sflag:s15] =	ssyncadd.s32 $0xFFFFF000  }
0x6e: {  	[spmem:s25] =	stream.linear.scatter [tilespmem:s7], [sflag:$0x6], $0x1000, $0x38;
	[tilespmem:$0x1F900] =	vst v63  }
0x6f: {  	_ =	swait.ge [sflag:s15], $0x1000  }
0x70: {  	[sflag:s15] =	ssyncset.done $0x0  }
0x71: {  	s26 =	rddreg [dreg:$0x14];
	[sflag:s15] =	ssyncadd.s32 $0xFFFFF000  }
0x72: {  	[spmem:s26] =	stream.linear.scatter [tilespmem:s7], [sflag:$0x6], $0x1000, $0x38;
	[tilespmem:$0x1F900] =	vst v63  }
0x73: {  	_ =	swait.ge [sflag:s15], $0x1000  }
0x74: {  	[sflag:s15] =	ssyncset.done $0x0  }
0x75: {  	s22 =	rddreg [dreg:$0x15];
	[sflag:s15] =	ssyncadd.s32 $0xFFFFF000  }
0x76: {  	[spmem:s22] =	stream.linear.scatter [tilespmem:s7], [sflag:$0x6], $0x1000, $0x38;
	[tilespmem:$0x1F900] =	vst v63  }
0x77: {  	_ =	swait.ge [sflag:s15], $0x1000  }
0x78: {  	[sflag:s15] =	ssyncset.done $0x0  }
0x79: {  	[sflag:s15] =	ssyncadd.s32 $0xFFFFF000  }
0x7a: {  	[spmem:s28] =	stream.linear.scatter [tilespmem:s7], [sflag:$0x6], $0x1000, $0x38;
	[tilespmem:$0x1F900] =	vst v63  }
0x7b: {  	_ =	swait.ge [sflag:s15], $0x1000  }
0x7c: {  	[sflag:s15] =	ssyncset.done $0x0  }
0x7d: {  	[sflag:s15] =	ssyncadd.s32 $0xFFFFF000  }
0x7e: {  	[spmem:s29] =	stream.linear.scatter [tilespmem:s7], [sflag:$0x6], $0x1000, $0x38;
	[tilespmem:$0x1F900] =	vst v63  }
0x7f: {  	_ =	swait.ge [sflag:s15], $0x1000  }
0x80: {  	[sflag:s15] =	ssyncset.done $0x0  }
0x81: {  	[sflag:s15] =	ssyncadd.s32 $0xFFFFF000  }
0x82: {  	[spmem:s30] =	stream.linear.scatter [tilespmem:s7], [sflag:$0x6], $0x1000, $0x38;
	[tilespmem:$0x1F900] =	vst v63  }
0x83: {  	_ =	swait.ge [sflag:s15], $0x1000  }
0x84: {  	[sflag:s15] =	ssyncset.done $0x0  }
0x85: {  	[sflag:s15] =	ssyncadd.s32 $0xFFFFF000  }
0x86: {  	[spmem:s31] =	stream.linear.scatter [tilespmem:s7], [sflag:$0x6], $0x1000, $0x38;
	[tilespmem:$0x1F900] =	vst v63  }
0x87: {  	_ =	swait.ge [sflag:s15], $0x1000  }
0x88: {  	[sflag:s15] =	ssyncset.done $0x0  }
0x89: {  	[sflag:s15] =	ssyncadd.s32 $0xFFFFF000  }
0x8a: {  	[spmem:s0] =	stream.linear.scatter [tilespmem:s7], [sflag:$0x6], $0x1000, $0x38;
	[tilespmem:$0x1F900] =	vst v63  }
0x8b: {  	_ =	swait.ge [sflag:s15], $0x1000  }
0x8c: {  	[sflag:s15] =	ssyncset.done $0x0  }
0x8d: {  	[sflag:s15] =	ssyncadd.s32 $0xFFFFF000  }
0x8e: {  	[bflag:$0x0] =	sbarrier.arrive $0xFFFF  }
0x8f: {  	_ =	swait.ge [sflag:s16], $0x4000  }
0x90: {  	[sflag:s16] =	ssyncset.done $0x0  }
0x91: {  	[sflag:s16] =	ssyncadd.s32 $0xFFFFC000  }
0x92: {  	s23 =	simm.s32 $0x100;
	_ =	swait.ge [sflag:s17], $0x80  }
0x93: {  	s22 =	sand.u32 $0x7C00, s23;
	[sflag:s17] =	ssyncset.done $0x0  }
0x94: {  	s21 =	sand.u32 $0x300, s23;
	s22 =	sadd.s32 s6, s22;
	[sflag:s17] =	ssyncadd.s32 $0xFFFFFF80  }
0x95: {  	[spmem:s1] =	stream.indirect.scatter.add.f32 [tilespmem:s13], [sflag:$0x6], $0x80, s9, s12, $0xb8;
	[tilespmem:$0x1F900] =	vst v63  }
0x96: {  	s21 =	sor.u32 s21, s22;
	_ =	swait.ge [sflag:s15], $0x4000  }
0x97: {  	s21 =	sshrl.u32 s21, $0x3;
	[sflag:s15] =	ssyncset.done $0x0  }
0x98: {  	s21 =	sadd.s32 s5, s21;
	[sflag:s15] =	ssyncadd.s32 $0xFFFFC000  }
0x99: {  	[tilespmem:s9], [sflag:$0x4] =	stream.linear.gather [hbm4b:s21+s3], $0x80, $0x38;
	[tilespmem:$0x1F900] =	vst v63  }
0x9a: {  	s24 =	simm.s32 $0x14100  }
0x9b: {  	[tilespmem:s13], [sflag:$0x2] =	stream.indirect.gather [hbm4b:s4+s12], $0x80, s24, s12, $0xb8;
	[tilespmem:$0x1F900] =	vst v63  }
0x9c: {  	_ =	swait.ge [sflag:s18], $0x4000  }
0x9d: {  	[sflag:s18] =	ssyncset.done $0x0  }
0x9e: {  	[sflag:s18] =	ssyncadd.s32 $0xFFFFC000  }
0x9f: {  	s25 =	simm.s32 $0x180;
	_ =	swait.ge [sflag:s19], $0x80  }
0xa0: {  	s26 =	sand.u32 $0x7C00, s25;
	[sflag:s19] =	ssyncset.done $0x0  }
0xa1: {  	s22 =	sadd.s32 s6, s26;
	s21 =	sand.u32 $0x380, s25;
	[sflag:s19] =	ssyncadd.s32 $0xFFFFFF80  }
0xa2: {  	[spmem:s1] =	stream.indirect.scatter.add.f32 [tilespmem:s14], [sflag:$0x6], $0x80, s11, s12, $0xb8;
	[tilespmem:$0x1F900] =	vst v63  }
0xa3: {  	s21 =	sor.u32 s21, s22;
	_ =	swait.ge [sflag:s15], $0x4000  }
0xa4: {  	s21 =	sshrl.u32 s21, $0x3;
	[sflag:s15] =	ssyncset.done $0x0  }
0xa5: {  	s21 =	sadd.s32 s5, s21;
	[sflag:s15] =	ssyncadd.s32 $0xFFFFC000  }
0xa6: {  	[tilespmem:s11], [sflag:$0x5] =	stream.linear.gather [hbm4b:s21+s3], $0x80, $0x38;
	[tilespmem:$0x1F900] =	vst v63  }
0xa7: {  	s23 =	simm.s32 $0x14200;
	s22 =	simm.s32 $0x14180;
	s21 =	simm.s32 $0x280  }
.LBB2_4:
0xa8: {  	s24 =	sadd.s32 $0x80, s23  }
0xa9: {  	p0 =	sne.s32 s21, $0x2780;
	s25 =	smov.u32 s21;
	s21 =	sadd.s32 $0x100, s21  }
0xaa: {  	[tilespmem:s14], [sflag:$0x3] =	stream.indirect.gather [hbm4b:s4+s12], $0x80, s22, s12, $0xb8;
	[tilespmem:$0x1F900] =	vst v63  }
0xab: {  	s22 =	smov.u32 s24;
	_ =	swait.ge [sflag:s16], $0x4000  }
0xac: {  	[sflag:s16] =	ssyncset.done $0x0  }
0xad: {  	[sflag:s16] =	ssyncadd.s32 $0xFFFFC000  }
0xae: {  	_ =	swait.ge [sflag:s17], $0x80  }
0xaf: {  	s24 =	sadd.s32 $0xFFFFFF80, s25;
	[sflag:s17] =	ssyncset.done $0x0  }
0xb0: {  	s26 =	sand.u32 $0x7C00, s24;
	s24 =	sand.u32 $0x300, s24;
	[sflag:s17] =	ssyncadd.s32 $0xFFFFFF80  }
0xb1: {  	[spmem:s1] =	stream.indirect.scatter.add.f32 [tilespmem:s13], [sflag:$0x6], $0x80, s9, s12, $0xb8;
	[tilespmem:$0x1F900] =	vst v63  }
0xb2: {  	s26 =	sadd.s32 s6, s26;
	_ =	swait.ge [sflag:s15], $0x4000  }
0xb3: {  	s24 =	sor.u32 s24, s26;
	[sflag:s15] =	ssyncset.done $0x0  }
0xb4: {  	s24 =	sshrl.u32 s24, $0x3;
	[sflag:s15] =	ssyncadd.s32 $0xFFFFC000  }
0xb5: {  	s24 =	sadd.s32 s5, s24  }
0xb6: {  	[tilespmem:s9], [sflag:$0x4] =	stream.linear.gather [hbm4b:s24+s3], $0x80, $0x38;
	[tilespmem:$0x1F900] =	vst v63  }
0xb7: {  	_ = 	snop  }
0xb8: {  	[tilespmem:s13], [sflag:$0x2] =	stream.indirect.gather [hbm4b:s4+s12], $0x80, s23, s12, $0xb8;
	[tilespmem:$0x1F900] =	vst v63  }
0xb9: {  	_ =	swait.ge [sflag:s18], $0x4000  }
0xba: {  	[sflag:s18] =	ssyncset.done $0x0  }
0xbb: {  	[sflag:s18] =	ssyncadd.s32 $0xFFFFC000  }
0xbc: {  	_ =	swait.ge [sflag:s19], $0x80  }
0xbd: {  	s24 =	sand.u32 $0x7C00, s25;
	[sflag:s19] =	ssyncset.done $0x0  }
0xbe: {  	s25 =	sand.u32 $0x380, s25;
	s24 =	sadd.s32 s6, s24;
	[sflag:s19] =	ssyncadd.s32 $0xFFFFFF80  }
0xbf: {  	[spmem:s1] =	stream.indirect.scatter.add.f32 [tilespmem:s14], [sflag:$0x6], $0x80, s11, s12, $0xb8;
	[tilespmem:$0x1F900] =	vst v63  }
.Ltmp1:
0xc0: {  	_ = 	snop;
	(pc) =	sbr.rel @p0 .LBB2_4-.Ltmp1, $4  }
0xc1: {  	s24 =	sor.u32 s25, s24;
	_ =	swait.ge [sflag:s15], $0x4000  }
0xc2: {  	s24 =	sshrl.u32 s24, $0x3;
	[sflag:s15] =	ssyncset.done $0x0  }
0xc3: {  	s23 =	sadd.s32 $0x100, s23;
	s24 =	sadd.s32 s5, s24;
	[sflag:s15] =	ssyncadd.s32 $0xFFFFC000  }
0xc4: {  	[tilespmem:s11], [sflag:$0x5] =	stream.linear.gather [hbm4b:s24+s3], $0x80, $0x38;
	[tilespmem:$0x1F900] =	vst v63  }
0xc5: {  	[tilespmem:s14], [sflag:$0x3] =	stream.indirect.gather [hbm4b:s4+s12], $0x80, s22, s12, $0xb8;
	[tilespmem:$0x1F900] =	vst v63  }
0xc6: {  	_ =	swait.ge [sflag:s16], $0x4000  }
0xc7: {  	[sflag:s16] =	ssyncset.done $0x0  }
0xc8: {  	[sflag:s16] =	ssyncadd.s32 $0xFFFFC000  }
0xc9: {  	_ =	swait.ge [sflag:s17], $0x80  }
0xca: {  	[sflag:s17] =	ssyncset.done $0x0  }
0xcb: {  	[sflag:s17] =	ssyncadd.s32 $0xFFFFFF80  }
0xcc: {  	[spmem:s1] =	stream.indirect.scatter.add.f32 [tilespmem:s13], [sflag:$0x6], $0x80, s9, s12, $0xb8;
	[tilespmem:$0x1F900] =	vst v63  }
0xcd: {  	_ =	swait.ge [sflag:s15], $0x4000  }
0xce: {  	[sflag:s15] =	ssyncset.done $0x0  }
0xcf: {  	[sflag:s15] =	ssyncadd.s32 $0xFFFFC000  }
0xd0: {  	_ =	swait.ge [sflag:s18], $0x4000  }
0xd1: {  	[sflag:s18] =	ssyncset.done $0x0  }
0xd2: {  	[sflag:s18] =	ssyncadd.s32 $0xFFFFC000  }
0xd3: {  	_ =	swait.ge [sflag:s19], $0x80  }
0xd4: {  	[sflag:s19] =	ssyncset.done $0x0  }
0xd5: {  	[sflag:s19] =	ssyncadd.s32 $0xFFFFFF80  }
0xd6: {  	[spmem:s1] =	stream.indirect.scatter.add.f32 [tilespmem:s14], [sflag:$0x6], $0x80, s11, s12, $0xb8;
	[tilespmem:$0x1F900] =	vst v63  }
0xd7: {  	_ =	swait.ge [sflag:s15], $0x4000  }
0xd8: {  	[sflag:s15] =	ssyncset.done $0x0  }
0xd9: {  	s21 =	stileid.u32;
	[sflag:s15] =	ssyncadd.s32 $0xFFFFC000  }
0xda: {  	s21 =	sshll.u32 s21, $0x6;
	[bflag:$0x0] =	sbarrier.arrive $0xFFFF  }
0xdb: {  	s25 =	sshrl.u32 s10, $0x3;
	s21 =	sor.u32 $0x1C06, s21;
	s23 =	rddreg [dreg:$0x6]  }
0xdc: {  	[hbm:s23], [sflag:s21] =	dma.local [spmem:s25], $0x2800  }
0xdd: {  	_ =	swait.ge [sflag:s15], $0x2800  }
0xde: {  	s20 =	sadd.s32 $0x1, s20;
	s26 =	rddreg [dreg:$0x7]  }
0xdf: {  	p0 =	sne.s32 s20, s26  }
.Ltmp2:
0xe0: {  	_ = 	snop;
	(pc) =	sbr.rel @p0 .LBB2_1-.Ltmp2, $3  }
0xe1: {  	_ =	sdelay $0x1  }
0xe2: {  	[sflag:s15] =	ssyncset.done $0x0  }
0xe3: {  	[sflag:s15] =	ssyncadd.s32 $0xFFFFD800  }
0xe4: {  	_ =	sfence.sel $0x180000  }
0xe5: {  	[bflag:$0x0] =	sbarrier.arrive $0xFFFF  }
0xe6: {  	_ =	strace $0x9000004A  }
0xe7: {  	s0 =	stileid.u32;
	[bflag:$0x2] =	sbarrier.arrive $0xFFFF  }
0xe8: {  	p0 =	sne.s32 s0, $0x0;
	s0 =	rddreg [dreg:$0x2]  }
0xe9: {  	s0 =	sadd.s32 @!p0 $0x100000, s0  }
0xea: {  	[sflag:s0] =	ssyncadd.tile.s32 @!p0 $0x1;
	_ =	shalt  }
.Lfunc_end2:
_tile_overlayer_lowered:
.L_overlay_start_2:
0xeb: {  	(tag) =	ssettag $0x2  }
0xec: {  	s0 =	rddreg [dreg:$0x0];
	s2 =	stileid.u32  }
0xed: {  	s1 =	rddreg [dreg:$0x1];
	p0 =	sne.s32 s2, $0x0  }
0xee: {  	s3 =	rddreg [dreg:$0x2];
	[bflag:$0x3] =	sbarrier.arrive $0xFFFF;
	s2 =	simm.s32 @!p0 $0x1C06  }
0xef: {  	[timem:s3], [sflag:s2] =	dma.local @!p0 [hbm:s0], s1  }
0xf0: {  	s0 =	simm.s32 @!p0 $0x6  }
0xf1: {  	_ =	swait.ge @!p0 [sflag:s0], s1  }
0xf2: {  	s1 =	ssub.s32 @!p0 $0x0, s1;
	[sflag:s0] =	ssyncset.done @!p0 $0x0  }
0xf3: {  	[sflag:s0] =	ssyncadd.s32 @!p0 s1  }
0xf4: {  	[bflag:$0x3] =	sbarrier.arrive $0xFFFF  }
0xf5: {  	_ =	shalt  }

// kernel: kernel.17.cloned.1.call-start
scs
__scs_entry_jumppad:
0x0: {  	(pc) =	sbr.rel $0x88, $3  }
0x1: {  	(tag) =	ssettag $0x0;
	lr =	simm.s32 $0x1  }
0x2: {  	[smem:$0x3F99] =	sst lr;
	_ =	strace $0xD0000000  }
0x3: {  	_ = 	snop  }
0x4: {  	_ = 	snop  }
0x5: {  	_ = 	snop  }
0x6: {  	_ = 	snop  }
0x7: {  	_ = 	snop  }
__scs_overlays_trampoline_lowered:
0x8: {  	[smem:$0x3FA8] =	sst s0  }
0x9: {  	[smem:$0x3FA9] =	sst s1  }
0xa: {  	[smem:$0x3FAA] =	sst s2  }
0xb: {  	[smem:$0x3FAB] =	sst s3  }
0xc: {  	[smem:$0x3FAC] =	sst s4  }
0xd: {  	[smem:$0x3FAD] =	sst s5  }
0xe: {  	[smem:$0x3FAE] =	sst s6  }
0xf: {  	[smem:$0x3FAF] =	sst s7  }
0x10: {  	[smem:$0x3FB0] =	sst s8  }
0x11: {  	[smem:$0x3FB1] =	sst s9;
	s0 =	simm.s32 @!p0 $0x0  }
0x12: {  	s1 =	sld [smem:$0x3F97];
	s0 =	simm.s32 @p0 $0x1  }
0x13: {  	[smem:$0x3FB2] =	sst s0;
	s0 =	simm.s32 @!p1 $0x0  }
0x14: {  	s2 =	sld [smem:$0x3F96];
	s0 =	simm.s32 @p1 $0x1  }
0x15: {  	[smem:$0x3FB3] =	sst s0;
	s0 =	simm.s32 @!p2 $0x0  }
0x16: {  	s3 =	sld [smem:$0x3FDB];
	s0 =	simm.s32 @p2 $0x1  }
0x17: {  	s4 =	simm.s32 $0x1BF5;
	[smem:$0x3FB5] =	sst s0  }
0x18: {  	s0 =	sld [smem:$0x3F98];
	_ =	swait.ge [sflag:s4], $0x0  }
0x19: {  	s7 =	sld [smem:$0x3F99]  }
0x1a: {  	s8 =	sadd.s32 $0xFFFFE003, lr  }
0x1b: {  	s9 =	sadd.s32 $0xFFFFFEF7, lr;
	s5 =	simm.s32 $0xFFFFFFFF;
	p2 =	slt.u32 s8, $0xFFFFF086  }
0x1c: {  	p1 =	slt.u32 s9, $0xF7A;
	s5 =	simm.s32 @!p2 $0x0  }
0x1d: {  	s5 =	simm.s32 @p1 $0x1;
	p0 =	seq.s32 s7, s2  }
0x1e: {  	s7 =	smul.u32 @!p0 $0xF7A, s2;
	p2 =	seq.s32 @!p0 s5, $0x0  }
0x1f: {  	s9 =	smul.u32 $0xF7A, s1;
	s8 =	simm.s32 @!p0 $0x1BF5;
	p2 =	por !p2, p0  }
0x20: {  	[sflag:s8] =	ssyncset.s32 @!p0 $0xFFFFF086;
	s6 =	sadd.s32 @!p0 s3, s7;
	s7 =	simm.s32 @!p0 $0x108  }
0x21: {  	s3 =	sadd.s32 s3, s9;
	s6 =	sadd.s32 @!p0 $0x88, s6;
	s7 =	simm.s32 @p2 $0x1082  }
0x22: {  	[simem:s7], [sflag:s8] =	dma.local @!p0 [hbm:s6], $0xF7A  }
0x23: {  	s9 =	sor.u32 $0xD0000000, s2;
	s6 =	simm.s32 $0x108;
	_ =	swait.ge @!p0 [sflag:s8], $0x0  }
0x24: {  	s3 =	sadd.s32 $0x88, s3;
	s6 =	simm.s32 @!p1 $0x1082;
	[sflag:s4] =	ssyncset.s32 $0xFFFFF086  }
0x25: {  	[simem:s6], [sflag:s4] =	dma.local [hbm:s3], $0xF7A  }
0x26: {  	[smem:$0x3F99] =	sst s1;
	(tag) =	ssettag s2;
	_ =	strace s9  }
0x27: {  	s1 =	sld [smem:$0x3FA9]  }
0x28: {  	s2 =	sld [smem:$0x3FAA]  }
0x29: {  	s4 =	sld [smem:$0x3FAC]  }
0x2a: {  	p0 =	seq.s32 s5, $0x0;
	s5 =	sld [smem:$0x3FAD]  }
0x2b: {  	s6 =	sld [smem:$0x3FAE]  }
0x2c: {  	s7 =	sld [smem:$0x3FAF]  }
0x2d: {  	s3 =	simm.s32 $0x108;
	s8 =	sld [smem:$0x3FB0]  }
0x2e: {  	s3 =	simm.s32 @!p0 $0x1082;
	s9 =	sld [smem:$0x3FB1]  }
0x2f: {  	lr =	sadd.s32 s0, s3;
	s0 =	sld [smem:$0x3FA8]  }
0x30: {  	s3 =	sld [smem:$0x3FAB]  }
0x31: {  	[smem:$0x3FB4] =	sst s10  }
0x32: {  	s10 =	sld [smem:$0x3FB2];
	_ =	sdelay $0x3  }
0x33: {  	p0 =	seq.s32 s10, $0x1;
	s10 =	sld [smem:$0x3FB4];
	_ =	sdelay $0x3  }
0x34: {  	[smem:$0x3FB4] =	sst s10  }
0x35: {  	s10 =	sld [smem:$0x3FB3];
	_ =	sdelay $0x3  }
0x36: {  	p1 =	seq.s32 s10, $0x1;
	s10 =	sld [smem:$0x3FB4];
	_ =	sdelay $0x3  }
0x37: {  	[smem:$0x3FB4] =	sst s10  }
0x38: {  	s10 =	sld [smem:$0x3FB5]  }
0x39: {  	_ = 	snop;
	(pc) =	sbr.ind lr, $3  }
0x3a: {  	_ = 	snop  }
0x3b: {  	_ = 	snop  }
0x3c: {  	p2 =	seq.s32 s10, $0x1;
	s10 =	sld [smem:$0x3FB4]  }
0x3d: {  	_ =	shalt  }
0x3e: {  	_ =	shalt  }
0x3f: {  	_ =	shalt  }
0x40: {  	_ =	shalt  }
0x41: {  	_ =	shalt  }
0x42: {  	_ =	shalt  }
0x43: {  	_ =	shalt  }
0x44: {  	_ =	shalt  }
0x45: {  	_ =	shalt  }
0x46: {  	_ =	shalt  }
0x47: {  	_ =	shalt  }
0x48: {  	_ =	shalt  }
0x49: {  	_ =	shalt  }
0x4a: {  	_ =	shalt  }
0x4b: {  	_ =	shalt  }
0x4c: {  	_ =	shalt  }
0x4d: {  	_ =	shalt  }
0x4e: {  	_ =	shalt  }
0x4f: {  	_ =	shalt  }
0x50: {  	_ =	shalt  }
0x51: {  	_ =	shalt  }
0x52: {  	_ =	shalt  }
0x53: {  	_ =	shalt  }
0x54: {  	_ =	shalt  }
0x55: {  	_ =	shalt  }
0x56: {  	_ =	shalt  }
0x57: {  	_ =	shalt  }
0x58: {  	_ =	shalt  }
0x59: {  	_ =	shalt  }
0x5a: {  	_ =	shalt  }
0x5b: {  	_ =	shalt  }
0x5c: {  	_ =	shalt  }
0x5d: {  	_ =	shalt  }
0x5e: {  	_ =	shalt  }
0x5f: {  	_ =	shalt  }
0x60: {  	_ =	shalt  }
0x61: {  	_ =	shalt  }
0x62: {  	_ =	shalt  }
0x63: {  	_ =	shalt  }
0x64: {  	_ =	shalt  }
0x65: {  	_ =	shalt  }
0x66: {  	_ =	shalt  }
0x67: {  	_ =	shalt  }
0x68: {  	_ =	shalt  }
0x69: {  	_ =	shalt  }
0x6a: {  	_ =	shalt  }
0x6b: {  	_ =	shalt  }
0x6c: {  	_ =	shalt  }
0x6d: {  	_ =	shalt  }
0x6e: {  	_ =	shalt  }
0x6f: {  	_ =	shalt  }
0x70: {  	_ =	shalt  }
0x71: {  	_ =	shalt  }
0x72: {  	_ =	shalt  }
0x73: {  	_ =	shalt  }
0x74: {  	_ =	shalt  }
0x75: {  	_ =	shalt  }
0x76: {  	_ =	shalt  }
0x77: {  	_ =	shalt  }
0x78: {  	_ =	shalt  }
0x79: {  	_ =	shalt  }
0x7a: {  	_ =	shalt  }
0x7b: {  	_ =	shalt  }
0x7c: {  	_ =	shalt  }
0x7d: {  	_ =	shalt  }
0x7e: {  	_ =	shalt  }
0x7f: {  	_ =	shalt  }
0x80: {  	_ =	shalt  }
0x81: {  	_ =	shalt  }
0x82: {  	_ =	shalt  }
0x83: {  	_ =	shalt  }
0x84: {  	_ =	shalt  }
0x85: {  	_ =	shalt  }
0x86: {  	_ =	shalt  }
0x87: {  	_ =	shalt  }
.Lfunc_end0:
.L_simem_size_0:
called_computation.2_lowered:
.L_overlay_start_0:
0x88: {  	s2 =	sld [smem:$0x3FD9]  }
0x89: {  	s3 =	sld [smem:$0x3FFE];
	_ =	sdelay $0x1  }
0x8a: {  	s1 =	srdreg.scid  }
0x8b: {  	s0 =	sand.u32 $0x1, s1  }
0x8c: {  	s16 =	sshll.u32 s0, $0xA;
	s2 =	sadd.s32 s3, s2  }
0x8d: {  	s2 =	sadd.s32 s2, s16  }
0x8e: {  	[smem:$0x3FC0] =	sst s2  }
0x8f: {  	_ = 	snop  }
0x90: {  	(tm) =	ssettm $0x1  }
0x91: {  	s17 =	sld [smem:$0x3FFB];
	_ =	sdelay $0x3  }
0x92: {  	_ =	strace s17  }
0x93: {  	s2 =	sld [smem:$0x3FFC];
	_ =	sdelay $0x3  }
0x94: {  	_ =	strace s2  }
0x95: {  	s2 =	sld [smem:$0x3FFD];
	_ =	sdelay $0x3  }
0x96: {  	_ =	strace s2  }
0x97: {  	_ =	strace $0x8FFFFFFF  }
0x98: {  	s18 =	sld [smem:$0x3FDB];
	_ =	sdelay $0x1  }
0x99: {  	s19 =	simm.s32 $_scs_section_size  }
0x9a: {  	s4 =	simm.s32 $_size__tile_overlayer_lowered;
	s5 =	simm.s32 $_tile_overlayer_lowered  }
0x9b: {  	s22 =	simm.s32 $0x1BFF;
	s21 =	sshll.u32 s5, $0x1;
	s2 =	sadd.s32 s19, s18  }
0x9c: {  	s6 =	simm.s32 $0x0;
	s20 =	sshll.u32 s4, $0x1;
	s4 =	sadd.s32 s21, s2  }
0x9d: {  	[timem:s6], [sflag:s22] =	dma.local [hbm:s4], s20  }
0x9e: {  	_ =	swait.ge [sflag:s22], s20  }
0x9f: {  	s3 =	ssub.s32 $0x0, s20;
	[sflag:s22] =	ssyncset.done $0x0  }
0xa0: {  	[sflag:s22] =	ssyncadd.s32 s3;
	_ =	sdelay $0x1  }
0xa1: {  	s23 =	simm.s32 $0x1B8B  }
0xa2: {  	_ =	swait.ge [sflag:s23], $0x1  }
0xa3: {  	[sflag:s23] =	ssyncset.done $0x0  }
0xa4: {  	s25 =	simm.s32 $0x1B8E;
	s24 =	sld [smem:$0x3FFE];
	[sflag:s23] =	ssyncadd.s32 $0xFFFFFFFF  }
0xa5: {  	s26 =	simm.s32 $execute0_lowered;
	[smem:$0x3FD2] =	sst s25  }
0xa6: {  	s4 =	sshll.u32 s26, $0x1;
	_ =	strace $0x8000004C;
	[dreg:$0x1] =	wrdreg $0xFFFFFFFF  }
0xa7: {  	s28 =	simm.s32 $_size_execute0_lowered;
	s2 =	sadd.s32 s2, s4;
	[dreg:$0x0] =	wrdreg $0x0  }
0xa8: {  	s4 =	sshll.u32 s28, $0x1;
	[dreg:$0x2] =	wrdreg s2  }
0xa9: {  	[dreg:$0x3] =	wrdreg s4  }
0xaa: {  	[dreg:$0x4] =	wrdreg $0xC0  }
0xab: {  	_ =	task [dreg:s6], $0x5FFFF  }
0xac: {  	[dreg:$0x1] =	wrdreg $0xFFFFFFFF  }
0xad: {  	[dreg:$0x0] =	wrdreg $0x60  }
0xae: {  	[dreg:$0x2] =	wrdreg s24  }
0xaf: {  	[dreg:$0x3] =	wrdreg $0x0  }
0xb0: {  	[dreg:$0x4] =	wrdreg $0x9  }
0xb1: {  	_ =	task.clear_ibuf [dreg:s6], $0x5FFFF;
	_ =	strace $0x9000004C  }
0xb2: {  	s29 =	simm.s32 $0x9;
	_ =	strace $0x8000004E  }
0xb3: {  	_ =	swait.ge [sflag:s29], $0x1  }
0xb4: {  	[sflag:s29] =	ssyncadd.s32 $0xFFFFFFFF  }
0xb5: {  	_ =	strace $0x9000004E  }
0xb6: {  	_ =	sfence  }
0xb7: {  	s30 =	sld [smem:$0x0];
	_ =	sdelay $0x2  }
0xb8: {  	s31 =	sshll.u32 s1, $0xD;
	s1 =	sshrl.u32 s1, $0x2  }
0xb9: {  	s3 =	sand.u32 $0x4000, s31;
	s1 =	sadd.s32 s1, s30  }
0xba: {  	s0 =	sor.u32 s3, s0;
	s1 =	sshll.u32 s1, $0x11  }
0xbb: {  	s0 =	sor.u32 s1, s0  }
0xbc: {  	s0 =	sadd.s32 $0x8F2B, s0  }
0xbd: {  	[sflag:s0] =	ssyncadd.remote.s32 $0x1  }
0xbe: {  	_ =	sfence.sel $0xFFFF  }
0xbf: {  	[dreg:$0x0] =	wrdreg $0xFFFFFFFF;
	(pc) =	sbr.abs _section_cstart, $3  }
0xc0: {  	[dreg:$0x1] =	wrdreg $0xFFFFFFFF  }
0xc1: {  	_ =	task.clear_ibuf [dreg:s6], $0x2FFFF;
	_ =	strace $0x9FFFFFFF  }
0xc2: {  	(tm) =	ssettm $0x7FFFFFFF  }
0xc3: {  	_ =	shalt  }
tec
execute0_lowered:
.L_overlay_start_1:
0x0: {  	(tag) =	ssettag $0x1  }
0x1: {  	s0 =	rddreg [dreg:$0x0]  }
0x2: {  	s1 =	rddreg [dreg:$0x1];
	s2 =	srdreg.scid  }
0x3: {  	s3 =	simm.s32 $0x0;
	s9 =	stileid.u32;
	s2 =	sand.u32 $0x1, s2  }
0x4: {  	[smem:$0x7FF] =	sst s3;
	s7 =	smul.u32 $0x14000, s9;
	s4 =	sadd.s32 $0x17400, s0  }
0x5: {  	s5 =	sadd.s32 $0x3400, s0;
	s6 =	smul.u32 $0x140000, s2;
	s8 =	sshll.u32 s2, $0x4  }
0x6: {  	s26 =	smul.u32 $0x50000, s9;
	s2 =	ssub.s32 $0x2, s2;
	s24 =	sor.u32 s9, s8  }
0x7: {  	s25 =	sshrl.u32 s2, $0x1;
	s6 =	sadd.s32 s7, s6;
	s7 =	smul.u32 $0x2800, s24  }
0x8: {  	_ =	strace $0x8000004D;
	s2 =	ssub.s32 s2, s25;
	s6 =	sshrl.u32 s6, $0x3  }
0x9: {  	s12 =	smax.u32 s2, $0x1;
	s0 =	sadd.s32 s6, s0;
	s10 =	sshrl.u32 s7, $0x3  }
0xa: {  	s6 =	sadd.s32 $0x50000, s7;
	[dreg:$0x7] =	wrdreg s12;
	s9 =	sadd.s32 s5, s10  }
0xb: {  	s7 =	sshrl.u32 s6, $0x3;
	s0 =	sadd.s32 $0x3F400, s0;
	[dreg:$0x3] =	wrdreg s9  }
0xc: {  	s8 =	sshrl.u32 s26, $0x2;
	s7 =	sadd.s32 s5, s7;
	[dreg:$0x6] =	wrdreg s0  }
0xd: {  	s10 =	sadd.s32 s8, s1;
	s11 =	sadd.s32 $0xA010, s9;
	[dreg:$0x4] =	wrdreg s7  }
0xe: {  	s13 =	sadd.s32 $0x1000, s10;
	[dreg:$0x5] =	wrdreg s11  }
0xf: {  	s14 =	sadd.s32 $0x2000, s10;
	[dreg:$0x8] =	wrdreg s13  }
0x10: {  	s15 =	sadd.s32 $0x3000, s10;
	[dreg:$0x9] =	wrdreg s14  }
0x11: {  	s16 =	sadd.s32 $0x4000, s10;
	[dreg:$0xa] =	wrdreg s15  }
0x12: {  	s17 =	sadd.s32 $0x5000, s10;
	[dreg:$0xb] =	wrdreg s16  }
0x13: {  	s18 =	sadd.s32 $0x6000, s10;
	[dreg:$0xc] =	wrdreg s17  }
0x14: {  	s2 =	simm.s32 $0x14000;
	s19 =	sadd.s32 $0x7000, s10;
	[dreg:$0xd] =	wrdreg s18  }
0x15: {  	s12 =	simm.s32 $0x80;
	s20 =	sadd.s32 $0x8000, s10;
	[dreg:$0xe] =	wrdreg s19  }
0x16: {  	s8 =	simm.s32 $0x1;
	s21 =	sadd.s32 $0x9000, s10;
	[dreg:$0xf] =	wrdreg s20  }
0x17: {  	s22 =	sadd.s32 $0xA000, s10;
	s23 =	sadd.s32 $0xB000, s10;
	[dreg:$0x10] =	wrdreg s21  }
0x18: {  	s24 =	sadd.s32 $0xC000, s10;
	s25 =	sadd.s32 $0xD000, s10;
	[dreg:$0x11] =	wrdreg s22  }
0x19: {  	s26 =	sadd.s32 $0xE000, s10;
	s28 =	sadd.s32 $0xF000, s10;
	[dreg:$0x12] =	wrdreg s23  }
0x1a: {  	s29 =	sadd.s32 $0x10000, s10;
	s30 =	sadd.s32 $0x11000, s10;
	[dreg:$0x13] =	wrdreg s24  }
0x1b: {  	s31 =	sadd.s32 $0x12000, s10;
	s0 =	sadd.s32 $0x13000, s10;
	[dreg:$0x14] =	wrdreg s25  }
0x1c: {  	s9 =	simm.s32 $0x16800;
	[dreg:$0x15] =	wrdreg s26;
	s11 =	simm.s32 $0x16880  }
0x1d: {  	s13 =	simm.s32 $0x16900;
	s14 =	simm.s32 $0x1A900;
	s7 =	simm.s32 $0x1E900  }
0x1e: {  	s15 =	simm.s32 $0x6;
	s16 =	simm.s32 $0x2;
	s17 =	simm.s32 $0x4  }
0x1f: {  	v0 =	vimm.f32 $0.0e+00;
	s18 =	simm.s32 $0x3;
	s19 =	simm.s32 $0x5;
	s20 =	simm.s32 $0x0  }
.LBB2_1:
0x20: {  	s21 =	rddreg [dreg:$0x3]  }
0x21: {  	[tilespmem:s2], [sflag:$0x1] =	stream.linear.gather [hbm4b:s21+s3], $0x2800, $0x38;
	[tilespmem:$0x1F900] =	vst v63  }
0x22: {  	s22 =	simm.s32 $0x200;
	s21 =	simm.s32 $0x0  }
.LBB2_2:
0x23: {  	p0 =	sne.s32 s22, $0x3E00;
	[tilespmem:s21+$0x1E970] =	vst v0  }
0x24: {  	[tilespmem:s21+$0x1E900] =	vst v0  }
0x25: {  	[tilespmem:s21+$0x1E910] =	vst v0  }
.Ltmp0:
0x26: {  	[tilespmem:s21+$0x1E920] =	vst v0;
	(pc) =	sbr.rel @p0 .LBB2_2-.Ltmp0, $4  }
0x27: {  	[tilespmem:s21+$0x1E930] =	vst v0  }
0x28: {  	[tilespmem:s21+$0x1E940] =	vst v0  }
0x29: {  	[tilespmem:s21+$0x1E950] =	vst v0  }
0x2a: {  	[tilespmem:s21+$0x1E960] =	vst v0;
	s21 =	sshra.s32 s22, $0x2;
	s22 =	sadd.s32 $0x200, s22  }
0x2b: {  	[tilespmem:s21+$0x1E970] =	vst v0  }
0x2c: {  	[tilespmem:s21+$0x1E900] =	vst v0  }
0x2d: {  	[tilespmem:s21+$0x1E910] =	vst v0  }
0x2e: {  	[tilespmem:s21+$0x1E920] =	vst v0  }
0x2f: {  	[tilespmem:s21+$0x1E930] =	vst v0  }
0x30: {  	[tilespmem:s21+$0x1E940] =	vst v0  }
0x31: {  	[tilespmem:s21+$0x1E950] =	vst v0  }
0x32: {  	[tilespmem:s21+$0x1E960] =	vst v0  }
0x33: {  	_ =	swait.ge [sflag:s8], $0x2800  }
0x34: {  	[sflag:s8] =	ssyncset.done $0x0  }
0x35: {  	s26 =	rddreg [dreg:$0x4];
	[sflag:s8] =	ssyncadd.s32 $0xFFFFD800  }
0x36: {  	[tilespmem:s9], [sflag:$0x4] =	stream.linear.gather [hbm4b:s26+s3], $0x80, $0x38;
	[tilespmem:$0x1F900] =	vst v63  }
0x37: {  	s22 =	rddreg [dreg:$0x5]  }
0x38: {  	[tilespmem:s11], [sflag:$0x5] =	stream.linear.gather [hbm4b:s22+s3], $0x80, $0x38;
	[tilespmem:$0x1F900] =	vst v63  }
0x39: {  	_ = 	snop  }
0x3a: {  	[tilespmem:s13], [sflag:$0x2] =	stream.indirect.gather [hbm4b:s4+s12], $0x80, s2, s12, $0xb8;
	[tilespmem:$0x1F900] =	vst v63  }
0x3b: {  	s23 =	simm.s32 $0x14080  }
0x3c: {  	[tilespmem:s14], [sflag:$0x3] =	stream.indirect.gather [hbm4b:s4+s12], $0x80, s23, s12, $0xb8;
	[tilespmem:$0x1F900] =	vst v63  }
0x3d: {  	_ = 	snop  }
0x3e: {  	[spmem:s10] =	stream.linear.scatter [tilespmem:s7], [sflag:$0x6], $0x1000, $0x38;
	[tilespmem:$0x1F900] =	vst v63  }
0x3f: {  	_ =	swait.ge [sflag:s15], $0x1000  }
0x40: {  	[sflag:s15] =	ssyncset.done $0x0  }
0x41: {  	s24 =	rddreg [dreg:$0x8];
	[sflag:s15] =	ssyncadd.s32 $0xFFFFF000  }
0x42: {  	[spmem:s24] =	stream.linear.scatter [tilespmem:s7], [sflag:$0x6], $0x1000, $0x38;
	[tilespmem:$0x1F900] =	vst v63  }
0x43: {  	_ =	swait.ge [sflag:s15], $0x1000  }
0x44: {  	[sflag:s15] =	ssyncset.done $0x0  }
0x45: {  	s25 =	rddreg [dreg:$0x9];
	[sflag:s15] =	ssyncadd.s32 $0xFFFFF000  }
0x46: {  	[spmem:s25] =	stream.linear.scatter [tilespmem:s7], [sflag:$0x6], $0x1000, $0x38;
	[tilespmem:$0x1F900] =	vst v63  }
0x47: {  	_ =	swait.ge [sflag:s15], $0x1000  }
0x48: {  	[sflag:s15] =	ssyncset.done $0x0  }
0x49: {  	s26 =	rddreg [dreg:$0xa];
	[sflag:s15] =	ssyncadd.s32 $0xFFFFF000  }
0x4a: {  	[spmem:s26] =	stream.linear.scatter [tilespmem:s7], [sflag:$0x6], $0x1000, $0x38;
	[tilespmem:$0x1F900] =	vst v63  }
0x4b: {  	_ =	swait.ge [sflag:s15], $0x1000  }
0x4c: {  	[sflag:s15] =	ssyncset.done $0x0  }
0x4d: {  	s22 =	rddreg [dreg:$0xb];
	[sflag:s15] =	ssyncadd.s32 $0xFFFFF000  }
0x4e: {  	[spmem:s22] =	stream.linear.scatter [tilespmem:s7], [sflag:$0x6], $0x1000, $0x38;
	[tilespmem:$0x1F900] =	vst v63  }
0x4f: {  	_ =	swait.ge [sflag:s15], $0x1000  }
0x50: {  	[sflag:s15] =	ssyncset.done $0x0  }
0x51: {  	s23 =	rddreg [dreg:$0xc];
	[sflag:s15] =	ssyncadd.s32 $0xFFFFF000  }
0x52: {  	[spmem:s23] =	stream.linear.scatter [tilespmem:s7], [sflag:$0x6], $0x1000, $0x38;
	[tilespmem:$0x1F900] =	vst v63  }
0x53: {  	_ =	swait.ge [sflag:s15], $0x1000  }
0x54: {  	[sflag:s15] =	ssyncset.done $0x0  }
0x55: {  	s24 =	rddreg [dreg:$0xd];
	[sflag:s15] =	ssyncadd.s32 $0xFFFFF000  }
0x56: {  	[spmem:s24] =	stream.linear.scatter [tilespmem:s7], [sflag:$0x6], $0x1000, $0x38;
	[tilespmem:$0x1F900] =	vst v63  }
0x57: {  	_ =	swait.ge [sflag:s15], $0x1000  }
0x58: {  	[sflag:s15] =	ssyncset.done $0x0  }
0x59: {  	s25 =	rddreg [dreg:$0xe];
	[sflag:s15] =	ssyncadd.s32 $0xFFFFF000  }
0x5a: {  	[spmem:s25] =	stream.linear.scatter [tilespmem:s7], [sflag:$0x6], $0x1000, $0x38;
	[tilespmem:$0x1F900] =	vst v63  }
0x5b: {  	_ =	swait.ge [sflag:s15], $0x1000  }
0x5c: {  	[sflag:s15] =	ssyncset.done $0x0  }
0x5d: {  	s26 =	rddreg [dreg:$0xf];
	[sflag:s15] =	ssyncadd.s32 $0xFFFFF000  }
0x5e: {  	[spmem:s26] =	stream.linear.scatter [tilespmem:s7], [sflag:$0x6], $0x1000, $0x38;
	[tilespmem:$0x1F900] =	vst v63  }
0x5f: {  	_ =	swait.ge [sflag:s15], $0x1000  }
0x60: {  	[sflag:s15] =	ssyncset.done $0x0  }
0x61: {  	s22 =	rddreg [dreg:$0x10];
	[sflag:s15] =	ssyncadd.s32 $0xFFFFF000  }
0x62: {  	[spmem:s22] =	stream.linear.scatter [tilespmem:s7], [sflag:$0x6], $0x1000, $0x38;
	[tilespmem:$0x1F900] =	vst v63  }
0x63: {  	_ =	swait.ge [sflag:s15], $0x1000  }
0x64: {  	[sflag:s15] =	ssyncset.done $0x0  }
0x65: {  	s23 =	rddreg [dreg:$0x11];
	[sflag:s15] =	ssyncadd.s32 $0xFFFFF000  }
0x66: {  	[spmem:s23] =	stream.linear.scatter [tilespmem:s7], [sflag:$0x6], $0x1000, $0x38;
	[tilespmem:$0x1F900] =	vst v63  }
0x67: {  	_ =	swait.ge [sflag:s15], $0x1000  }
0x68: {  	[sflag:s15] =	ssyncset.done $0x0  }
0x69: {  	s24 =	rddreg [dreg:$0x12];
	[sflag:s15] =	ssyncadd.s32 $0xFFFFF000  }
0x6a: {  	[spmem:s24] =	stream.linear.scatter [tilespmem:s7], [sflag:$0x6], $0x1000, $0x38;
	[tilespmem:$0x1F900] =	vst v63  }
0x6b: {  	_ =	swait.ge [sflag:s15], $0x1000  }
0x6c: {  	[sflag:s15] =	ssyncset.done $0x0  }
0x6d: {  	s25 =	rddreg [dreg:$0x13];
	[sflag:s15] =	ssyncadd.s32 $0xFFFFF000  }
0x6e: {  	[spmem:s25] =	stream.linear.scatter [tilespmem:s7], [sflag:$0x6], $0x1000, $0x38;
	[tilespmem:$0x1F900] =	vst v63  }
0x6f: {  	_ =	swait.ge [sflag:s15], $0x1000  }
0x70: {  	[sflag:s15] =	ssyncset.done $0x0  }
0x71: {  	s26 =	rddreg [dreg:$0x14];
	[sflag:s15] =	ssyncadd.s32 $0xFFFFF000  }
0x72: {  	[spmem:s26] =	stream.linear.scatter [tilespmem:s7], [sflag:$0x6], $0x1000, $0x38;
	[tilespmem:$0x1F900] =	vst v63  }
0x73: {  	_ =	swait.ge [sflag:s15], $0x1000  }
0x74: {  	[sflag:s15] =	ssyncset.done $0x0  }
0x75: {  	s22 =	rddreg [dreg:$0x15];
	[sflag:s15] =	ssyncadd.s32 $0xFFFFF000  }
0x76: {  	[spmem:s22] =	stream.linear.scatter [tilespmem:s7], [sflag:$0x6], $0x1000, $0x38;
	[tilespmem:$0x1F900] =	vst v63  }
0x77: {  	_ =	swait.ge [sflag:s15], $0x1000  }
0x78: {  	[sflag:s15] =	ssyncset.done $0x0  }
0x79: {  	[sflag:s15] =	ssyncadd.s32 $0xFFFFF000  }
0x7a: {  	[spmem:s28] =	stream.linear.scatter [tilespmem:s7], [sflag:$0x6], $0x1000, $0x38;
	[tilespmem:$0x1F900] =	vst v63  }
0x7b: {  	_ =	swait.ge [sflag:s15], $0x1000  }
0x7c: {  	[sflag:s15] =	ssyncset.done $0x0  }
0x7d: {  	[sflag:s15] =	ssyncadd.s32 $0xFFFFF000  }
0x7e: {  	[spmem:s29] =	stream.linear.scatter [tilespmem:s7], [sflag:$0x6], $0x1000, $0x38;
	[tilespmem:$0x1F900] =	vst v63  }
0x7f: {  	_ =	swait.ge [sflag:s15], $0x1000  }
0x80: {  	[sflag:s15] =	ssyncset.done $0x0  }
0x81: {  	[sflag:s15] =	ssyncadd.s32 $0xFFFFF000  }
0x82: {  	[spmem:s30] =	stream.linear.scatter [tilespmem:s7], [sflag:$0x6], $0x1000, $0x38;
	[tilespmem:$0x1F900] =	vst v63  }
0x83: {  	_ =	swait.ge [sflag:s15], $0x1000  }
0x84: {  	[sflag:s15] =	ssyncset.done $0x0  }
0x85: {  	[sflag:s15] =	ssyncadd.s32 $0xFFFFF000  }
0x86: {  	[spmem:s31] =	stream.linear.scatter [tilespmem:s7], [sflag:$0x6], $0x1000, $0x38;
	[tilespmem:$0x1F900] =	vst v63  }
0x87: {  	_ =	swait.ge [sflag:s15], $0x1000  }
0x88: {  	[sflag:s15] =	ssyncset.done $0x0  }
0x89: {  	[sflag:s15] =	ssyncadd.s32 $0xFFFFF000  }
0x8a: {  	[spmem:s0] =	stream.linear.scatter [tilespmem:s7], [sflag:$0x6], $0x1000, $0x38;
	[tilespmem:$0x1F900] =	vst v63  }
0x8b: {  	_ =	swait.ge [sflag:s15], $0x1000  }
0x8c: {  	[sflag:s15] =	ssyncset.done $0x0  }
0x8d: {  	[sflag:s15] =	ssyncadd.s32 $0xFFFFF000  }
0x8e: {  	[bflag:$0x0] =	sbarrier.arrive $0xFFFF  }
0x8f: {  	_ =	swait.ge [sflag:s16], $0x4000  }
0x90: {  	[sflag:s16] =	ssyncset.done $0x0  }
0x91: {  	[sflag:s16] =	ssyncadd.s32 $0xFFFFC000  }
0x92: {  	s23 =	simm.s32 $0x100;
	_ =	swait.ge [sflag:s17], $0x80  }
0x93: {  	s22 =	sand.u32 $0x7C00, s23;
	[sflag:s17] =	ssyncset.done $0x0  }
0x94: {  	s21 =	sand.u32 $0x300, s23;
	s22 =	sadd.s32 s6, s22;
	[sflag:s17] =	ssyncadd.s32 $0xFFFFFF80  }
0x95: {  	[spmem:s1] =	stream.indirect.scatter.add.f32 [tilespmem:s13], [sflag:$0x6], $0x80, s9, s12, $0xb8;
	[tilespmem:$0x1F900] =	vst v63  }
0x96: {  	s21 =	sor.u32 s21, s22;
	_ =	swait.ge [sflag:s15], $0x4000  }
0x97: {  	s21 =	sshrl.u32 s21, $0x3;
	[sflag:s15] =	ssyncset.done $0x0  }
0x98: {  	s21 =	sadd.s32 s5, s21;
	[sflag:s15] =	ssyncadd.s32 $0xFFFFC000  }
0x99: {  	[tilespmem:s9], [sflag:$0x4] =	stream.linear.gather [hbm4b:s21+s3], $0x80, $0x38;
	[tilespmem:$0x1F900] =	vst v63  }
0x9a: {  	s24 =	simm.s32 $0x14100  }
0x9b: {  	[tilespmem:s13], [sflag:$0x2] =	stream.indirect.gather [hbm4b:s4+s12], $0x80, s24, s12, $0xb8;
	[tilespmem:$0x1F900] =	vst v63  }
0x9c: {  	_ =	swait.ge [sflag:s18], $0x4000  }
0x9d: {  	[sflag:s18] =	ssyncset.done $0x0  }
0x9e: {  	[sflag:s18] =	ssyncadd.s32 $0xFFFFC000  }
0x9f: {  	s25 =	simm.s32 $0x180;
	_ =	swait.ge [sflag:s19], $0x80  }
0xa0: {  	s26 =	sand.u32 $0x7C00, s25;
	[sflag:s19] =	ssyncset.done $0x0  }
0xa1: {  	s22 =	sadd.s32 s6, s26;
	s21 =	sand.u32 $0x380, s25;
	[sflag:s19] =	ssyncadd.s32 $0xFFFFFF80  }
0xa2: {  	[spmem:s1] =	stream.indirect.scatter.add.f32 [tilespmem:s14], [sflag:$0x6], $0x80, s11, s12, $0xb8;
	[tilespmem:$0x1F900] =	vst v63  }
0xa3: {  	s21 =	sor.u32 s21, s22;
	_ =	swait.ge [sflag:s15], $0x4000  }
0xa4: {  	s21 =	sshrl.u32 s21, $0x3;
	[sflag:s15] =	ssyncset.done $0x0  }
0xa5: {  	s21 =	sadd.s32 s5, s21;
	[sflag:s15] =	ssyncadd.s32 $0xFFFFC000  }
0xa6: {  	[tilespmem:s11], [sflag:$0x5] =	stream.linear.gather [hbm4b:s21+s3], $0x80, $0x38;
	[tilespmem:$0x1F900] =	vst v63  }
0xa7: {  	s23 =	simm.s32 $0x14200;
	s22 =	simm.s32 $0x14180;
	s21 =	simm.s32 $0x280  }
.LBB2_4:
0xa8: {  	s24 =	sadd.s32 $0x80, s23  }
0xa9: {  	p0 =	sne.s32 s21, $0x2780;
	s25 =	smov.u32 s21;
	s21 =	sadd.s32 $0x100, s21  }
0xaa: {  	[tilespmem:s14], [sflag:$0x3] =	stream.indirect.gather [hbm4b:s4+s12], $0x80, s22, s12, $0xb8;
	[tilespmem:$0x1F900] =	vst v63  }
0xab: {  	s22 =	smov.u32 s24;
	_ =	swait.ge [sflag:s16], $0x4000  }
0xac: {  	[sflag:s16] =	ssyncset.done $0x0  }
0xad: {  	[sflag:s16] =	ssyncadd.s32 $0xFFFFC000  }
0xae: {  	_ =	swait.ge [sflag:s17], $0x80  }
0xaf: {  	s24 =	sadd.s32 $0xFFFFFF80, s25;
	[sflag:s17] =	ssyncset.done $0x0  }
0xb0: {  	s26 =	sand.u32 $0x7C00, s24;
	s24 =	sand.u32 $0x300, s24;
	[sflag:s17] =	ssyncadd.s32 $0xFFFFFF80  }
0xb1: {  	[spmem:s1] =	stream.indirect.scatter.add.f32 [tilespmem:s13], [sflag:$0x6], $0x80, s9, s12, $0xb8;
	[tilespmem:$0x1F900] =	vst v63  }
0xb2: {  	s26 =	sadd.s32 s6, s26;
	_ =	swait.ge [sflag:s15], $0x4000  }
0xb3: {  	s24 =	sor.u32 s24, s26;
	[sflag:s15] =	ssyncset.done $0x0  }
0xb4: {  	s24 =	sshrl.u32 s24, $0x3;
	[sflag:s15] =	ssyncadd.s32 $0xFFFFC000  }
0xb5: {  	s24 =	sadd.s32 s5, s24  }
0xb6: {  	[tilespmem:s9], [sflag:$0x4] =	stream.linear.gather [hbm4b:s24+s3], $0x80, $0x38;
	[tilespmem:$0x1F900] =	vst v63  }
0xb7: {  	_ = 	snop  }
0xb8: {  	[tilespmem:s13], [sflag:$0x2] =	stream.indirect.gather [hbm4b:s4+s12], $0x80, s23, s12, $0xb8;
	[tilespmem:$0x1F900] =	vst v63  }
0xb9: {  	_ =	swait.ge [sflag:s18], $0x4000  }
0xba: {  	[sflag:s18] =	ssyncset.done $0x0  }
0xbb: {  	[sflag:s18] =	ssyncadd.s32 $0xFFFFC000  }
0xbc: {  	_ =	swait.ge [sflag:s19], $0x80  }
0xbd: {  	s24 =	sand.u32 $0x7C00, s25;
	[sflag:s19] =	ssyncset.done $0x0  }
0xbe: {  	s25 =	sand.u32 $0x380, s25;
	s24 =	sadd.s32 s6, s24;
	[sflag:s19] =	ssyncadd.s32 $0xFFFFFF80  }
0xbf: {  	[spmem:s1] =	stream.indirect.scatter.add.f32 [tilespmem:s14], [sflag:$0x6], $0x80, s11, s12, $0xb8;
	[tilespmem:$0x1F900] =	vst v63  }
.Ltmp1:
0xc0: {  	_ = 	snop;
	(pc) =	sbr.rel @p0 .LBB2_4-.Ltmp1, $4  }
0xc1: {  	s24 =	sor.u32 s25, s24;
	_ =	swait.ge [sflag:s15], $0x4000  }
0xc2: {  	s24 =	sshrl.u32 s24, $0x3;
	[sflag:s15] =	ssyncset.done $0x0  }
0xc3: {  	s23 =	sadd.s32 $0x100, s23;
	s24 =	sadd.s32 s5, s24;
	[sflag:s15] =	ssyncadd.s32 $0xFFFFC000  }
0xc4: {  	[tilespmem:s11], [sflag:$0x5] =	stream.linear.gather [hbm4b:s24+s3], $0x80, $0x38;
	[tilespmem:$0x1F900] =	vst v63  }
0xc5: {  	[tilespmem:s14], [sflag:$0x3] =	stream.indirect.gather [hbm4b:s4+s12], $0x80, s22, s12, $0xb8;
	[tilespmem:$0x1F900] =	vst v63  }
0xc6: {  	_ =	swait.ge [sflag:s16], $0x4000  }
0xc7: {  	[sflag:s16] =	ssyncset.done $0x0  }
0xc8: {  	[sflag:s16] =	ssyncadd.s32 $0xFFFFC000  }
0xc9: {  	_ =	swait.ge [sflag:s17], $0x80  }
0xca: {  	[sflag:s17] =	ssyncset.done $0x0  }
0xcb: {  	[sflag:s17] =	ssyncadd.s32 $0xFFFFFF80  }
0xcc: {  	[spmem:s1] =	stream.indirect.scatter.add.f32 [tilespmem:s13], [sflag:$0x6], $0x80, s9, s12, $0xb8;
	[tilespmem:$0x1F900] =	vst v63  }
0xcd: {  	_ =	swait.ge [sflag:s15], $0x4000  }
0xce: {  	[sflag:s15] =	ssyncset.done $0x0  }
0xcf: {  	[sflag:s15] =	ssyncadd.s32 $0xFFFFC000  }
0xd0: {  	_ =	swait.ge [sflag:s18], $0x4000  }
0xd1: {  	[sflag:s18] =	ssyncset.done $0x0  }
0xd2: {  	[sflag:s18] =	ssyncadd.s32 $0xFFFFC000  }
0xd3: {  	_ =	swait.ge [sflag:s19], $0x80  }
0xd4: {  	[sflag:s19] =	ssyncset.done $0x0  }
0xd5: {  	[sflag:s19] =	ssyncadd.s32 $0xFFFFFF80  }
0xd6: {  	[spmem:s1] =	stream.indirect.scatter.add.f32 [tilespmem:s14], [sflag:$0x6], $0x80, s11, s12, $0xb8;
	[tilespmem:$0x1F900] =	vst v63  }
0xd7: {  	_ =	swait.ge [sflag:s15], $0x4000  }
0xd8: {  	[sflag:s15] =	ssyncset.done $0x0  }
0xd9: {  	s21 =	stileid.u32;
	[sflag:s15] =	ssyncadd.s32 $0xFFFFC000  }
0xda: {  	s21 =	sshll.u32 s21, $0x6;
	[bflag:$0x0] =	sbarrier.arrive $0xFFFF  }
0xdb: {  	s25 =	sshrl.u32 s10, $0x3;
	s21 =	sor.u32 $0x1C06, s21;
	s23 =	rddreg [dreg:$0x6]  }
0xdc: {  	[hbm:s23], [sflag:s21] =	dma.local [spmem:s25], $0x2800  }
0xdd: {  	_ =	swait.ge [sflag:s15], $0x2800  }
0xde: {  	s20 =	sadd.s32 $0x1, s20;
	s26 =	rddreg [dreg:$0x7]  }
0xdf: {  	p0 =	sne.s32 s20, s26  }
.Ltmp2:
0xe0: {  	_ = 	snop;
	(pc) =	sbr.rel @p0 .LBB2_1-.Ltmp2, $3  }
0xe1: {  	_ =	sdelay $0x1  }
0xe2: {  	[sflag:s15] =	ssyncset.done $0x0  }
0xe3: {  	[sflag:s15] =	ssyncadd.s32 $0xFFFFD800  }
0xe4: {  	_ =	sfence.sel $0x180000  }
0xe5: {  	[bflag:$0x0] =	sbarrier.arrive $0xFFFF  }
0xe6: {  	_ =	strace $0x9000004D  }
0xe7: {  	s0 =	stileid.u32;
	[bflag:$0x2] =	sbarrier.arrive $0xFFFF  }
0xe8: {  	p0 =	sne.s32 s0, $0x0;
	s0 =	rddreg [dreg:$0x2]  }
0xe9: {  	s0 =	sadd.s32 @!p0 $0x100000, s0  }
0xea: {  	[sflag:s0] =	ssyncadd.tile.s32 @!p0 $0x1;
	_ =	shalt  }
.Lfunc_end2:
_tile_overlayer_lowered:
.L_overlay_start_2:
0xeb: {  	(tag) =	ssettag $0x2  }
0xec: {  	s0 =	rddreg [dreg:$0x0];
	s2 =	stileid.u32  }
0xed: {  	s1 =	rddreg [dreg:$0x1];
	p0 =	sne.s32 s2, $0x0  }
0xee: {  	s3 =	rddreg [dreg:$0x2];
	[bflag:$0x3] =	sbarrier.arrive $0xFFFF;
	s2 =	simm.s32 @!p0 $0x1C06  }
0xef: {  	[timem:s3], [sflag:s2] =	dma.local @!p0 [hbm:s0], s1  }
0xf0: {  	s0 =	simm.s32 @!p0 $0x6  }
0xf1: {  	_ =	swait.ge @!p0 [sflag:s0], s1  }
0xf2: {  	s1 =	ssub.s32 @!p0 $0x0, s1;
	[sflag:s0] =	ssyncset.done @!p0 $0x0  }
0xf3: {  	[sflag:s0] =	ssyncadd.s32 @!p0 s1  }
0xf4: {  	[bflag:$0x3] =	sbarrier.arrive $0xFFFF  }
0xf5: {  	_ =	shalt  }

// kernel: kernel.20.cloned.1.call-start
scs
__scs_entry_jumppad:
0x0: {  	(pc) =	sbr.rel $0x88, $3  }
0x1: {  	(tag) =	ssettag $0x0;
	lr =	simm.s32 $0x1  }
0x2: {  	[smem:$0x3F99] =	sst lr;
	_ =	strace $0xD0000000  }
0x3: {  	_ = 	snop  }
0x4: {  	_ = 	snop  }
0x5: {  	_ = 	snop  }
0x6: {  	_ = 	snop  }
0x7: {  	_ = 	snop  }
__scs_overlays_trampoline_lowered:
0x8: {  	[smem:$0x3FA8] =	sst s0  }
0x9: {  	[smem:$0x3FA9] =	sst s1  }
0xa: {  	[smem:$0x3FAA] =	sst s2  }
0xb: {  	[smem:$0x3FAB] =	sst s3  }
0xc: {  	[smem:$0x3FAC] =	sst s4  }
0xd: {  	[smem:$0x3FAD] =	sst s5  }
0xe: {  	[smem:$0x3FAE] =	sst s6  }
0xf: {  	[smem:$0x3FAF] =	sst s7  }
0x10: {  	[smem:$0x3FB0] =	sst s8  }
0x11: {  	[smem:$0x3FB1] =	sst s9;
	s0 =	simm.s32 @!p0 $0x0  }
0x12: {  	s1 =	sld [smem:$0x3F97];
	s0 =	simm.s32 @p0 $0x1  }
0x13: {  	[smem:$0x3FB2] =	sst s0;
	s0 =	simm.s32 @!p1 $0x0  }
0x14: {  	s2 =	sld [smem:$0x3F96];
	s0 =	simm.s32 @p1 $0x1  }
0x15: {  	[smem:$0x3FB3] =	sst s0;
	s0 =	simm.s32 @!p2 $0x0  }
0x16: {  	s3 =	sld [smem:$0x3FDB];
	s0 =	simm.s32 @p2 $0x1  }
0x17: {  	s4 =	simm.s32 $0x1BF5;
	[smem:$0x3FB5] =	sst s0  }
0x18: {  	s0 =	sld [smem:$0x3F98];
	_ =	swait.ge [sflag:s4], $0x0  }
0x19: {  	s7 =	sld [smem:$0x3F99]  }
0x1a: {  	s8 =	sadd.s32 $0xFFFFE003, lr  }
0x1b: {  	s9 =	sadd.s32 $0xFFFFFEF7, lr;
	s5 =	simm.s32 $0xFFFFFFFF;
	p2 =	slt.u32 s8, $0xFFFFF086  }
0x1c: {  	p1 =	slt.u32 s9, $0xF7A;
	s5 =	simm.s32 @!p2 $0x0  }
0x1d: {  	s5 =	simm.s32 @p1 $0x1;
	p0 =	seq.s32 s7, s2  }
0x1e: {  	s7 =	smul.u32 @!p0 $0xF7A, s2;
	p2 =	seq.s32 @!p0 s5, $0x0  }
0x1f: {  	s9 =	smul.u32 $0xF7A, s1;
	s8 =	simm.s32 @!p0 $0x1BF5;
	p2 =	por !p2, p0  }
0x20: {  	[sflag:s8] =	ssyncset.s32 @!p0 $0xFFFFF086;
	s6 =	sadd.s32 @!p0 s3, s7;
	s7 =	simm.s32 @!p0 $0x108  }
0x21: {  	s3 =	sadd.s32 s3, s9;
	s6 =	sadd.s32 @!p0 $0x88, s6;
	s7 =	simm.s32 @p2 $0x1082  }
0x22: {  	[simem:s7], [sflag:s8] =	dma.local @!p0 [hbm:s6], $0xF7A  }
0x23: {  	s9 =	sor.u32 $0xD0000000, s2;
	s6 =	simm.s32 $0x108;
	_ =	swait.ge @!p0 [sflag:s8], $0x0  }
0x24: {  	s3 =	sadd.s32 $0x88, s3;
	s6 =	simm.s32 @!p1 $0x1082;
	[sflag:s4] =	ssyncset.s32 $0xFFFFF086  }
0x25: {  	[simem:s6], [sflag:s4] =	dma.local [hbm:s3], $0xF7A  }
0x26: {  	[smem:$0x3F99] =	sst s1;
	(tag) =	ssettag s2;
	_ =	strace s9  }
0x27: {  	s1 =	sld [smem:$0x3FA9]  }
0x28: {  	s2 =	sld [smem:$0x3FAA]  }
0x29: {  	s4 =	sld [smem:$0x3FAC]  }
0x2a: {  	p0 =	seq.s32 s5, $0x0;
	s5 =	sld [smem:$0x3FAD]  }
0x2b: {  	s6 =	sld [smem:$0x3FAE]  }
0x2c: {  	s7 =	sld [smem:$0x3FAF]  }
0x2d: {  	s3 =	simm.s32 $0x108;
	s8 =	sld [smem:$0x3FB0]  }
0x2e: {  	s3 =	simm.s32 @!p0 $0x1082;
	s9 =	sld [smem:$0x3FB1]  }
0x2f: {  	lr =	sadd.s32 s0, s3;
	s0 =	sld [smem:$0x3FA8]  }
0x30: {  	s3 =	sld [smem:$0x3FAB]  }
0x31: {  	[smem:$0x3FB4] =	sst s10  }
0x32: {  	s10 =	sld [smem:$0x3FB2];
	_ =	sdelay $0x3  }
0x33: {  	p0 =	seq.s32 s10, $0x1;
	s10 =	sld [smem:$0x3FB4];
	_ =	sdelay $0x3  }
0x34: {  	[smem:$0x3FB4] =	sst s10  }
0x35: {  	s10 =	sld [smem:$0x3FB3];
	_ =	sdelay $0x3  }
0x36: {  	p1 =	seq.s32 s10, $0x1;
	s10 =	sld [smem:$0x3FB4];
	_ =	sdelay $0x3  }
0x37: {  	[smem:$0x3FB4] =	sst s10  }
0x38: {  	s10 =	sld [smem:$0x3FB5]  }
0x39: {  	_ = 	snop;
	(pc) =	sbr.ind lr, $3  }
0x3a: {  	_ = 	snop  }
0x3b: {  	_ = 	snop  }
0x3c: {  	p2 =	seq.s32 s10, $0x1;
	s10 =	sld [smem:$0x3FB4]  }
0x3d: {  	_ =	shalt  }
0x3e: {  	_ =	shalt  }
0x3f: {  	_ =	shalt  }
0x40: {  	_ =	shalt  }
0x41: {  	_ =	shalt  }
0x42: {  	_ =	shalt  }
0x43: {  	_ =	shalt  }
0x44: {  	_ =	shalt  }
0x45: {  	_ =	shalt  }
0x46: {  	_ =	shalt  }
0x47: {  	_ =	shalt  }
0x48: {  	_ =	shalt  }
0x49: {  	_ =	shalt  }
0x4a: {  	_ =	shalt  }
0x4b: {  	_ =	shalt  }
0x4c: {  	_ =	shalt  }
0x4d: {  	_ =	shalt  }
0x4e: {  	_ =	shalt  }
0x4f: {  	_ =	shalt  }
0x50: {  	_ =	shalt  }
0x51: {  	_ =	shalt  }
0x52: {  	_ =	shalt  }
0x53: {  	_ =	shalt  }
0x54: {  	_ =	shalt  }
0x55: {  	_ =	shalt  }
0x56: {  	_ =	shalt  }
0x57: {  	_ =	shalt  }
0x58: {  	_ =	shalt  }
0x59: {  	_ =	shalt  }
0x5a: {  	_ =	shalt  }
0x5b: {  	_ =	shalt  }
0x5c: {  	_ =	shalt  }
0x5d: {  	_ =	shalt  }
0x5e: {  	_ =	shalt  }
0x5f: {  	_ =	shalt  }
0x60: {  	_ =	shalt  }
0x61: {  	_ =	shalt  }
0x62: {  	_ =	shalt  }
0x63: {  	_ =	shalt  }
0x64: {  	_ =	shalt  }
0x65: {  	_ =	shalt  }
0x66: {  	_ =	shalt  }
0x67: {  	_ =	shalt  }
0x68: {  	_ =	shalt  }
0x69: {  	_ =	shalt  }
0x6a: {  	_ =	shalt  }
0x6b: {  	_ =	shalt  }
0x6c: {  	_ =	shalt  }
0x6d: {  	_ =	shalt  }
0x6e: {  	_ =	shalt  }
0x6f: {  	_ =	shalt  }
0x70: {  	_ =	shalt  }
0x71: {  	_ =	shalt  }
0x72: {  	_ =	shalt  }
0x73: {  	_ =	shalt  }
0x74: {  	_ =	shalt  }
0x75: {  	_ =	shalt  }
0x76: {  	_ =	shalt  }
0x77: {  	_ =	shalt  }
0x78: {  	_ =	shalt  }
0x79: {  	_ =	shalt  }
0x7a: {  	_ =	shalt  }
0x7b: {  	_ =	shalt  }
0x7c: {  	_ =	shalt  }
0x7d: {  	_ =	shalt  }
0x7e: {  	_ =	shalt  }
0x7f: {  	_ =	shalt  }
0x80: {  	_ =	shalt  }
0x81: {  	_ =	shalt  }
0x82: {  	_ =	shalt  }
0x83: {  	_ =	shalt  }
0x84: {  	_ =	shalt  }
0x85: {  	_ =	shalt  }
0x86: {  	_ =	shalt  }
0x87: {  	_ =	shalt  }
.Lfunc_end0:
.L_simem_size_0:
called_computation.3_lowered:
.L_overlay_start_0:
0x88: {  	s2 =	sld [smem:$0x3FD9]  }
0x89: {  	s3 =	sld [smem:$0x3FFE];
	_ =	sdelay $0x1  }
0x8a: {  	s1 =	srdreg.scid  }
0x8b: {  	s0 =	sand.u32 $0x1, s1  }
0x8c: {  	s16 =	sshll.u32 s0, $0xA;
	s2 =	sadd.s32 s3, s2  }
0x8d: {  	s2 =	sadd.s32 s2, s16  }
0x8e: {  	[smem:$0x3FC0] =	sst s2  }
0x8f: {  	_ = 	snop  }
0x90: {  	(tm) =	ssettm $0x1  }
0x91: {  	s17 =	sld [smem:$0x3FFB];
	_ =	sdelay $0x3  }
0x92: {  	_ =	strace s17  }
0x93: {  	s2 =	sld [smem:$0x3FFC];
	_ =	sdelay $0x3  }
0x94: {  	_ =	strace s2  }
0x95: {  	s2 =	sld [smem:$0x3FFD];
	_ =	sdelay $0x3  }
0x96: {  	_ =	strace s2  }
0x97: {  	_ =	strace $0x8FFFFFFF  }
0x98: {  	s18 =	sld [smem:$0x3FDB];
	_ =	sdelay $0x1  }
0x99: {  	s19 =	simm.s32 $_scs_section_size  }
0x9a: {  	s4 =	simm.s32 $_size__tile_overlayer_lowered;
	s5 =	simm.s32 $_tile_overlayer_lowered  }
0x9b: {  	s22 =	simm.s32 $0x1BFF;
	s21 =	sshll.u32 s5, $0x1;
	s2 =	sadd.s32 s19, s18  }
0x9c: {  	s6 =	simm.s32 $0x0;
	s20 =	sshll.u32 s4, $0x1;
	s4 =	sadd.s32 s21, s2  }
0x9d: {  	[timem:s6], [sflag:s22] =	dma.local [hbm:s4], s20  }
0x9e: {  	_ =	swait.ge [sflag:s22], s20  }
0x9f: {  	s3 =	ssub.s32 $0x0, s20;
	[sflag:s22] =	ssyncset.done $0x0  }
0xa0: {  	[sflag:s22] =	ssyncadd.s32 s3;
	_ =	sdelay $0x1  }
0xa1: {  	s23 =	simm.s32 $0x1B8B  }
0xa2: {  	_ =	swait.ge [sflag:s23], $0x1  }
0xa3: {  	[sflag:s23] =	ssyncset.done $0x0  }
0xa4: {  	s25 =	simm.s32 $0x1B8E;
	s24 =	sld [smem:$0x3FFE];
	[sflag:s23] =	ssyncadd.s32 $0xFFFFFFFF  }
0xa5: {  	s26 =	simm.s32 $execute0_lowered;
	[smem:$0x3FD2] =	sst s25  }
0xa6: {  	s4 =	sshll.u32 s26, $0x1;
	_ =	strace $0x8000004F;
	[dreg:$0x1] =	wrdreg $0xFFFFFFFF  }
0xa7: {  	s28 =	simm.s32 $_size_execute0_lowered;
	s2 =	sadd.s32 s2, s4;
	[dreg:$0x0] =	wrdreg $0x0  }
0xa8: {  	s4 =	sshll.u32 s28, $0x1;
	[dreg:$0x2] =	wrdreg s2  }
0xa9: {  	[dreg:$0x3] =	wrdreg s4  }
0xaa: {  	[dreg:$0x4] =	wrdreg $0xC0  }
0xab: {  	_ =	task [dreg:s6], $0x5FFFF  }
0xac: {  	[dreg:$0x1] =	wrdreg $0xFFFFFFFF  }
0xad: {  	[dreg:$0x0] =	wrdreg $0x60  }
0xae: {  	[dreg:$0x2] =	wrdreg s24  }
0xaf: {  	[dreg:$0x3] =	wrdreg $0x0  }
0xb0: {  	[dreg:$0x4] =	wrdreg $0x9  }
0xb1: {  	_ =	task.clear_ibuf [dreg:s6], $0x5FFFF;
	_ =	strace $0x9000004F  }
0xb2: {  	s29 =	simm.s32 $0x9;
	_ =	strace $0x80000051  }
0xb3: {  	_ =	swait.ge [sflag:s29], $0x1  }
0xb4: {  	[sflag:s29] =	ssyncadd.s32 $0xFFFFFFFF  }
0xb5: {  	_ =	strace $0x90000051  }
0xb6: {  	_ =	sfence  }
0xb7: {  	s30 =	sld [smem:$0x0];
	_ =	sdelay $0x2  }
0xb8: {  	s31 =	sshll.u32 s1, $0xD;
	s1 =	sshrl.u32 s1, $0x2  }
0xb9: {  	s3 =	sand.u32 $0x4000, s31;
	s1 =	sadd.s32 s1, s30  }
0xba: {  	s0 =	sor.u32 s3, s0;
	s1 =	sshll.u32 s1, $0x11  }
0xbb: {  	s0 =	sor.u32 s1, s0  }
0xbc: {  	s0 =	sadd.s32 $0x8F2B, s0  }
0xbd: {  	[sflag:s0] =	ssyncadd.remote.s32 $0x1  }
0xbe: {  	_ =	sfence.sel $0xFFFF  }
0xbf: {  	[dreg:$0x0] =	wrdreg $0xFFFFFFFF;
	(pc) =	sbr.abs _section_cstart, $3  }
0xc0: {  	[dreg:$0x1] =	wrdreg $0xFFFFFFFF  }
0xc1: {  	_ =	task.clear_ibuf [dreg:s6], $0x2FFFF;
	_ =	strace $0x9FFFFFFF  }
0xc2: {  	(tm) =	ssettm $0x7FFFFFFF  }
0xc3: {  	_ =	shalt  }
tec
execute0_lowered:
.L_overlay_start_1:
0x0: {  	(tag) =	ssettag $0x1  }
0x1: {  	s0 =	rddreg [dreg:$0x0]  }
0x2: {  	s1 =	rddreg [dreg:$0x1];
	s2 =	srdreg.scid  }
0x3: {  	s3 =	simm.s32 $0x0;
	s9 =	stileid.u32;
	s2 =	sand.u32 $0x1, s2  }
0x4: {  	[smem:$0x7FF] =	sst s3;
	s7 =	smul.u32 $0x14000, s9;
	s4 =	sadd.s32 $0x17400, s0  }
0x5: {  	s5 =	sadd.s32 $0x3400, s0;
	s6 =	smul.u32 $0x140000, s2;
	s8 =	sshll.u32 s2, $0x4  }
0x6: {  	s26 =	smul.u32 $0x50000, s9;
	s2 =	ssub.s32 $0x2, s2;
	s24 =	sor.u32 s9, s8  }
0x7: {  	s25 =	sshrl.u32 s2, $0x1;
	s6 =	sadd.s32 s7, s6;
	s7 =	smul.u32 $0x2800, s24  }
0x8: {  	_ =	strace $0x80000050;
	s2 =	ssub.s32 s2, s25;
	s6 =	sshrl.u32 s6, $0x3  }
0x9: {  	s12 =	smax.u32 s2, $0x1;
	s0 =	sadd.s32 s6, s0;
	s10 =	sshrl.u32 s7, $0x3  }
0xa: {  	s6 =	sadd.s32 $0x50000, s7;
	[dreg:$0x7] =	wrdreg s12;
	s9 =	sadd.s32 s5, s10  }
0xb: {  	s7 =	sshrl.u32 s6, $0x3;
	s0 =	sadd.s32 $0x3F400, s0;
	[dreg:$0x3] =	wrdreg s9  }
0xc: {  	s8 =	sshrl.u32 s26, $0x2;
	s7 =	sadd.s32 s5, s7;
	[dreg:$0x6] =	wrdreg s0  }
0xd: {  	s10 =	sadd.s32 s8, s1;
	s11 =	sadd.s32 $0xA010, s9;
	[dreg:$0x4] =	wrdreg s7  }
0xe: {  	s13 =	sadd.s32 $0x1000, s10;
	[dreg:$0x5] =	wrdreg s11  }
0xf: {  	s14 =	sadd.s32 $0x2000, s10;
	[dreg:$0x8] =	wrdreg s13  }
0x10: {  	s15 =	sadd.s32 $0x3000, s10;
	[dreg:$0x9] =	wrdreg s14  }
0x11: {  	s16 =	sadd.s32 $0x4000, s10;
	[dreg:$0xa] =	wrdreg s15  }
0x12: {  	s17 =	sadd.s32 $0x5000, s10;
	[dreg:$0xb] =	wrdreg s16  }
0x13: {  	s18 =	sadd.s32 $0x6000, s10;
	[dreg:$0xc] =	wrdreg s17  }
0x14: {  	s2 =	simm.s32 $0x14000;
	s19 =	sadd.s32 $0x7000, s10;
	[dreg:$0xd] =	wrdreg s18  }
0x15: {  	s12 =	simm.s32 $0x80;
	s20 =	sadd.s32 $0x8000, s10;
	[dreg:$0xe] =	wrdreg s19  }
0x16: {  	s8 =	simm.s32 $0x1;
	s21 =	sadd.s32 $0x9000, s10;
	[dreg:$0xf] =	wrdreg s20  }
0x17: {  	s22 =	sadd.s32 $0xA000, s10;
	s23 =	sadd.s32 $0xB000, s10;
	[dreg:$0x10] =	wrdreg s21  }
0x18: {  	s24 =	sadd.s32 $0xC000, s10;
	s25 =	sadd.s32 $0xD000, s10;
	[dreg:$0x11] =	wrdreg s22  }
0x19: {  	s26 =	sadd.s32 $0xE000, s10;
	s28 =	sadd.s32 $0xF000, s10;
	[dreg:$0x12] =	wrdreg s23  }
0x1a: {  	s29 =	sadd.s32 $0x10000, s10;
	s30 =	sadd.s32 $0x11000, s10;
	[dreg:$0x13] =	wrdreg s24  }
0x1b: {  	s31 =	sadd.s32 $0x12000, s10;
	s0 =	sadd.s32 $0x13000, s10;
	[dreg:$0x14] =	wrdreg s25  }
0x1c: {  	s9 =	simm.s32 $0x16800;
	[dreg:$0x15] =	wrdreg s26;
	s11 =	simm.s32 $0x16880  }
0x1d: {  	s13 =	simm.s32 $0x16900;
	s14 =	simm.s32 $0x1A900;
	s7 =	simm.s32 $0x1E900  }
0x1e: {  	s15 =	simm.s32 $0x6;
	s16 =	simm.s32 $0x2;
	s17 =	simm.s32 $0x4  }
0x1f: {  	v0 =	vimm.f32 $0.0e+00;
	s18 =	simm.s32 $0x3;
	s19 =	simm.s32 $0x5;
	s20 =	simm.s32 $0x0  }
.LBB2_1:
0x20: {  	s21 =	rddreg [dreg:$0x3]  }
0x21: {  	[tilespmem:s2], [sflag:$0x1] =	stream.linear.gather [hbm4b:s21+s3], $0x2800, $0x38;
	[tilespmem:$0x1F900] =	vst v63  }
0x22: {  	s22 =	simm.s32 $0x200;
	s21 =	simm.s32 $0x0  }
.LBB2_2:
0x23: {  	p0 =	sne.s32 s22, $0x3E00;
	[tilespmem:s21+$0x1E970] =	vst v0  }
0x24: {  	[tilespmem:s21+$0x1E900] =	vst v0  }
0x25: {  	[tilespmem:s21+$0x1E910] =	vst v0  }
.Ltmp0:
0x26: {  	[tilespmem:s21+$0x1E920] =	vst v0;
	(pc) =	sbr.rel @p0 .LBB2_2-.Ltmp0, $4  }
0x27: {  	[tilespmem:s21+$0x1E930] =	vst v0  }
0x28: {  	[tilespmem:s21+$0x1E940] =	vst v0  }
0x29: {  	[tilespmem:s21+$0x1E950] =	vst v0  }
0x2a: {  	[tilespmem:s21+$0x1E960] =	vst v0;
	s21 =	sshra.s32 s22, $0x2;
	s22 =	sadd.s32 $0x200, s22  }
0x2b: {  	[tilespmem:s21+$0x1E970] =	vst v0  }
0x2c: {  	[tilespmem:s21+$0x1E900] =	vst v0  }
0x2d: {  	[tilespmem:s21+$0x1E910] =	vst v0  }
0x2e: {  	[tilespmem:s21+$0x1E920] =	vst v0  }
0x2f: {  	[tilespmem:s21+$0x1E930] =	vst v0  }
0x30: {  	[tilespmem:s21+$0x1E940] =	vst v0  }
0x31: {  	[tilespmem:s21+$0x1E950] =	vst v0  }
0x32: {  	[tilespmem:s21+$0x1E960] =	vst v0  }
0x33: {  	_ =	swait.ge [sflag:s8], $0x2800  }
0x34: {  	[sflag:s8] =	ssyncset.done $0x0  }
0x35: {  	s26 =	rddreg [dreg:$0x4];
	[sflag:s8] =	ssyncadd.s32 $0xFFFFD800  }
0x36: {  	[tilespmem:s9], [sflag:$0x4] =	stream.linear.gather [hbm4b:s26+s3], $0x80, $0x38;
	[tilespmem:$0x1F900] =	vst v63  }
0x37: {  	s22 =	rddreg [dreg:$0x5]  }
0x38: {  	[tilespmem:s11], [sflag:$0x5] =	stream.linear.gather [hbm4b:s22+s3], $0x80, $0x38;
	[tilespmem:$0x1F900] =	vst v63  }
0x39: {  	_ = 	snop  }
0x3a: {  	[tilespmem:s13], [sflag:$0x2] =	stream.indirect.gather [hbm4b:s4+s12], $0x80, s2, s12, $0xb8;
	[tilespmem:$0x1F900] =	vst v63  }
0x3b: {  	s23 =	simm.s32 $0x14080  }
0x3c: {  	[tilespmem:s14], [sflag:$0x3] =	stream.indirect.gather [hbm4b:s4+s12], $0x80, s23, s12, $0xb8;
	[tilespmem:$0x1F900] =	vst v63  }
0x3d: {  	_ = 	snop  }
0x3e: {  	[spmem:s10] =	stream.linear.scatter [tilespmem:s7], [sflag:$0x6], $0x1000, $0x38;
	[tilespmem:$0x1F900] =	vst v63  }
0x3f: {  	_ =	swait.ge [sflag:s15], $0x1000  }
0x40: {  	[sflag:s15] =	ssyncset.done $0x0  }
0x41: {  	s24 =	rddreg [dreg:$0x8];
	[sflag:s15] =	ssyncadd.s32 $0xFFFFF000  }
0x42: {  	[spmem:s24] =	stream.linear.scatter [tilespmem:s7], [sflag:$0x6], $0x1000, $0x38;
	[tilespmem:$0x1F900] =	vst v63  }
0x43: {  	_ =	swait.ge [sflag:s15], $0x1000  }
0x44: {  	[sflag:s15] =	ssyncset.done $0x0  }
0x45: {  	s25 =	rddreg [dreg:$0x9];
	[sflag:s15] =	ssyncadd.s32 $0xFFFFF000  }
0x46: {  	[spmem:s25] =	stream.linear.scatter [tilespmem:s7], [sflag:$0x6], $0x1000, $0x38;
	[tilespmem:$0x1F900] =	vst v63  }
0x47: {  	_ =	swait.ge [sflag:s15], $0x1000  }
0x48: {  	[sflag:s15] =	ssyncset.done $0x0  }
0x49: {  	s26 =	rddreg [dreg:$0xa];
	[sflag:s15] =	ssyncadd.s32 $0xFFFFF000  }
0x4a: {  	[spmem:s26] =	stream.linear.scatter [tilespmem:s7], [sflag:$0x6], $0x1000, $0x38;
	[tilespmem:$0x1F900] =	vst v63  }
0x4b: {  	_ =	swait.ge [sflag:s15], $0x1000  }
0x4c: {  	[sflag:s15] =	ssyncset.done $0x0  }
0x4d: {  	s22 =	rddreg [dreg:$0xb];
	[sflag:s15] =	ssyncadd.s32 $0xFFFFF000  }
0x4e: {  	[spmem:s22] =	stream.linear.scatter [tilespmem:s7], [sflag:$0x6], $0x1000, $0x38;
	[tilespmem:$0x1F900] =	vst v63  }
0x4f: {  	_ =	swait.ge [sflag:s15], $0x1000  }
0x50: {  	[sflag:s15] =	ssyncset.done $0x0  }
0x51: {  	s23 =	rddreg [dreg:$0xc];
	[sflag:s15] =	ssyncadd.s32 $0xFFFFF000  }
0x52: {  	[spmem:s23] =	stream.linear.scatter [tilespmem:s7], [sflag:$0x6], $0x1000, $0x38;
	[tilespmem:$0x1F900] =	vst v63  }
0x53: {  	_ =	swait.ge [sflag:s15], $0x1000  }
0x54: {  	[sflag:s15] =	ssyncset.done $0x0  }
0x55: {  	s24 =	rddreg [dreg:$0xd];
	[sflag:s15] =	ssyncadd.s32 $0xFFFFF000  }
0x56: {  	[spmem:s24] =	stream.linear.scatter [tilespmem:s7], [sflag:$0x6], $0x1000, $0x38;
	[tilespmem:$0x1F900] =	vst v63  }
0x57: {  	_ =	swait.ge [sflag:s15], $0x1000  }
0x58: {  	[sflag:s15] =	ssyncset.done $0x0  }
0x59: {  	s25 =	rddreg [dreg:$0xe];
	[sflag:s15] =	ssyncadd.s32 $0xFFFFF000  }
0x5a: {  	[spmem:s25] =	stream.linear.scatter [tilespmem:s7], [sflag:$0x6], $0x1000, $0x38;
	[tilespmem:$0x1F900] =	vst v63  }
0x5b: {  	_ =	swait.ge [sflag:s15], $0x1000  }
0x5c: {  	[sflag:s15] =	ssyncset.done $0x0  }
0x5d: {  	s26 =	rddreg [dreg:$0xf];
	[sflag:s15] =	ssyncadd.s32 $0xFFFFF000  }
0x5e: {  	[spmem:s26] =	stream.linear.scatter [tilespmem:s7], [sflag:$0x6], $0x1000, $0x38;
	[tilespmem:$0x1F900] =	vst v63  }
0x5f: {  	_ =	swait.ge [sflag:s15], $0x1000  }
0x60: {  	[sflag:s15] =	ssyncset.done $0x0  }
0x61: {  	s22 =	rddreg [dreg:$0x10];
	[sflag:s15] =	ssyncadd.s32 $0xFFFFF000  }
0x62: {  	[spmem:s22] =	stream.linear.scatter [tilespmem:s7], [sflag:$0x6], $0x1000, $0x38;
	[tilespmem:$0x1F900] =	vst v63  }
0x63: {  	_ =	swait.ge [sflag:s15], $0x1000  }
0x64: {  	[sflag:s15] =	ssyncset.done $0x0  }
0x65: {  	s23 =	rddreg [dreg:$0x11];
	[sflag:s15] =	ssyncadd.s32 $0xFFFFF000  }
0x66: {  	[spmem:s23] =	stream.linear.scatter [tilespmem:s7], [sflag:$0x6], $0x1000, $0x38;
	[tilespmem:$0x1F900] =	vst v63  }
0x67: {  	_ =	swait.ge [sflag:s15], $0x1000  }
0x68: {  	[sflag:s15] =	ssyncset.done $0x0  }
0x69: {  	s24 =	rddreg [dreg:$0x12];
	[sflag:s15] =	ssyncadd.s32 $0xFFFFF000  }
0x6a: {  	[spmem:s24] =	stream.linear.scatter [tilespmem:s7], [sflag:$0x6], $0x1000, $0x38;
	[tilespmem:$0x1F900] =	vst v63  }
0x6b: {  	_ =	swait.ge [sflag:s15], $0x1000  }
0x6c: {  	[sflag:s15] =	ssyncset.done $0x0  }
0x6d: {  	s25 =	rddreg [dreg:$0x13];
	[sflag:s15] =	ssyncadd.s32 $0xFFFFF000  }
0x6e: {  	[spmem:s25] =	stream.linear.scatter [tilespmem:s7], [sflag:$0x6], $0x1000, $0x38;
	[tilespmem:$0x1F900] =	vst v63  }
0x6f: {  	_ =	swait.ge [sflag:s15], $0x1000  }
0x70: {  	[sflag:s15] =	ssyncset.done $0x0  }
0x71: {  	s26 =	rddreg [dreg:$0x14];
	[sflag:s15] =	ssyncadd.s32 $0xFFFFF000  }
0x72: {  	[spmem:s26] =	stream.linear.scatter [tilespmem:s7], [sflag:$0x6], $0x1000, $0x38;
	[tilespmem:$0x1F900] =	vst v63  }
0x73: {  	_ =	swait.ge [sflag:s15], $0x1000  }
0x74: {  	[sflag:s15] =	ssyncset.done $0x0  }
0x75: {  	s22 =	rddreg [dreg:$0x15];
	[sflag:s15] =	ssyncadd.s32 $0xFFFFF000  }
0x76: {  	[spmem:s22] =	stream.linear.scatter [tilespmem:s7], [sflag:$0x6], $0x1000, $0x38;
	[tilespmem:$0x1F900] =	vst v63  }
0x77: {  	_ =	swait.ge [sflag:s15], $0x1000  }
0x78: {  	[sflag:s15] =	ssyncset.done $0x0  }
0x79: {  	[sflag:s15] =	ssyncadd.s32 $0xFFFFF000  }
0x7a: {  	[spmem:s28] =	stream.linear.scatter [tilespmem:s7], [sflag:$0x6], $0x1000, $0x38;
	[tilespmem:$0x1F900] =	vst v63  }
0x7b: {  	_ =	swait.ge [sflag:s15], $0x1000  }
0x7c: {  	[sflag:s15] =	ssyncset.done $0x0  }
0x7d: {  	[sflag:s15] =	ssyncadd.s32 $0xFFFFF000  }
0x7e: {  	[spmem:s29] =	stream.linear.scatter [tilespmem:s7], [sflag:$0x6], $0x1000, $0x38;
	[tilespmem:$0x1F900] =	vst v63  }
0x7f: {  	_ =	swait.ge [sflag:s15], $0x1000  }
0x80: {  	[sflag:s15] =	ssyncset.done $0x0  }
0x81: {  	[sflag:s15] =	ssyncadd.s32 $0xFFFFF000  }
0x82: {  	[spmem:s30] =	stream.linear.scatter [tilespmem:s7], [sflag:$0x6], $0x1000, $0x38;
	[tilespmem:$0x1F900] =	vst v63  }
0x83: {  	_ =	swait.ge [sflag:s15], $0x1000  }
0x84: {  	[sflag:s15] =	ssyncset.done $0x0  }
0x85: {  	[sflag:s15] =	ssyncadd.s32 $0xFFFFF000  }
0x86: {  	[spmem:s31] =	stream.linear.scatter [tilespmem:s7], [sflag:$0x6], $0x1000, $0x38;
	[tilespmem:$0x1F900] =	vst v63  }
0x87: {  	_ =	swait.ge [sflag:s15], $0x1000  }
0x88: {  	[sflag:s15] =	ssyncset.done $0x0  }
0x89: {  	[sflag:s15] =	ssyncadd.s32 $0xFFFFF000  }
0x8a: {  	[spmem:s0] =	stream.linear.scatter [tilespmem:s7], [sflag:$0x6], $0x1000, $0x38;
	[tilespmem:$0x1F900] =	vst v63  }
0x8b: {  	_ =	swait.ge [sflag:s15], $0x1000  }
0x8c: {  	[sflag:s15] =	ssyncset.done $0x0  }
0x8d: {  	[sflag:s15] =	ssyncadd.s32 $0xFFFFF000  }
0x8e: {  	[bflag:$0x0] =	sbarrier.arrive $0xFFFF  }
0x8f: {  	_ =	swait.ge [sflag:s16], $0x4000  }
0x90: {  	[sflag:s16] =	ssyncset.done $0x0  }
0x91: {  	[sflag:s16] =	ssyncadd.s32 $0xFFFFC000  }
0x92: {  	s23 =	simm.s32 $0x100;
	_ =	swait.ge [sflag:s17], $0x80  }
0x93: {  	s22 =	sand.u32 $0x7C00, s23;
	[sflag:s17] =	ssyncset.done $0x0  }
0x94: {  	s21 =	sand.u32 $0x300, s23;
	s22 =	sadd.s32 s6, s22;
	[sflag:s17] =	ssyncadd.s32 $0xFFFFFF80  }
0x95: {  	[spmem:s1] =	stream.indirect.scatter.add.f32 [tilespmem:s13], [sflag:$0x6], $0x80, s9, s12, $0xb8;
	[tilespmem:$0x1F900] =	vst v63  }
0x96: {  	s21 =	sor.u32 s21, s22;
	_ =	swait.ge [sflag:s15], $0x4000  }
0x97: {  	s21 =	sshrl.u32 s21, $0x3;
	[sflag:s15] =	ssyncset.done $0x0  }
0x98: {  	s21 =	sadd.s32 s5, s21;
	[sflag:s15] =	ssyncadd.s32 $0xFFFFC000  }
0x99: {  	[tilespmem:s9], [sflag:$0x4] =	stream.linear.gather [hbm4b:s21+s3], $0x80, $0x38;
	[tilespmem:$0x1F900] =	vst v63  }
0x9a: {  	s24 =	simm.s32 $0x14100  }
0x9b: {  	[tilespmem:s13], [sflag:$0x2] =	stream.indirect.gather [hbm4b:s4+s12], $0x80, s24, s12, $0xb8;
	[tilespmem:$0x1F900] =	vst v63  }
0x9c: {  	_ =	swait.ge [sflag:s18], $0x4000  }
0x9d: {  	[sflag:s18] =	ssyncset.done $0x0  }
0x9e: {  	[sflag:s18] =	ssyncadd.s32 $0xFFFFC000  }
0x9f: {  	s25 =	simm.s32 $0x180;
	_ =	swait.ge [sflag:s19], $0x80  }
0xa0: {  	s26 =	sand.u32 $0x7C00, s25;
	[sflag:s19] =	ssyncset.done $0x0  }
0xa1: {  	s22 =	sadd.s32 s6, s26;
	s21 =	sand.u32 $0x380, s25;
	[sflag:s19] =	ssyncadd.s32 $0xFFFFFF80  }
0xa2: {  	[spmem:s1] =	stream.indirect.scatter.add.f32 [tilespmem:s14], [sflag:$0x6], $0x80, s11, s12, $0xb8;
	[tilespmem:$0x1F900] =	vst v63  }
0xa3: {  	s21 =	sor.u32 s21, s22;
	_ =	swait.ge [sflag:s15], $0x4000  }
0xa4: {  	s21 =	sshrl.u32 s21, $0x3;
	[sflag:s15] =	ssyncset.done $0x0  }
0xa5: {  	s21 =	sadd.s32 s5, s21;
	[sflag:s15] =	ssyncadd.s32 $0xFFFFC000  }
0xa6: {  	[tilespmem:s11], [sflag:$0x5] =	stream.linear.gather [hbm4b:s21+s3], $0x80, $0x38;
	[tilespmem:$0x1F900] =	vst v63  }
0xa7: {  	s23 =	simm.s32 $0x14200;
	s22 =	simm.s32 $0x14180;
	s21 =	simm.s32 $0x280  }
.LBB2_4:
0xa8: {  	s24 =	sadd.s32 $0x80, s23  }
0xa9: {  	p0 =	sne.s32 s21, $0x2780;
	s25 =	smov.u32 s21;
	s21 =	sadd.s32 $0x100, s21  }
0xaa: {  	[tilespmem:s14], [sflag:$0x3] =	stream.indirect.gather [hbm4b:s4+s12], $0x80, s22, s12, $0xb8;
	[tilespmem:$0x1F900] =	vst v63  }
0xab: {  	s22 =	smov.u32 s24;
	_ =	swait.ge [sflag:s16], $0x4000  }
0xac: {  	[sflag:s16] =	ssyncset.done $0x0  }
0xad: {  	[sflag:s16] =	ssyncadd.s32 $0xFFFFC000  }
0xae: {  	_ =	swait.ge [sflag:s17], $0x80  }
0xaf: {  	s24 =	sadd.s32 $0xFFFFFF80, s25;
	[sflag:s17] =	ssyncset.done $0x0  }
0xb0: {  	s26 =	sand.u32 $0x7C00, s24;
	s24 =	sand.u32 $0x300, s24;
	[sflag:s17] =	ssyncadd.s32 $0xFFFFFF80  }
0xb1: {  	[spmem:s1] =	stream.indirect.scatter.add.f32 [tilespmem:s13], [sflag:$0x6], $0x80, s9, s12, $0xb8;
	[tilespmem:$0x1F900] =	vst v63  }
0xb2: {  	s26 =	sadd.s32 s6, s26;
	_ =	swait.ge [sflag:s15], $0x4000  }
0xb3: {  	s24 =	sor.u32 s24, s26;
	[sflag:s15] =	ssyncset.done $0x0  }
0xb4: {  	s24 =	sshrl.u32 s24, $0x3;
	[sflag:s15] =	ssyncadd.s32 $0xFFFFC000  }
0xb5: {  	s24 =	sadd.s32 s5, s24  }
0xb6: {  	[tilespmem:s9], [sflag:$0x4] =	stream.linear.gather [hbm4b:s24+s3], $0x80, $0x38;
	[tilespmem:$0x1F900] =	vst v63  }
0xb7: {  	_ = 	snop  }
0xb8: {  	[tilespmem:s13], [sflag:$0x2] =	stream.indirect.gather [hbm4b:s4+s12], $0x80, s23, s12, $0xb8;
	[tilespmem:$0x1F900] =	vst v63  }
0xb9: {  	_ =	swait.ge [sflag:s18], $0x4000  }
0xba: {  	[sflag:s18] =	ssyncset.done $0x0  }
0xbb: {  	[sflag:s18] =	ssyncadd.s32 $0xFFFFC000  }
0xbc: {  	_ =	swait.ge [sflag:s19], $0x80  }
0xbd: {  	s24 =	sand.u32 $0x7C00, s25;
	[sflag:s19] =	ssyncset.done $0x0  }
0xbe: {  	s25 =	sand.u32 $0x380, s25;
	s24 =	sadd.s32 s6, s24;
	[sflag:s19] =	ssyncadd.s32 $0xFFFFFF80  }
0xbf: {  	[spmem:s1] =	stream.indirect.scatter.add.f32 [tilespmem:s14], [sflag:$0x6], $0x80, s11, s12, $0xb8;
	[tilespmem:$0x1F900] =	vst v63  }
.Ltmp1:
0xc0: {  	_ = 	snop;
	(pc) =	sbr.rel @p0 .LBB2_4-.Ltmp1, $4  }
0xc1: {  	s24 =	sor.u32 s25, s24;
	_ =	swait.ge [sflag:s15], $0x4000  }
0xc2: {  	s24 =	sshrl.u32 s24, $0x3;
	[sflag:s15] =	ssyncset.done $0x0  }
0xc3: {  	s23 =	sadd.s32 $0x100, s23;
	s24 =	sadd.s32 s5, s24;
	[sflag:s15] =	ssyncadd.s32 $0xFFFFC000  }
0xc4: {  	[tilespmem:s11], [sflag:$0x5] =	stream.linear.gather [hbm4b:s24+s3], $0x80, $0x38;
	[tilespmem:$0x1F900] =	vst v63  }
0xc5: {  	[tilespmem:s14], [sflag:$0x3] =	stream.indirect.gather [hbm4b:s4+s12], $0x80, s22, s12, $0xb8;
	[tilespmem:$0x1F900] =	vst v63  }
0xc6: {  	_ =	swait.ge [sflag:s16], $0x4000  }
0xc7: {  	[sflag:s16] =	ssyncset.done $0x0  }
0xc8: {  	[sflag:s16] =	ssyncadd.s32 $0xFFFFC000  }
0xc9: {  	_ =	swait.ge [sflag:s17], $0x80  }
0xca: {  	[sflag:s17] =	ssyncset.done $0x0  }
0xcb: {  	[sflag:s17] =	ssyncadd.s32 $0xFFFFFF80  }
0xcc: {  	[spmem:s1] =	stream.indirect.scatter.add.f32 [tilespmem:s13], [sflag:$0x6], $0x80, s9, s12, $0xb8;
	[tilespmem:$0x1F900] =	vst v63  }
0xcd: {  	_ =	swait.ge [sflag:s15], $0x4000  }
0xce: {  	[sflag:s15] =	ssyncset.done $0x0  }
0xcf: {  	[sflag:s15] =	ssyncadd.s32 $0xFFFFC000  }
0xd0: {  	_ =	swait.ge [sflag:s18], $0x4000  }
0xd1: {  	[sflag:s18] =	ssyncset.done $0x0  }
0xd2: {  	[sflag:s18] =	ssyncadd.s32 $0xFFFFC000  }
0xd3: {  	_ =	swait.ge [sflag:s19], $0x80  }
0xd4: {  	[sflag:s19] =	ssyncset.done $0x0  }
0xd5: {  	[sflag:s19] =	ssyncadd.s32 $0xFFFFFF80  }
0xd6: {  	[spmem:s1] =	stream.indirect.scatter.add.f32 [tilespmem:s14], [sflag:$0x6], $0x80, s11, s12, $0xb8;
	[tilespmem:$0x1F900] =	vst v63  }
0xd7: {  	_ =	swait.ge [sflag:s15], $0x4000  }
0xd8: {  	[sflag:s15] =	ssyncset.done $0x0  }
0xd9: {  	s21 =	stileid.u32;
	[sflag:s15] =	ssyncadd.s32 $0xFFFFC000  }
0xda: {  	s21 =	sshll.u32 s21, $0x6;
	[bflag:$0x0] =	sbarrier.arrive $0xFFFF  }
0xdb: {  	s25 =	sshrl.u32 s10, $0x3;
	s21 =	sor.u32 $0x1C06, s21;
	s23 =	rddreg [dreg:$0x6]  }
0xdc: {  	[hbm:s23], [sflag:s21] =	dma.local [spmem:s25], $0x2800  }
0xdd: {  	_ =	swait.ge [sflag:s15], $0x2800  }
0xde: {  	s20 =	sadd.s32 $0x1, s20;
	s26 =	rddreg [dreg:$0x7]  }
0xdf: {  	p0 =	sne.s32 s20, s26  }
.Ltmp2:
0xe0: {  	_ = 	snop;
	(pc) =	sbr.rel @p0 .LBB2_1-.Ltmp2, $3  }
0xe1: {  	_ =	sdelay $0x1  }
0xe2: {  	[sflag:s15] =	ssyncset.done $0x0  }
0xe3: {  	[sflag:s15] =	ssyncadd.s32 $0xFFFFD800  }
0xe4: {  	_ =	sfence.sel $0x180000  }
0xe5: {  	[bflag:$0x0] =	sbarrier.arrive $0xFFFF  }
0xe6: {  	_ =	strace $0x90000050  }
0xe7: {  	s0 =	stileid.u32;
	[bflag:$0x2] =	sbarrier.arrive $0xFFFF  }
0xe8: {  	p0 =	sne.s32 s0, $0x0;
	s0 =	rddreg [dreg:$0x2]  }
0xe9: {  	s0 =	sadd.s32 @!p0 $0x100000, s0  }
0xea: {  	[sflag:s0] =	ssyncadd.tile.s32 @!p0 $0x1;
	_ =	shalt  }
.Lfunc_end2:
_tile_overlayer_lowered:
.L_overlay_start_2:
0xeb: {  	(tag) =	ssettag $0x2  }
0xec: {  	s0 =	rddreg [dreg:$0x0];
	s2 =	stileid.u32  }
0xed: {  	s1 =	rddreg [dreg:$0x1];
	p0 =	sne.s32 s2, $0x0  }
0xee: {  	s3 =	rddreg [dreg:$0x2];
	[bflag:$0x3] =	sbarrier.arrive $0xFFFF;
	s2 =	simm.s32 @!p0 $0x1C06  }
0xef: {  	[timem:s3], [sflag:s2] =	dma.local @!p0 [hbm:s0], s1  }
0xf0: {  	s0 =	simm.s32 @!p0 $0x6  }
0xf1: {  	_ =	swait.ge @!p0 [sflag:s0], s1  }
0xf2: {  	s1 =	ssub.s32 @!p0 $0x0, s1;
	[sflag:s0] =	ssyncset.done @!p0 $0x0  }
0xf3: {  	[sflag:s0] =	ssyncadd.s32 @!p0 s1  }
0xf4: {  	[bflag:$0x3] =	sbarrier.arrive $0xFFFF  }
0xf5: {  	_ =	shalt  }

</sc_bundles>
